<compile_context>
chip_gen: v7x
topology: tpu7x:2x2x1
jax: 0.10.2.dev20260603
libtpu: 0.0.44.dev20260713+nightly
codegen_flags: <defaults>
</compile_context>

<pallas_src>
import jax
import jax.numpy as jnp
from jax import lax
from jax.experimental import pallas as pl
from jax.experimental.pallas import tpu as pltpu
from jax.experimental.pallas import tpu_sc as plsc

N_NODES = 10000
N_PAD = 10240
DUMMY = N_PAD
N_ACC = N_PAD + 16
D = 128
DH = D // 2
N_EDGES = 320000
NS = 16
CHUNK = 80
N_CHUNKS = 250
E_RAW = N_EDGES // NS
RAW_CHUNK = E_RAW // N_CHUNKS
NBUF = 2
ROWS_PER_TILE = N_PAD // NS
OCHUNK = 128
VECS = CHUNK // 16
N_CNT = N_PAD + 16


def _sc_body(z2_hbm, z4_hbm, src_hbm, dst_hbm, o_hbm, cst_hbm,
             src_v, dst_v, gb0, gb1,
             counts_v, cseg_v, rcp_v, obuf,
             acc_sh, gs0, gs1, ss0, ss1):
    c = lax.axis_index("c")
    s = lax.axis_index("s")
    gbufs = (gb0, gb1)
    gsems = (gs0, gs1)
    ssems = (ss0, ss1)
    ztab = z2_hbm.at[c]

    pltpu.sync_copy(src_hbm.at[s], src_v)
    pltpu.sync_copy(dst_hbm.at[s], dst_v)

    rows = pl.ds(s * ROWS_PER_TILE, ROWS_PER_TILE)
    zeros16 = jnp.zeros((16,), jnp.float32)
    ones16 = jnp.ones((16,), jnp.float32)
    one16i = jnp.ones((16,), jnp.int32)

    def zbody(i, _):
        counts_v[pl.ds(i * 16, 16)] = zeros16
        return 0

    lax.fori_loop(0, N_CNT // 16, zbody, 0)

    for half in range(2):
        cols = pl.ds(half * DH, DH)

        if half == 1:
            def ibody(i, _):
                for g in range(VECS):
                    lanes = pl.ds(g * 16, 16)
                    src_v[i, lanes] = src_v[i, lanes] + one16i
                return 0

            lax.fori_loop(0, N_CHUNKS, ibody, 0)

        pltpu.sync_copy(z4_hbm.at[c, half].at[rows], acc_sh.at[rows])

        def issue_gather(j, buf, sem):
            pltpu.async_copy(ztab.at[src_v.at[j]], buf, sem)

        issue_gather(0, gbufs[0], gsems[0])
        issue_gather(1, gbufs[1], gsems[1])

        plsc.subcore_barrier()

        def step(j, bb):
            buf, gsem, ssem = gbufs[bb], gsems[bb], ssems[bb]
            pltpu.make_async_copy(ztab.at[src_v.at[j]], buf, gsem).wait()
            dst_idx = dst_v.at[j]
            pltpu.async_copy(buf, acc_sh.at[dst_idx], ssem, add=True)
            if half == 0:
                for k in range(VECS):
                    idx16 = dst_v[j, pl.ds(k * 16, 16)]
                    plsc.addupdate_scatter(counts_v, [idx16], ones16)
            pltpu.make_async_copy(buf, acc_sh.at[dst_idx], ssem).wait()

            @pl.when(j < N_CHUNKS - NBUF)
            def _():
                issue_gather(j + NBUF, buf, gsem)

        def lbody(i, _):
            for bb in range(NBUF):
                step(NBUF * i + bb, bb)
            return 0

        with jax.named_scope(f"edges{half}"):
            lax.fori_loop(0, N_CHUNKS // NBUF, lbody, 0)

        if half == 0:
            pltpu.sync_copy(counts_v.at[pl.ds(0, N_PAD)], cst_hbm.at[c, s])
            plsc.subcore_barrier()
            ccols = pl.ds(s * ROWS_PER_TILE, ROWS_PER_TILE)
            pltpu.sync_copy(cst_hbm.at[c].at[:, ccols], cseg_v)

            def rbody(g, _):
                lanes = pl.ds(g * 16, 16)
                tot = ones16
                for t in range(NS):
                    tot = tot + cseg_v[t, lanes]
                rcp_v[lanes] = 1.0 / tot
                return 0

            with jax.named_scope("cntred"):
                lax.fori_loop(0, ROWS_PER_TILE // 16, rbody, 0)
        else:
            plsc.subcore_barrier()

        def obody(k, _):
            r0 = s * ROWS_PER_TILE + k * OCHUNK
            orows = pl.ds(r0, OCHUNK)
            pltpu.sync_copy(acc_sh.at[orows], obuf)

            def rowbody(g, _):
                scales = rcp_v[pl.ds(k * OCHUNK + g * 16, 16)]
                for t in range(16):
                    r = g * 16 + t
                    scale = jnp.full((16,), scales[t])
                    for q in range(DH // 16):
                        lanes = pl.ds(q * 16, 16)
                        obuf[r, lanes] = obuf[r, lanes] * scale
                return 0

            lax.fori_loop(0, OCHUNK // 16, rowbody, 0)
            pltpu.sync_copy(obuf, o_hbm.at[c].at[orows, cols])
            return 0

        with jax.named_scope(f"out{half}"):
            lax.fori_loop(0, ROWS_PER_TILE // OCHUNK, obody, 0)

        if half == 0:
            plsc.subcore_barrier()


def _run_sc(z2, z4, src3, dst3):
    mesh = plsc.VectorSubcoreMesh(
        core_axis_name="c", subcore_axis_name="s", num_cores=2,
        num_subcores=NS)

    out_type = (
        jax.ShapeDtypeStruct((2, N_PAD, D), jnp.float32),
        jax.ShapeDtypeStruct((2, NS, N_PAD), jnp.float32),
    )
    scratch = [
        pltpu.VMEM((N_CHUNKS, CHUNK), jnp.int32),
        pltpu.VMEM((N_CHUNKS, CHUNK), jnp.int32),
        pltpu.VMEM((CHUNK, DH), jnp.float32),
        pltpu.VMEM((CHUNK, DH), jnp.float32),
        pltpu.VMEM((N_CNT,), jnp.float32),
        pltpu.VMEM((NS, ROWS_PER_TILE), jnp.float32),
        pltpu.VMEM((ROWS_PER_TILE,), jnp.float32),
        pltpu.VMEM((OCHUNK, DH), jnp.float32),
        pltpu.VMEM_SHARED((N_ACC, DH), jnp.float32),
        pltpu.SemaphoreType.DMA,
        pltpu.SemaphoreType.DMA,
        pltpu.SemaphoreType.DMA,
        pltpu.SemaphoreType.DMA,
    ]

    fn = pl.kernel(_sc_body, out_type=out_type, mesh=mesh,
                   scratch_types=scratch,
                   compiler_params=pltpu.CompilerParams(
                       needs_layout_passes=False,
                       use_tc_tiling_on_sc=False))
    return fn(z2, z4, src3, dst3)


@jax.jit
def kernel(Z, edge_index):
    zr = jnp.pad(jnp.real(Z), ((0, N_PAD - N_NODES), (0, 0)))
    zi = jnp.pad(jnp.imag(Z), ((0, N_PAD - N_NODES), (0, 0)))
    z2 = jnp.stack([zr.reshape(2 * N_PAD, DH), zi.reshape(2 * N_PAD, DH)])
    z4 = jnp.stack([
        jnp.stack([zr[:, :DH], zr[:, DH:]]),
        jnp.stack([zi[:, :DH], zi[:, DH:]]),
    ])
    src3 = (edge_index[0] * 2).reshape(NS, N_CHUNKS, RAW_CHUNK)
    dst3 = edge_index[1].reshape(NS, N_CHUNKS, RAW_CHUNK)
    padw = ((0, 0), (0, 0), (0, CHUNK - RAW_CHUNK))
    src3 = jnp.pad(src3, padw)
    dump = (DUMMY + jnp.arange(NS, dtype=jnp.int32))[:, None, None]
    dump = jnp.broadcast_to(dump, (NS, N_CHUNKS, CHUNK - RAW_CHUNK))
    dst3 = jnp.concatenate([dst3, dump], axis=2)
    o, _cst = _run_sc(z2, z4, src3, dst3)
    return lax.complex(o[0, :N_NODES], o[1, :N_NODES])

# --- scband reference (transcript-rebuilt; emitter-appended) ---
"""Pipeline reference for scband-neighborhood-aggregation-8392366096430 (READ-ONLY COPY).

The authoritative reference and input builder live on the scoring server;
editing this copy changes nothing except your own understanding.
"""

import jax, jax.numpy as jnp
import numpy as np

N_NODES = 10000
N_EDGES = 320000
D = 128


def setup_inputs(seed: int = 0) -> dict:
    key = jax.random.key(seed)
    k1, k2, k3 = jax.random.split(key, 3)
    Z_real = jax.random.normal(k1, (N_NODES, D), dtype=jnp.float32)
    Z_imag = jax.random.normal(k2, (N_NODES, D), dtype=jnp.float32)
    Z = jax.lax.complex(Z_real, Z_imag)  # complex64, matches torch complex Z
    edge_index = jax.random.randint(k3, (2, N_EDGES), 0, N_NODES, dtype=jnp.int32)
    return {"Z": Z, "edge_index": edge_index}


def reference(Z, edge_index):
    # NeighborhoodAggregation(normalize=True, self_loop=True), edge_index path, unbatched Z
    n_nodes, d_complex = Z.shape
    src = edge_index[0]
    dst = edge_index[1]
    self_loops = jnp.arange(n_nodes, dtype=edge_index.dtype)
    src = jnp.concatenate([src, self_loops], axis=0)
    dst = jnp.concatenate([dst, self_loops], axis=0)
    Z_src_real = jnp.take(jnp.real(Z), src, axis=0)
    Z_src_imag = jnp.take(jnp.imag(Z), src, axis=0)
    A_real = jnp.zeros((n_nodes, d_complex), dtype=jnp.float32).at[dst].add(Z_src_real)
    A_imag = jnp.zeros((n_nodes, d_complex), dtype=jnp.float32).at[dst].add(Z_src_imag)
    # normalize=True: divide by in-degree (including self loop), clamped at 1
    counts = jnp.zeros((n_nodes,), dtype=jnp.float32).at[dst].add(jnp.ones((dst.shape[0],), dtype=jnp.float32))
    counts = jnp.clip(counts, 1.0, None)[:, None]
    A_real = A_real / counts
    A_imag = A_imag / counts
    return jax.lax.complex(A_real, A_imag)

if __name__ == "__main__":
    import jax
    _d = setup_inputs()
    print(jax.jit(kernel)(*tuple(_d.values())))

</pallas_src>

<mosaic_0001>
#map = affine_map<(d0, d1) -> (0, 0, 0)>
#map1 = affine_map<(d0, d1) -> (0, 0, 0, 0)>
module attributes {stable_mosaic.version = 14 : i64} {
  func.func @_sc_body(%arg0: i32, %arg1: i32, %arg2: memref<2x20480x64xf32, #tpu.memory_space<hbm>>, %arg3: memref<2x2x10240x64xf32, #tpu.memory_space<hbm>>, %arg4: memref<16x250x80xi32, #tpu.memory_space<hbm>>, %arg5: memref<16x250x80xi32, #tpu.memory_space<hbm>>, %arg6: memref<2x10240x128xf32, #tpu.memory_space<hbm>>, %arg7: memref<2x16x10240xf32, #tpu.memory_space<hbm>>, %arg8: memref<250x80xi32, #tpu.memory_space<vmem>>, %arg9: memref<250x80xi32, #tpu.memory_space<vmem>>, %arg10: memref<80x64xf32, #tpu.memory_space<vmem>>, %arg11: memref<80x64xf32, #tpu.memory_space<vmem>>, %arg12: memref<10256xf32, #tpu.memory_space<vmem>>, %arg13: memref<16x640xf32, #tpu.memory_space<vmem>>, %arg14: memref<640xf32, #tpu.memory_space<vmem>>, %arg15: memref<128x64xf32, #tpu.memory_space<vmem>>, %arg16: memref<10256x64xf32, #tpu.memory_space<vmem_shared>>, %arg17: memref<!tpu.dma_semaphore, #tpu.memory_space<semaphore_mem>>, %arg18: memref<!tpu.dma_semaphore, #tpu.memory_space<semaphore_mem>>, %arg19: memref<!tpu.dma_semaphore, #tpu.memory_space<semaphore_mem>>, %arg20: memref<!tpu.dma_semaphore, #tpu.memory_space<semaphore_mem>>) attributes {dimension_semantics = [#tpu.dimension_semantics<core_parallel>, #tpu.dimension_semantics<subcore_parallel>], iteration_bounds = array<i64: 2, 16>, scalar_prefetch = 0 : i64, scratch_operands = 13 : i64, tpu.core_type = #tpu.core_type<sc_vector_subcore>, window_params = [{transform_indices = #map}, {transform_indices = #map1}, {transform_indices = #map}, {transform_indices = #map}, {transform_indices = #map}, {transform_indices = #map}]} {
    "tpu.region"() ({
      %run_scoped3A_104 = tpu.sem_alloc : memref<!tpu.dma_semaphore, #tpu.memory_space<semaphore_mem>>
      %dma_start3A_105 = arith.constant 0 : i32
      %dma_start3A_106 = arith.constant 0 : i32
      %dma_start3A_107 = tpu.memref_slice %arg4[%arg1, %dma_start3A_105, %dma_start3A_106] : memref<16x250x80xi32, #tpu.memory_space<hbm>> -> memref<1x250x80xi32, #tpu.memory_space<hbm>>
      %dma_start3A_108 = tpu.memref_squeeze %dma_start3A_107 : memref<1x250x80xi32, #tpu.memory_space<hbm>> -> memref<250x80xi32, #tpu.memory_space<hbm>>
      %dma_start3A_109 = arith.constant 0 : i32
      %dma_start3A_110 = arith.constant 0 : i32
      %dma_start3A_111 = tpu.memref_slice %arg4[%arg1, %dma_start3A_109, %dma_start3A_110] : memref<16x250x80xi32, #tpu.memory_space<hbm>> -> memref<1x250x80xi32, #tpu.memory_space<hbm>>
      %dma_start3A_112 = tpu.memref_squeeze %dma_start3A_111 : memref<1x250x80xi32, #tpu.memory_space<hbm>> -> memref<250x80xi32, #tpu.memory_space<hbm>>
      tpu.enqueue_dma source(%dma_start3A_112 : memref<250x80xi32, #tpu.memory_space<hbm>>) target(%arg8 : memref<250x80xi32, #tpu.memory_space<vmem>>) target_semaphore(%run_scoped3A_104 : memref<!tpu.dma_semaphore, #tpu.memory_space<semaphore_mem>>)
      %dma_wait3A = arith.constant 0 : i32
      %dma_wait3A_113 = arith.constant 0 : i32
      %dma_wait3A_114 = tpu.memref_slice %arg4[%arg1, %dma_wait3A, %dma_wait3A_113] : memref<16x250x80xi32, #tpu.memory_space<hbm>> -> memref<1x250x80xi32, #tpu.memory_space<hbm>>
      %dma_wait3A_115 = tpu.memref_squeeze %dma_wait3A_114 : memref<1x250x80xi32, #tpu.memory_space<hbm>> -> memref<250x80xi32, #tpu.memory_space<hbm>>
      %dma_wait3A_116 = arith.constant 0 : i32
      %dma_wait3A_117 = arith.constant 0 : i32
      %dma_wait3A_118 = tpu.memref_slice %arg4[%arg1, %dma_wait3A_116, %dma_wait3A_117] : memref<16x250x80xi32, #tpu.memory_space<hbm>> -> memref<1x250x80xi32, #tpu.memory_space<hbm>>
      %dma_wait3A_119 = tpu.memref_squeeze %dma_wait3A_118 : memref<1x250x80xi32, #tpu.memory_space<hbm>> -> memref<250x80xi32, #tpu.memory_space<hbm>>
      tpu.wait_dma2 semaphore(%run_scoped3A_104 : memref<!tpu.dma_semaphore, #tpu.memory_space<semaphore_mem>>) src(%dma_wait3A_119 : memref<250x80xi32, #tpu.memory_space<hbm>>) dst(%arg8 : memref<250x80xi32, #tpu.memory_space<vmem>>)
      tpu.yield
    }) : () -> ()
    "tpu.region"() ({
      %run_scoped3A_104 = tpu.sem_alloc : memref<!tpu.dma_semaphore, #tpu.memory_space<semaphore_mem>>
      %dma_start3A_105 = arith.constant 0 : i32
      %dma_start3A_106 = arith.constant 0 : i32
      %dma_start3A_107 = tpu.memref_slice %arg5[%arg1, %dma_start3A_105, %dma_start3A_106] : memref<16x250x80xi32, #tpu.memory_space<hbm>> -> memref<1x250x80xi32, #tpu.memory_space<hbm>>
      %dma_start3A_108 = tpu.memref_squeeze %dma_start3A_107 : memref<1x250x80xi32, #tpu.memory_space<hbm>> -> memref<250x80xi32, #tpu.memory_space<hbm>>
      %dma_start3A_109 = arith.constant 0 : i32
      %dma_start3A_110 = arith.constant 0 : i32
      %dma_start3A_111 = tpu.memref_slice %arg5[%arg1, %dma_start3A_109, %dma_start3A_110] : memref<16x250x80xi32, #tpu.memory_space<hbm>> -> memref<1x250x80xi32, #tpu.memory_space<hbm>>
      %dma_start3A_112 = tpu.memref_squeeze %dma_start3A_111 : memref<1x250x80xi32, #tpu.memory_space<hbm>> -> memref<250x80xi32, #tpu.memory_space<hbm>>
      tpu.enqueue_dma source(%dma_start3A_112 : memref<250x80xi32, #tpu.memory_space<hbm>>) target(%arg9 : memref<250x80xi32, #tpu.memory_space<vmem>>) target_semaphore(%run_scoped3A_104 : memref<!tpu.dma_semaphore, #tpu.memory_space<semaphore_mem>>)
      %dma_wait3A = arith.constant 0 : i32
      %dma_wait3A_113 = arith.constant 0 : i32
      %dma_wait3A_114 = tpu.memref_slice %arg5[%arg1, %dma_wait3A, %dma_wait3A_113] : memref<16x250x80xi32, #tpu.memory_space<hbm>> -> memref<1x250x80xi32, #tpu.memory_space<hbm>>
      %dma_wait3A_115 = tpu.memref_squeeze %dma_wait3A_114 : memref<1x250x80xi32, #tpu.memory_space<hbm>> -> memref<250x80xi32, #tpu.memory_space<hbm>>
      %dma_wait3A_116 = arith.constant 0 : i32
      %dma_wait3A_117 = arith.constant 0 : i32
      %dma_wait3A_118 = tpu.memref_slice %arg5[%arg1, %dma_wait3A_116, %dma_wait3A_117] : memref<16x250x80xi32, #tpu.memory_space<hbm>> -> memref<1x250x80xi32, #tpu.memory_space<hbm>>
      %dma_wait3A_119 = tpu.memref_squeeze %dma_wait3A_118 : memref<1x250x80xi32, #tpu.memory_space<hbm>> -> memref<250x80xi32, #tpu.memory_space<hbm>>
      tpu.wait_dma2 semaphore(%run_scoped3A_104 : memref<!tpu.dma_semaphore, #tpu.memory_space<semaphore_mem>>) src(%dma_wait3A_119 : memref<250x80xi32, #tpu.memory_space<hbm>>) dst(%arg9 : memref<250x80xi32, #tpu.memory_space<vmem>>)
      tpu.yield
    }) : () -> ()
    %mul3A = arith.constant 640 : i32
    %mul3A_0 = arith.muli %arg1, %mul3A : i32
    %broadcast_in_dim3A = arith.constant 0.000000e+00 : f32
    %broadcast_in_dim3A_1 = vector.broadcast %broadcast_in_dim3A : f32 to vector<16xf32>
    %broadcast_in_dim3A_2 = arith.constant 1.000000e+00 : f32
    %broadcast_in_dim3A_3 = vector.broadcast %broadcast_in_dim3A_2 : f32 to vector<16xf32>
    %broadcast_in_dim3A_4 = arith.constant 1 : i32
    %broadcast_in_dim3A_5 = vector.broadcast %broadcast_in_dim3A_4 : i32 to vector<16xi32>
    %scan3A = arith.constant 0 : i32
    %scan3A_6 = arith.constant 0 : i32
    %scan3A_7 = arith.constant 641 : i32
    %scan3A_8 = arith.addi %scan3A_6, %scan3A_7 : i32
    %scan3A_9 = arith.constant 1 : i32
    %scan3A_10 = scf.for %scan3A_104 = %scan3A_6 to %scan3A_8 step %scan3A_9 iter_args(%scan3A_105 = %scan3A) -> (i32)  : i32 {
      %mul3A_106 = arith.constant 16 : i32
      %mul3A_107 = arith.muli %scan3A_104, %mul3A_106 : i32
      %swap3A = arith.index_cast %mul3A_107 : i32 to index
      %swap3A_108 = tpu.vector_load %arg12[%swap3A] {strides = array<i32>} : memref<10256xf32, #tpu.memory_space<vmem>>, vector<16xf32>,
      tpu.vector_store %arg12[%swap3A], %broadcast_in_dim3A_1 {strides = array<i32>} : memref<10256xf32, #tpu.memory_space<vmem>>, vector<16xf32>,
      %scan3A_109 = arith.constant 0 : i32
      scf.yield %scan3A_109 : i32
    }
    %scan3A_11 = arith.constant 641 : i32
    %run_scoped3A = arith.constant 0 : i32
    "tpu.region"() ({
      %run_scoped3A_104 = tpu.sem_alloc : memref<!tpu.dma_semaphore, #tpu.memory_space<semaphore_mem>>
      %dma_start3A_105 = arith.constant 0 : i32
      %dma_start3A_106 = tpu.memref_slice %arg16[%mul3A_0, %dma_start3A_105] : memref<10256x64xf32, #tpu.memory_space<vmem_shared>> -> memref<640x64xf32, #tpu.memory_space<vmem_shared>>
      %dma_start3A_107 = arith.constant 0 : i32
      %dma_start3A_108 = arith.constant 0 : i32
      %dma_start3A_109 = tpu.memref_slice %arg3[%arg0, %run_scoped3A, %dma_start3A_107, %dma_start3A_108] : memref<2x2x10240x64xf32, #tpu.memory_space<hbm>> -> memref<1x1x10240x64xf32, #tpu.memory_space<hbm>>
      %dma_start3A_110 = tpu.memref_squeeze %dma_start3A_109 : memref<1x1x10240x64xf32, #tpu.memory_space<hbm>> -> memref<10240x64xf32, #tpu.memory_space<hbm>>
      %dma_start3A_111 = arith.constant 0 : i32
      %dma_start3A_112 = tpu.memref_slice %dma_start3A_110[%mul3A_0, %dma_start3A_111] : memref<10240x64xf32, #tpu.memory_space<hbm>> -> memref<640x64xf32, #tpu.memory_space<hbm>>
      tpu.enqueue_dma source(%dma_start3A_112 : memref<640x64xf32, #tpu.memory_space<hbm>>) target(%dma_start3A_106 : memref<640x64xf32, #tpu.memory_space<vmem_shared>>) target_semaphore(%run_scoped3A_104 : memref<!tpu.dma_semaphore, #tpu.memory_space<semaphore_mem>>)
      %dma_wait3A = arith.constant 0 : i32
      %dma_wait3A_113 = tpu.memref_slice %arg16[%mul3A_0, %dma_wait3A] : memref<10256x64xf32, #tpu.memory_space<vmem_shared>> -> memref<640x64xf32, #tpu.memory_space<vmem_shared>>
      %dma_wait3A_114 = arith.constant 0 : i32
      %dma_wait3A_115 = arith.constant 0 : i32
      %dma_wait3A_116 = tpu.memref_slice %arg3[%arg0, %run_scoped3A, %dma_wait3A_114, %dma_wait3A_115] : memref<2x2x10240x64xf32, #tpu.memory_space<hbm>> -> memref<1x1x10240x64xf32, #tpu.memory_space<hbm>>
      %dma_wait3A_117 = tpu.memref_squeeze %dma_wait3A_116 : memref<1x1x10240x64xf32, #tpu.memory_space<hbm>> -> memref<10240x64xf32, #tpu.memory_space<hbm>>
      %dma_wait3A_118 = arith.constant 0 : i32
      %dma_wait3A_119 = tpu.memref_slice %dma_wait3A_117[%mul3A_0, %dma_wait3A_118] : memref<10240x64xf32, #tpu.memory_space<hbm>> -> memref<640x64xf32, #tpu.memory_space<hbm>>
      tpu.wait_dma2 semaphore(%run_scoped3A_104 : memref<!tpu.dma_semaphore, #tpu.memory_space<semaphore_mem>>) src(%dma_wait3A_119 : memref<640x64xf32, #tpu.memory_space<hbm>>) dst(%dma_wait3A_113 : memref<640x64xf32, #tpu.memory_space<vmem_shared>>)
      tpu.yield
    }) : () -> ()
    %dma_start3A = arith.constant 0 : i32
    %dma_start3A_12 = arith.constant 0 : i32
    %dma_start3A_13 = tpu.memref_slice %arg8[%dma_start3A, %dma_start3A_12] : memref<250x80xi32, #tpu.memory_space<vmem>> -> memref<1x80xi32, #tpu.memory_space<vmem>>
    %dma_start3A_14 = tpu.memref_squeeze %dma_start3A_13 : memref<1x80xi32, #tpu.memory_space<vmem>> -> memref<80xi32, #tpu.memory_space<vmem>>
    %dma_start3A_15 = arith.constant 0 : i32
    %dma_start3A_16 = arith.constant 0 : i32
    %dma_start3A_17 = tpu.memref_slice %arg2[%arg0, %dma_start3A_15, %dma_start3A_16] : memref<2x20480x64xf32, #tpu.memory_space<hbm>> -> memref<1x20480x64xf32, #tpu.memory_space<hbm>>
    %dma_start3A_18 = tpu.memref_squeeze %dma_start3A_17 : memref<1x20480x64xf32, #tpu.memory_space<hbm>> -> memref<20480x64xf32, #tpu.memory_space<hbm>>
    %dma_start3A_19 = arith.constant 0 : i32
    %dma_start3A_20 = arith.constant 0 : i32
    %dma_start3A_21 = tpu.memref_slice %dma_start3A_18[%dma_start3A_19, %dma_start3A_20] : memref<20480x64xf32, #tpu.memory_space<hbm>> -> memref<20480x64xf32, #tpu.memory_space<hbm>>
    tpu.enqueue_indirect_dma source(%dma_start3A_21 : memref<20480x64xf32, #tpu.memory_space<hbm>>) target(%arg10 : memref<80x64xf32, #tpu.memory_space<vmem>>) offsets(%dma_start3A_14 : memref<80xi32, #tpu.memory_space<vmem>>) semaphore(%arg17 : memref<!tpu.dma_semaphore, #tpu.memory_space<semaphore_mem>>)
    %dma_start3A_22 = arith.constant 1 : i32
    %dma_start3A_23 = arith.constant 0 : i32
    %dma_start3A_24 = tpu.memref_slice %arg8[%dma_start3A_22, %dma_start3A_23] : memref<250x80xi32, #tpu.memory_space<vmem>> -> memref<1x80xi32, #tpu.memory_space<vmem>>
    %dma_start3A_25 = tpu.memref_squeeze %dma_start3A_24 : memref<1x80xi32, #tpu.memory_space<vmem>> -> memref<80xi32, #tpu.memory_space<vmem>>
    %dma_start3A_26 = arith.constant 0 : i32
    %dma_start3A_27 = arith.constant 0 : i32
    %dma_start3A_28 = tpu.memref_slice %arg2[%arg0, %dma_start3A_26, %dma_start3A_27] : memref<2x20480x64xf32, #tpu.memory_space<hbm>> -> memref<1x20480x64xf32, #tpu.memory_space<hbm>>
    %dma_start3A_29 = tpu.memref_squeeze %dma_start3A_28 : memref<1x20480x64xf32, #tpu.memory_space<hbm>> -> memref<20480x64xf32, #tpu.memory_space<hbm>>
    %dma_start3A_30 = arith.constant 0 : i32
    %dma_start3A_31 = arith.constant 0 : i32
    %dma_start3A_32 = tpu.memref_slice %dma_start3A_29[%dma_start3A_30, %dma_start3A_31] : memref<20480x64xf32, #tpu.memory_space<hbm>> -> memref<20480x64xf32, #tpu.memory_space<hbm>>
    tpu.enqueue_indirect_dma source(%dma_start3A_32 : memref<20480x64xf32, #tpu.memory_space<hbm>>) target(%arg11 : memref<80x64xf32, #tpu.memory_space<vmem>>) offsets(%dma_start3A_25 : memref<80xi32, #tpu.memory_space<vmem>>) semaphore(%arg18 : memref<!tpu.dma_semaphore, #tpu.memory_space<semaphore_mem>>)
    %barrier3A = arith.constant 0 : index
    tpu.barrier barrier_id(%barrier3A)
    "tpu.trace_start"() <{level = 10 : i32, message = "edges0"}> : () -> ()
    %scan3A_33 = arith.constant 0 : i32
    %scan3A_34 = arith.constant 0 : i32
    %scan3A_35 = arith.constant 125 : i32
    %scan3A_36 = arith.addi %scan3A_34, %scan3A_35 : i32
    %scan3A_37 = arith.constant 1 : i32
    %scan3A_38 = scf.for %scan3A_104 = %scan3A_34 to %scan3A_36 step %scan3A_37 iter_args(%scan3A_105 = %scan3A_33) -> (i32)  : i32 {
      %mul3A_106 = arith.constant 2 : i32
      %mul3A_107 = arith.muli %mul3A_106, %scan3A_104 : i32
      %add3A = arith.constant 0 : i32
      %add3A_108 = arith.addi %mul3A_107, %add3A : i32
      %dma_wait3A = arith.constant 0 : i32
      %dma_wait3A_109 = tpu.memref_slice %arg8[%add3A_108, %dma_wait3A] : memref<250x80xi32, #tpu.memory_space<vmem>> -> memref<1x80xi32, #tpu.memory_space<vmem>>
      %dma_wait3A_110 = tpu.memref_squeeze %dma_wait3A_109 : memref<1x80xi32, #tpu.memory_space<vmem>> -> memref<80xi32, #tpu.memory_space<vmem>>
      %dma_wait3A_111 = arith.constant 0 : i32
      %dma_wait3A_112 = arith.constant 0 : i32
      %dma_wait3A_113 = tpu.memref_slice %arg2[%arg0, %dma_wait3A_111, %dma_wait3A_112] : memref<2x20480x64xf32, #tpu.memory_space<hbm>> -> memref<1x20480x64xf32, #tpu.memory_space<hbm>>
      %dma_wait3A_114 = tpu.memref_squeeze %dma_wait3A_113 : memref<1x20480x64xf32, #tpu.memory_space<hbm>> -> memref<20480x64xf32, #tpu.memory_space<hbm>>
      %dma_wait3A_115 = arith.constant 0 : i32
      %dma_wait3A_116 = arith.constant 0 : i32
      %dma_wait3A_117 = tpu.memref_slice %dma_wait3A_114[%dma_wait3A_115, %dma_wait3A_116] : memref<20480x64xf32, #tpu.memory_space<hbm>> -> memref<20480x64xf32, #tpu.memory_space<hbm>>
      tpu.wait_indirect_dma semaphore(%arg17 : memref<!tpu.dma_semaphore, #tpu.memory_space<semaphore_mem>>) src(%dma_wait3A_117 : memref<20480x64xf32, #tpu.memory_space<hbm>>) dst(%arg10 : memref<80x64xf32, #tpu.memory_space<vmem>>)
      %dma_start3A_118 = arith.constant 0 : i32
      %dma_start3A_119 = tpu.memref_slice %arg9[%add3A_108, %dma_start3A_118] : memref<250x80xi32, #tpu.memory_space<vmem>> -> memref<1x80xi32, #tpu.memory_space<vmem>>
      %dma_start3A_120 = tpu.memref_squeeze %dma_start3A_119 : memref<1x80xi32, #tpu.memory_space<vmem>> -> memref<80xi32, #tpu.memory_space<vmem>>
      %dma_start3A_121 = arith.constant 0 : i32
      %dma_start3A_122 = arith.constant 0 : i32
      %dma_start3A_123 = tpu.memref_slice %arg16[%dma_start3A_121, %dma_start3A_122] : memref<10256x64xf32, #tpu.memory_space<vmem_shared>> -> memref<10256x64xf32, #tpu.memory_space<vmem_shared>>
      tpu.enqueue_indirect_dma source(%arg10 : memref<80x64xf32, #tpu.memory_space<vmem>>) target(%dma_start3A_123 : memref<10256x64xf32, #tpu.memory_space<vmem_shared>>) offsets(%dma_start3A_120 : memref<80xi32, #tpu.memory_space<vmem>>) semaphore(%arg19 : memref<!tpu.dma_semaphore, #tpu.memory_space<semaphore_mem>>) {add = true}
      %get3A = arith.index_cast %add3A_108 : i32 to index
      %get3A_124 = arith.constant 0 : index
      %get3A_125 = tpu.vector_load %arg9[%get3A, %get3A_124] {strides = array<i32>} : memref<250x80xi32, #tpu.memory_space<vmem>>, vector<16xi32>,
      tpu.vector_store_idx %arg12[%get3A_125], %broadcast_in_dim3A_3 {add = true} : memref<10256xf32, #tpu.memory_space<vmem>>[vector<16xi32>], vector<16xf32>,
      %get3A_126 = arith.index_cast %add3A_108 : i32 to index
      %get3A_127 = arith.constant 16 : index
      %get3A_128 = tpu.vector_load %arg9[%get3A_126, %get3A_127] {strides = array<i32>} : memref<250x80xi32, #tpu.memory_space<vmem>>, vector<16xi32>,
      tpu.vector_store_idx %arg12[%get3A_128], %broadcast_in_dim3A_3 {add = true} : memref<10256xf32, #tpu.memory_space<vmem>>[vector<16xi32>], vector<16xf32>,
      %get3A_129 = arith.index_cast %add3A_108 : i32 to index
      %get3A_130 = arith.constant 32 : index
      %get3A_131 = tpu.vector_load %arg9[%get3A_129, %get3A_130] {strides = array<i32>} : memref<250x80xi32, #tpu.memory_space<vmem>>, vector<16xi32>,
      tpu.vector_store_idx %arg12[%get3A_131], %broadcast_in_dim3A_3 {add = true} : memref<10256xf32, #tpu.memory_space<vmem>>[vector<16xi32>], vector<16xf32>,
      %get3A_132 = arith.index_cast %add3A_108 : i32 to index
      %get3A_133 = arith.constant 48 : index
      %get3A_134 = tpu.vector_load %arg9[%get3A_132, %get3A_133] {strides = array<i32>} : memref<250x80xi32, #tpu.memory_space<vmem>>, vector<16xi32>,
      tpu.vector_store_idx %arg12[%get3A_134], %broadcast_in_dim3A_3 {add = true} : memref<10256xf32, #tpu.memory_space<vmem>>[vector<16xi32>], vector<16xf32>,
      %get3A_135 = arith.index_cast %add3A_108 : i32 to index
      %get3A_136 = arith.constant 64 : index
      %get3A_137 = tpu.vector_load %arg9[%get3A_135, %get3A_136] {strides = array<i32>} : memref<250x80xi32, #tpu.memory_space<vmem>>, vector<16xi32>,
      tpu.vector_store_idx %arg12[%get3A_137], %broadcast_in_dim3A_3 {add = true} : memref<10256xf32, #tpu.memory_space<vmem>>[vector<16xi32>], vector<16xf32>,
      %dma_wait3A_138 = arith.constant 0 : i32
      %dma_wait3A_139 = tpu.memref_slice %arg9[%add3A_108, %dma_wait3A_138] : memref<250x80xi32, #tpu.memory_space<vmem>> -> memref<1x80xi32, #tpu.memory_space<vmem>>
      %dma_wait3A_140 = tpu.memref_squeeze %dma_wait3A_139 : memref<1x80xi32, #tpu.memory_space<vmem>> -> memref<80xi32, #tpu.memory_space<vmem>>
      %dma_wait3A_141 = arith.constant 0 : i32
      %dma_wait3A_142 = arith.constant 0 : i32
      %dma_wait3A_143 = tpu.memref_slice %arg16[%dma_wait3A_141, %dma_wait3A_142] : memref<10256x64xf32, #tpu.memory_space<vmem_shared>> -> memref<10256x64xf32, #tpu.memory_space<vmem_shared>>
      tpu.wait_indirect_dma semaphore(%arg19 : memref<!tpu.dma_semaphore, #tpu.memory_space<semaphore_mem>>) src(%arg10 : memref<80x64xf32, #tpu.memory_space<vmem>>) dst(%dma_wait3A_143 : memref<10256x64xf32, #tpu.memory_space<vmem_shared>>)
      %lt3A = arith.constant 248 : i32
      %lt3A_144 = arith.cmpi slt, %add3A_108, %lt3A : i32
      %convert_element_type3A = arith.extui %lt3A_144 : i1 to i32
      %cond3A = arith.constant 0 : i32
      %cond3A_145 = arith.cmpi ne, %convert_element_type3A, %cond3A : i32
      scf.if %cond3A_145 {
        %add3A_193 = arith.constant 2 : i32
        %add3A_194 = arith.addi %add3A_108, %add3A_193 : i32
        %dma_start3A_195 = arith.constant 0 : i32
        %dma_start3A_196 = tpu.memref_slice %arg8[%add3A_194, %dma_start3A_195] : memref<250x80xi32, #tpu.memory_space<vmem>> -> memref<1x80xi32, #tpu.memory_space<vmem>>
        %dma_start3A_197 = tpu.memref_squeeze %dma_start3A_196 : memref<1x80xi32, #tpu.memory_space<vmem>> -> memref<80xi32, #tpu.memory_space<vmem>>
        %dma_start3A_198 = arith.constant 0 : i32
        %dma_start3A_199 = arith.constant 0 : i32
        %dma_start3A_200 = tpu.memref_slice %arg2[%arg0, %dma_start3A_198, %dma_start3A_199] : memref<2x20480x64xf32, #tpu.memory_space<hbm>> -> memref<1x20480x64xf32, #tpu.memory_space<hbm>>
        %dma_start3A_201 = tpu.memref_squeeze %dma_start3A_200 : memref<1x20480x64xf32, #tpu.memory_space<hbm>> -> memref<20480x64xf32, #tpu.memory_space<hbm>>
        %dma_start3A_202 = arith.constant 0 : i32
        %dma_start3A_203 = arith.constant 0 : i32
        %dma_start3A_204 = tpu.memref_slice %dma_start3A_201[%dma_start3A_202, %dma_start3A_203] : memref<20480x64xf32, #tpu.memory_space<hbm>> -> memref<20480x64xf32, #tpu.memory_space<hbm>>
        tpu.enqueue_indirect_dma source(%dma_start3A_204 : memref<20480x64xf32, #tpu.memory_space<hbm>>) target(%arg10 : memref<80x64xf32, #tpu.memory_space<vmem>>) offsets(%dma_start3A_197 : memref<80xi32, #tpu.memory_space<vmem>>) semaphore(%arg17 : memref<!tpu.dma_semaphore, #tpu.memory_space<semaphore_mem>>)
      } else {
      }
      %mul3A_146 = arith.constant 2 : i32
      %mul3A_147 = arith.muli %mul3A_146, %scan3A_104 : i32
      %add3A_148 = arith.constant 1 : i32
      %add3A_149 = arith.addi %mul3A_147, %add3A_148 : i32
      %dma_wait3A_150 = arith.constant 0 : i32
      %dma_wait3A_151 = tpu.memref_slice %arg8[%add3A_149, %dma_wait3A_150] : memref<250x80xi32, #tpu.memory_space<vmem>> -> memref<1x80xi32, #tpu.memory_space<vmem>>
      %dma_wait3A_152 = tpu.memref_squeeze %dma_wait3A_151 : memref<1x80xi32, #tpu.memory_space<vmem>> -> memref<80xi32, #tpu.memory_space<vmem>>
      %dma_wait3A_153 = arith.constant 0 : i32
      %dma_wait3A_154 = arith.constant 0 : i32
      %dma_wait3A_155 = tpu.memref_slice %arg2[%arg0, %dma_wait3A_153, %dma_wait3A_154] : memref<2x20480x64xf32, #tpu.memory_space<hbm>> -> memref<1x20480x64xf32, #tpu.memory_space<hbm>>
      %dma_wait3A_156 = tpu.memref_squeeze %dma_wait3A_155 : memref<1x20480x64xf32, #tpu.memory_space<hbm>> -> memref<20480x64xf32, #tpu.memory_space<hbm>>
      %dma_wait3A_157 = arith.constant 0 : i32
      %dma_wait3A_158 = arith.constant 0 : i32
      %dma_wait3A_159 = tpu.memref_slice %dma_wait3A_156[%dma_wait3A_157, %dma_wait3A_158] : memref<20480x64xf32, #tpu.memory_space<hbm>> -> memref<20480x64xf32, #tpu.memory_space<hbm>>
      tpu.wait_indirect_dma semaphore(%arg18 : memref<!tpu.dma_semaphore, #tpu.memory_space<semaphore_mem>>) src(%dma_wait3A_159 : memref<20480x64xf32, #tpu.memory_space<hbm>>) dst(%arg11 : memref<80x64xf32, #tpu.memory_space<vmem>>)
      %dma_start3A_160 = arith.constant 0 : i32
      %dma_start3A_161 = tpu.memref_slice %arg9[%add3A_149, %dma_start3A_160] : memref<250x80xi32, #tpu.memory_space<vmem>> -> memref<1x80xi32, #tpu.memory_space<vmem>>
      %dma_start3A_162 = tpu.memref_squeeze %dma_start3A_161 : memref<1x80xi32, #tpu.memory_space<vmem>> -> memref<80xi32, #tpu.memory_space<vmem>>
      %dma_start3A_163 = arith.constant 0 : i32
      %dma_start3A_164 = arith.constant 0 : i32
      %dma_start3A_165 = tpu.memref_slice %arg16[%dma_start3A_163, %dma_start3A_164] : memref<10256x64xf32, #tpu.memory_space<vmem_shared>> -> memref<10256x64xf32, #tpu.memory_space<vmem_shared>>
      tpu.enqueue_indirect_dma source(%arg11 : memref<80x64xf32, #tpu.memory_space<vmem>>) target(%dma_start3A_165 : memref<10256x64xf32, #tpu.memory_space<vmem_shared>>) offsets(%dma_start3A_162 : memref<80xi32, #tpu.memory_space<vmem>>) semaphore(%arg20 : memref<!tpu.dma_semaphore, #tpu.memory_space<semaphore_mem>>) {add = true}
      %get3A_166 = arith.index_cast %add3A_149 : i32 to index
      %get3A_167 = arith.constant 0 : index
      %get3A_168 = tpu.vector_load %arg9[%get3A_166, %get3A_167] {strides = array<i32>} : memref<250x80xi32, #tpu.memory_space<vmem>>, vector<16xi32>,
      tpu.vector_store_idx %arg12[%get3A_168], %broadcast_in_dim3A_3 {add = true} : memref<10256xf32, #tpu.memory_space<vmem>>[vector<16xi32>], vector<16xf32>,
      %get3A_169 = arith.index_cast %add3A_149 : i32 to index
      %get3A_170 = arith.constant 16 : index
      %get3A_171 = tpu.vector_load %arg9[%get3A_169, %get3A_170] {strides = array<i32>} : memref<250x80xi32, #tpu.memory_space<vmem>>, vector<16xi32>,
      tpu.vector_store_idx %arg12[%get3A_171], %broadcast_in_dim3A_3 {add = true} : memref<10256xf32, #tpu.memory_space<vmem>>[vector<16xi32>], vector<16xf32>,
      %get3A_172 = arith.index_cast %add3A_149 : i32 to index
      %get3A_173 = arith.constant 32 : index
      %get3A_174 = tpu.vector_load %arg9[%get3A_172, %get3A_173] {strides = array<i32>} : memref<250x80xi32, #tpu.memory_space<vmem>>, vector<16xi32>,
      tpu.vector_store_idx %arg12[%get3A_174], %broadcast_in_dim3A_3 {add = true} : memref<10256xf32, #tpu.memory_space<vmem>>[vector<16xi32>], vector<16xf32>,
      %get3A_175 = arith.index_cast %add3A_149 : i32 to index
      %get3A_176 = arith.constant 48 : index
      %get3A_177 = tpu.vector_load %arg9[%get3A_175, %get3A_176] {strides = array<i32>} : memref<250x80xi32, #tpu.memory_space<vmem>>, vector<16xi32>,
      tpu.vector_store_idx %arg12[%get3A_177], %broadcast_in_dim3A_3 {add = true} : memref<10256xf32, #tpu.memory_space<vmem>>[vector<16xi32>], vector<16xf32>,
      %get3A_178 = arith.index_cast %add3A_149 : i32 to index
      %get3A_179 = arith.constant 64 : index
      %get3A_180 = tpu.vector_load %arg9[%get3A_178, %get3A_179] {strides = array<i32>} : memref<250x80xi32, #tpu.memory_space<vmem>>, vector<16xi32>,
      tpu.vector_store_idx %arg12[%get3A_180], %broadcast_in_dim3A_3 {add = true} : memref<10256xf32, #tpu.memory_space<vmem>>[vector<16xi32>], vector<16xf32>,
      %dma_wait3A_181 = arith.constant 0 : i32
      %dma_wait3A_182 = tpu.memref_slice %arg9[%add3A_149, %dma_wait3A_181] : memref<250x80xi32, #tpu.memory_space<vmem>> -> memref<1x80xi32, #tpu.memory_space<vmem>>
      %dma_wait3A_183 = tpu.memref_squeeze %dma_wait3A_182 : memref<1x80xi32, #tpu.memory_space<vmem>> -> memref<80xi32, #tpu.memory_space<vmem>>
      %dma_wait3A_184 = arith.constant 0 : i32
      %dma_wait3A_185 = arith.constant 0 : i32
      %dma_wait3A_186 = tpu.memref_slice %arg16[%dma_wait3A_184, %dma_wait3A_185] : memref<10256x64xf32, #tpu.memory_space<vmem_shared>> -> memref<10256x64xf32, #tpu.memory_space<vmem_shared>>
      tpu.wait_indirect_dma semaphore(%arg20 : memref<!tpu.dma_semaphore, #tpu.memory_space<semaphore_mem>>) src(%arg11 : memref<80x64xf32, #tpu.memory_space<vmem>>) dst(%dma_wait3A_186 : memref<10256x64xf32, #tpu.memory_space<vmem_shared>>)
      %lt3A_187 = arith.constant 248 : i32
      %lt3A_188 = arith.cmpi slt, %add3A_149, %lt3A_187 : i32
      %convert_element_type3A_189 = arith.extui %lt3A_188 : i1 to i32
      %cond3A_190 = arith.constant 0 : i32
      %cond3A_191 = arith.cmpi ne, %convert_element_type3A_189, %cond3A_190 : i32
      scf.if %cond3A_191 {
        %add3A_193 = arith.constant 2 : i32
        %add3A_194 = arith.addi %add3A_149, %add3A_193 : i32
        %dma_start3A_195 = arith.constant 0 : i32
        %dma_start3A_196 = tpu.memref_slice %arg8[%add3A_194, %dma_start3A_195] : memref<250x80xi32, #tpu.memory_space<vmem>> -> memref<1x80xi32, #tpu.memory_space<vmem>>
        %dma_start3A_197 = tpu.memref_squeeze %dma_start3A_196 : memref<1x80xi32, #tpu.memory_space<vmem>> -> memref<80xi32, #tpu.memory_space<vmem>>
        %dma_start3A_198 = arith.constant 0 : i32
        %dma_start3A_199 = arith.constant 0 : i32
        %dma_start3A_200 = tpu.memref_slice %arg2[%arg0, %dma_start3A_198, %dma_start3A_199] : memref<2x20480x64xf32, #tpu.memory_space<hbm>> -> memref<1x20480x64xf32, #tpu.memory_space<hbm>>
        %dma_start3A_201 = tpu.memref_squeeze %dma_start3A_200 : memref<1x20480x64xf32, #tpu.memory_space<hbm>> -> memref<20480x64xf32, #tpu.memory_space<hbm>>
        %dma_start3A_202 = arith.constant 0 : i32
        %dma_start3A_203 = arith.constant 0 : i32
        %dma_start3A_204 = tpu.memref_slice %dma_start3A_201[%dma_start3A_202, %dma_start3A_203] : memref<20480x64xf32, #tpu.memory_space<hbm>> -> memref<20480x64xf32, #tpu.memory_space<hbm>>
        tpu.enqueue_indirect_dma source(%dma_start3A_204 : memref<20480x64xf32, #tpu.memory_space<hbm>>) target(%arg11 : memref<80x64xf32, #tpu.memory_space<vmem>>) offsets(%dma_start3A_197 : memref<80xi32, #tpu.memory_space<vmem>>) semaphore(%arg18 : memref<!tpu.dma_semaphore, #tpu.memory_space<semaphore_mem>>)
      } else {
      }
      %scan3A_192 = arith.constant 0 : i32
      scf.yield %scan3A_192 : i32
    }
    %scan3A_39 = arith.constant 125 : i32
    "tpu.trace_stop"() : () -> ()
    "tpu.region"() ({
      %run_scoped3A_104 = tpu.sem_alloc : memref<!tpu.dma_semaphore, #tpu.memory_space<semaphore_mem>>
      %dma_start3A_105 = arith.constant 0 : i32
      %dma_start3A_106 = tpu.memref_slice %arg12[%dma_start3A_105] : memref<10256xf32, #tpu.memory_space<vmem>> -> memref<10240xf32, #tpu.memory_space<vmem>>
      %dma_start3A_107 = arith.constant 0 : i32
      %dma_start3A_108 = tpu.memref_slice %arg7[%arg0, %arg1, %dma_start3A_107] : memref<2x16x10240xf32, #tpu.memory_space<hbm>> -> memref<1x1x10240xf32, #tpu.memory_space<hbm>>
      %dma_start3A_109 = tpu.memref_squeeze %dma_start3A_108 : memref<1x1x10240xf32, #tpu.memory_space<hbm>> -> memref<10240xf32, #tpu.memory_space<hbm>>
      %dma_start3A_110 = arith.constant 0 : i32
      %dma_start3A_111 = tpu.memref_slice %arg7[%arg0, %arg1, %dma_start3A_110] : memref<2x16x10240xf32, #tpu.memory_space<hbm>> -> memref<1x1x10240xf32, #tpu.memory_space<hbm>>
      %dma_start3A_112 = tpu.memref_squeeze %dma_start3A_111 : memref<1x1x10240xf32, #tpu.memory_space<hbm>> -> memref<10240xf32, #tpu.memory_space<hbm>>
      %dma_start3A_113 = arith.constant 0 : i32
      %dma_start3A_114 = tpu.memref_slice %arg12[%dma_start3A_113] : memref<10256xf32, #tpu.memory_space<vmem>> -> memref<10240xf32, #tpu.memory_space<vmem>>
      tpu.enqueue_dma source(%dma_start3A_114 : memref<10240xf32, #tpu.memory_space<vmem>>) target(%dma_start3A_112 : memref<10240xf32, #tpu.memory_space<hbm>>) target_semaphore(%run_scoped3A_104 : memref<!tpu.dma_semaphore, #tpu.memory_space<semaphore_mem>>)
      %dma_wait3A = arith.constant 0 : i32
      %dma_wait3A_115 = tpu.memref_slice %arg12[%dma_wait3A] : memref<10256xf32, #tpu.memory_space<vmem>> -> memref<10240xf32, #tpu.memory_space<vmem>>
      %dma_wait3A_116 = arith.constant 0 : i32
      %dma_wait3A_117 = tpu.memref_slice %arg7[%arg0, %arg1, %dma_wait3A_116] : memref<2x16x10240xf32, #tpu.memory_space<hbm>> -> memref<1x1x10240xf32, #tpu.memory_space<hbm>>
      %dma_wait3A_118 = tpu.memref_squeeze %dma_wait3A_117 : memref<1x1x10240xf32, #tpu.memory_space<hbm>> -> memref<10240xf32, #tpu.memory_space<hbm>>
      %dma_wait3A_119 = arith.constant 0 : i32
      %dma_wait3A_120 = tpu.memref_slice %arg7[%arg0, %arg1, %dma_wait3A_119] : memref<2x16x10240xf32, #tpu.memory_space<hbm>> -> memref<1x1x10240xf32, #tpu.memory_space<hbm>>
      %dma_wait3A_121 = tpu.memref_squeeze %dma_wait3A_120 : memref<1x1x10240xf32, #tpu.memory_space<hbm>> -> memref<10240xf32, #tpu.memory_space<hbm>>
      %dma_wait3A_122 = arith.constant 0 : i32
      %dma_wait3A_123 = tpu.memref_slice %arg12[%dma_wait3A_122] : memref<10256xf32, #tpu.memory_space<vmem>> -> memref<10240xf32, #tpu.memory_space<vmem>>
      tpu.wait_dma2 semaphore(%run_scoped3A_104 : memref<!tpu.dma_semaphore, #tpu.memory_space<semaphore_mem>>) src(%dma_wait3A_123 : memref<10240xf32, #tpu.memory_space<vmem>>) dst(%dma_wait3A_121 : memref<10240xf32, #tpu.memory_space<hbm>>)
      tpu.yield
    }) : () -> ()
    %barrier3A_40 = arith.constant 0 : index
    tpu.barrier barrier_id(%barrier3A_40)
    %mul3A_41 = arith.constant 640 : i32
    %mul3A_42 = arith.muli %arg1, %mul3A_41 : i32
    "tpu.region"() ({
      %run_scoped3A_104 = tpu.sem_alloc : memref<!tpu.dma_semaphore, #tpu.memory_space<semaphore_mem>>
      %dma_start3A_105 = arith.constant 0 : i32
      %dma_start3A_106 = arith.constant 0 : i32
      %dma_start3A_107 = tpu.memref_slice %arg7[%arg0, %dma_start3A_105, %dma_start3A_106] : memref<2x16x10240xf32, #tpu.memory_space<hbm>> -> memref<1x16x10240xf32, #tpu.memory_space<hbm>>
      %dma_start3A_108 = tpu.memref_squeeze %dma_start3A_107 : memref<1x16x10240xf32, #tpu.memory_space<hbm>> -> memref<16x10240xf32, #tpu.memory_space<hbm>>
      %dma_start3A_109 = arith.constant 0 : i32
      %dma_start3A_110 = tpu.memref_slice %dma_start3A_108[%dma_start3A_109, %mul3A_42] : memref<16x10240xf32, #tpu.memory_space<hbm>> -> memref<16x640xf32, #tpu.memory_space<hbm>>
      %dma_start3A_111 = arith.constant 0 : i32
      %dma_start3A_112 = arith.constant 0 : i32
      %dma_start3A_113 = tpu.memref_slice %arg7[%arg0, %dma_start3A_111, %dma_start3A_112] : memref<2x16x10240xf32, #tpu.memory_space<hbm>> -> memref<1x16x10240xf32, #tpu.memory_space<hbm>>
      %dma_start3A_114 = tpu.memref_squeeze %dma_start3A_113 : memref<1x16x10240xf32, #tpu.memory_space<hbm>> -> memref<16x10240xf32, #tpu.memory_space<hbm>>
      %dma_start3A_115 = arith.constant 0 : i32
      %dma_start3A_116 = tpu.memref_slice %dma_start3A_114[%dma_start3A_115, %mul3A_42] : memref<16x10240xf32, #tpu.memory_space<hbm>> -> memref<16x640xf32, #tpu.memory_space<hbm>>
      tpu.enqueue_dma source(%dma_start3A_116 : memref<16x640xf32, #tpu.memory_space<hbm>>) target(%arg13 : memref<16x640xf32, #tpu.memory_space<vmem>>) target_semaphore(%run_scoped3A_104 : memref<!tpu.dma_semaphore, #tpu.memory_space<semaphore_mem>>)
      %dma_wait3A = arith.constant 0 : i32
      %dma_wait3A_117 = arith.constant 0 : i32
      %dma_wait3A_118 = tpu.memref_slice %arg7[%arg0, %dma_wait3A, %dma_wait3A_117] : memref<2x16x10240xf32, #tpu.memory_space<hbm>> -> memref<1x16x10240xf32, #tpu.memory_space<hbm>>
      %dma_wait3A_119 = tpu.memref_squeeze %dma_wait3A_118 : memref<1x16x10240xf32, #tpu.memory_space<hbm>> -> memref<16x10240xf32, #tpu.memory_space<hbm>>
      %dma_wait3A_120 = arith.constant 0 : i32
      %dma_wait3A_121 = tpu.memref_slice %dma_wait3A_119[%dma_wait3A_120, %mul3A_42] : memref<16x10240xf32, #tpu.memory_space<hbm>> -> memref<16x640xf32, #tpu.memory_space<hbm>>
      %dma_wait3A_122 = arith.constant 0 : i32
      %dma_wait3A_123 = arith.constant 0 : i32
      %dma_wait3A_124 = tpu.memref_slice %arg7[%arg0, %dma_wait3A_122, %dma_wait3A_123] : memref<2x16x10240xf32, #tpu.memory_space<hbm>> -> memref<1x16x10240xf32, #tpu.memory_space<hbm>>
      %dma_wait3A_125 = tpu.memref_squeeze %dma_wait3A_124 : memref<1x16x10240xf32, #tpu.memory_space<hbm>> -> memref<16x10240xf32, #tpu.memory_space<hbm>>
      %dma_wait3A_126 = arith.constant 0 : i32
      %dma_wait3A_127 = tpu.memref_slice %dma_wait3A_125[%dma_wait3A_126, %mul3A_42] : memref<16x10240xf32, #tpu.memory_space<hbm>> -> memref<16x640xf32, #tpu.memory_space<hbm>>
      tpu.wait_dma2 semaphore(%run_scoped3A_104 : memref<!tpu.dma_semaphore, #tpu.memory_space<semaphore_mem>>) src(%dma_wait3A_127 : memref<16x640xf32, #tpu.memory_space<hbm>>) dst(%arg13 : memref<16x640xf32, #tpu.memory_space<vmem>>)
      tpu.yield
    }) : () -> ()
    "tpu.trace_start"() <{level = 10 : i32, message = "cntred"}> : () -> ()
    %scan3A_43 = arith.constant 0 : i32
    %scan3A_44 = arith.constant 0 : i32
    %scan3A_45 = arith.constant 40 : i32
    %scan3A_46 = arith.addi %scan3A_44, %scan3A_45 : i32
    %scan3A_47 = arith.constant 1 : i32
    %scan3A_48 = scf.for %scan3A_104 = %scan3A_44 to %scan3A_46 step %scan3A_47 iter_args(%scan3A_105 = %scan3A_43) -> (i32)  : i32 {
      %mul3A_106 = arith.constant 16 : i32
      %mul3A_107 = arith.muli %scan3A_104, %mul3A_106 : i32
      %get3A = arith.constant 0 : i32
      %get3A_108 = arith.index_cast %get3A : i32 to index
      %get3A_109 = arith.index_cast %mul3A_107 : i32 to index
      %get3A_110 = tpu.vector_load %arg13[%get3A_108, %get3A_109] {strides = array<i32>} : memref<16x640xf32, #tpu.memory_space<vmem>>, vector<16xf32>,
      %add3A = arith.addf %broadcast_in_dim3A_3, %get3A_110 : vector<16xf32>
      %get3A_111 = arith.constant 1 : i32
      %get3A_112 = arith.index_cast %get3A_111 : i32 to index
      %get3A_113 = arith.index_cast %mul3A_107 : i32 to index
      %get3A_114 = tpu.vector_load %arg13[%get3A_112, %get3A_113] {strides = array<i32>} : memref<16x640xf32, #tpu.memory_space<vmem>>, vector<16xf32>,
      %add3A_115 = arith.addf %add3A, %get3A_114 : vector<16xf32>
      %get3A_116 = arith.constant 2 : i32
      %get3A_117 = arith.index_cast %get3A_116 : i32 to index
      %get3A_118 = arith.index_cast %mul3A_107 : i32 to index
      %get3A_119 = tpu.vector_load %arg13[%get3A_117, %get3A_118] {strides = array<i32>} : memref<16x640xf32, #tpu.memory_space<vmem>>, vector<16xf32>,
      %add3A_120 = arith.addf %add3A_115, %get3A_119 : vector<16xf32>
      %get3A_121 = arith.constant 3 : i32
      %get3A_122 = arith.index_cast %get3A_121 : i32 to index
      %get3A_123 = arith.index_cast %mul3A_107 : i32 to index
      %get3A_124 = tpu.vector_load %arg13[%get3A_122, %get3A_123] {strides = array<i32>} : memref<16x640xf32, #tpu.memory_space<vmem>>, vector<16xf32>,
      %add3A_125 = arith.addf %add3A_120, %get3A_124 : vector<16xf32>
      %get3A_126 = arith.constant 4 : i32
      %get3A_127 = arith.index_cast %get3A_126 : i32 to index
      %get3A_128 = arith.index_cast %mul3A_107 : i32 to index
      %get3A_129 = tpu.vector_load %arg13[%get3A_127, %get3A_128] {strides = array<i32>} : memref<16x640xf32, #tpu.memory_space<vmem>>, vector<16xf32>,
      %add3A_130 = arith.addf %add3A_125, %get3A_129 : vector<16xf32>
      %get3A_131 = arith.constant 5 : i32
      %get3A_132 = arith.index_cast %get3A_131 : i32 to index
      %get3A_133 = arith.index_cast %mul3A_107 : i32 to index
      %get3A_134 = tpu.vector_load %arg13[%get3A_132, %get3A_133] {strides = array<i32>} : memref<16x640xf32, #tpu.memory_space<vmem>>, vector<16xf32>,
      %add3A_135 = arith.addf %add3A_130, %get3A_134 : vector<16xf32>
      %get3A_136 = arith.constant 6 : i32
      %get3A_137 = arith.index_cast %get3A_136 : i32 to index
      %get3A_138 = arith.index_cast %mul3A_107 : i32 to index
      %get3A_139 = tpu.vector_load %arg13[%get3A_137, %get3A_138] {strides = array<i32>} : memref<16x640xf32, #tpu.memory_space<vmem>>, vector<16xf32>,
      %add3A_140 = arith.addf %add3A_135, %get3A_139 : vector<16xf32>
      %get3A_141 = arith.constant 7 : i32
      %get3A_142 = arith.index_cast %get3A_141 : i32 to index
      %get3A_143 = arith.index_cast %mul3A_107 : i32 to index
      %get3A_144 = tpu.vector_load %arg13[%get3A_142, %get3A_143] {strides = array<i32>} : memref<16x640xf32, #tpu.memory_space<vmem>>, vector<16xf32>,
      %add3A_145 = arith.addf %add3A_140, %get3A_144 : vector<16xf32>
      %get3A_146 = arith.constant 8 : i32
      %get3A_147 = arith.index_cast %get3A_146 : i32 to index
      %get3A_148 = arith.index_cast %mul3A_107 : i32 to index
      %get3A_149 = tpu.vector_load %arg13[%get3A_147, %get3A_148] {strides = array<i32>} : memref<16x640xf32, #tpu.memory_space<vmem>>, vector<16xf32>,
      %add3A_150 = arith.addf %add3A_145, %get3A_149 : vector<16xf32>
      %get3A_151 = arith.constant 9 : i32
      %get3A_152 = arith.index_cast %get3A_151 : i32 to index
      %get3A_153 = arith.index_cast %mul3A_107 : i32 to index
      %get3A_154 = tpu.vector_load %arg13[%get3A_152, %get3A_153] {strides = array<i32>} : memref<16x640xf32, #tpu.memory_space<vmem>>, vector<16xf32>,
      %add3A_155 = arith.addf %add3A_150, %get3A_154 : vector<16xf32>
      %get3A_156 = arith.constant 10 : i32
      %get3A_157 = arith.index_cast %get3A_156 : i32 to index
      %get3A_158 = arith.index_cast %mul3A_107 : i32 to index
      %get3A_159 = tpu.vector_load %arg13[%get3A_157, %get3A_158] {strides = array<i32>} : memref<16x640xf32, #tpu.memory_space<vmem>>, vector<16xf32>,
      %add3A_160 = arith.addf %add3A_155, %get3A_159 : vector<16xf32>
      %get3A_161 = arith.constant 11 : i32
      %get3A_162 = arith.index_cast %get3A_161 : i32 to index
      %get3A_163 = arith.index_cast %mul3A_107 : i32 to index
      %get3A_164 = tpu.vector_load %arg13[%get3A_162, %get3A_163] {strides = array<i32>} : memref<16x640xf32, #tpu.memory_space<vmem>>, vector<16xf32>,
      %add3A_165 = arith.addf %add3A_160, %get3A_164 : vector<16xf32>
      %get3A_166 = arith.constant 12 : i32
      %get3A_167 = arith.index_cast %get3A_166 : i32 to index
      %get3A_168 = arith.index_cast %mul3A_107 : i32 to index
      %get3A_169 = tpu.vector_load %arg13[%get3A_167, %get3A_168] {strides = array<i32>} : memref<16x640xf32, #tpu.memory_space<vmem>>, vector<16xf32>,
      %add3A_170 = arith.addf %add3A_165, %get3A_169 : vector<16xf32>
      %get3A_171 = arith.constant 13 : i32
      %get3A_172 = arith.index_cast %get3A_171 : i32 to index
      %get3A_173 = arith.index_cast %mul3A_107 : i32 to index
      %get3A_174 = tpu.vector_load %arg13[%get3A_172, %get3A_173] {strides = array<i32>} : memref<16x640xf32, #tpu.memory_space<vmem>>, vector<16xf32>,
      %add3A_175 = arith.addf %add3A_170, %get3A_174 : vector<16xf32>
      %get3A_176 = arith.constant 14 : i32
      %get3A_177 = arith.index_cast %get3A_176 : i32 to index
      %get3A_178 = arith.index_cast %mul3A_107 : i32 to index
      %get3A_179 = tpu.vector_load %arg13[%get3A_177, %get3A_178] {strides = array<i32>} : memref<16x640xf32, #tpu.memory_space<vmem>>, vector<16xf32>,
      %add3A_180 = arith.addf %add3A_175, %get3A_179 : vector<16xf32>
      %get3A_181 = arith.constant 15 : i32
      %get3A_182 = arith.index_cast %get3A_181 : i32 to index
      %get3A_183 = arith.index_cast %mul3A_107 : i32 to index
      %get3A_184 = tpu.vector_load %arg13[%get3A_182, %get3A_183] {strides = array<i32>} : memref<16x640xf32, #tpu.memory_space<vmem>>, vector<16xf32>,
      %add3A_185 = arith.addf %add3A_180, %get3A_184 : vector<16xf32>
      %div3A = arith.constant 1.000000e+00 : f32
      %div3A_186 = vector.broadcast %div3A : f32 to vector<16xf32>
      %div3A_187 = arith.divf %div3A_186, %add3A_185 : vector<16xf32>
      %swap3A = arith.index_cast %mul3A_107 : i32 to index
      %swap3A_188 = tpu.vector_load %arg14[%swap3A] {strides = array<i32>} : memref<640xf32, #tpu.memory_space<vmem>>, vector<16xf32>,
      tpu.vector_store %arg14[%swap3A], %div3A_187 {strides = array<i32>} : memref<640xf32, #tpu.memory_space<vmem>>, vector<16xf32>,
      %scan3A_189 = arith.constant 0 : i32
      scf.yield %scan3A_189 : i32
    }
    %scan3A_49 = arith.constant 40 : i32
    "tpu.trace_stop"() : () -> ()
    "tpu.trace_start"() <{level = 10 : i32, message = "out0"}> : () -> ()
    %scan3A_50 = arith.constant 0 : i32
    %scan3A_51 = arith.constant 0 : i32
    %scan3A_52 = arith.constant 5 : i32
    %scan3A_53 = arith.addi %scan3A_51, %scan3A_52 : i32
    %scan3A_54 = arith.constant 1 : i32
    %scan3A_55 = scf.for %scan3A_104 = %scan3A_51 to %scan3A_53 step %scan3A_54 iter_args(%scan3A_105 = %scan3A_50) -> (i32)  : i32 {
      %mul3A_106 = arith.constant 640 : i32
      %mul3A_107 = arith.muli %arg1, %mul3A_106 : i32
      %mul3A_108 = arith.constant 128 : i32
      %mul3A_109 = arith.muli %scan3A_104, %mul3A_108 : i32
      %add3A = arith.addi %mul3A_107, %mul3A_109 : i32
      "tpu.region"() ({
        %run_scoped3A_118 = tpu.sem_alloc : memref<!tpu.dma_semaphore, #tpu.memory_space<semaphore_mem>>
        %dma_start3A_119 = arith.constant 0 : i32
        %dma_start3A_120 = tpu.memref_slice %arg16[%add3A, %dma_start3A_119] : memref<10256x64xf32, #tpu.memory_space<vmem_shared>> -> memref<128x64xf32, #tpu.memory_space<vmem_shared>>
        %dma_start3A_121 = arith.constant 0 : i32
        %dma_start3A_122 = tpu.memref_slice %arg16[%add3A, %dma_start3A_121] : memref<10256x64xf32, #tpu.memory_space<vmem_shared>> -> memref<128x64xf32, #tpu.memory_space<vmem_shared>>
        tpu.enqueue_dma source(%dma_start3A_122 : memref<128x64xf32, #tpu.memory_space<vmem_shared>>) target(%arg15 : memref<128x64xf32, #tpu.memory_space<vmem>>) target_semaphore(%run_scoped3A_118 : memref<!tpu.dma_semaphore, #tpu.memory_space<semaphore_mem>>)
        %dma_wait3A = arith.constant 0 : i32
        %dma_wait3A_123 = tpu.memref_slice %arg16[%add3A, %dma_wait3A] : memref<10256x64xf32, #tpu.memory_space<vmem_shared>> -> memref<128x64xf32, #tpu.memory_space<vmem_shared>>
        %dma_wait3A_124 = arith.constant 0 : i32
        %dma_wait3A_125 = tpu.memref_slice %arg16[%add3A, %dma_wait3A_124] : memref<10256x64xf32, #tpu.memory_space<vmem_shared>> -> memref<128x64xf32, #tpu.memory_space<vmem_shared>>
        tpu.wait_dma2 semaphore(%run_scoped3A_118 : memref<!tpu.dma_semaphore, #tpu.memory_space<semaphore_mem>>) src(%dma_wait3A_125 : memref<128x64xf32, #tpu.memory_space<vmem_shared>>) dst(%arg15 : memref<128x64xf32, #tpu.memory_space<vmem>>)
        tpu.yield
      }) : () -> ()
      %scan3A_110 = arith.constant 0 : i32
      %scan3A_111 = arith.constant 0 : i32
      %scan3A_112 = arith.constant 8 : i32
      %scan3A_113 = arith.addi %scan3A_111, %scan3A_112 : i32
      %scan3A_114 = arith.constant 1 : i32
      %scan3A_115 = scf.for %scan3A_118 = %scan3A_111 to %scan3A_113 step %scan3A_114 iter_args(%scan3A_119 = %scan3A_110) -> (i32)  : i32 {
        %mul3A_120 = arith.constant 128 : i32
        %mul3A_121 = arith.muli %scan3A_104, %mul3A_120 : i32
        %mul3A_122 = arith.constant 16 : i32
        %mul3A_123 = arith.muli %scan3A_118, %mul3A_122 : i32
        %add3A_124 = arith.addi %mul3A_121, %mul3A_123 : i32
        %get3A = arith.index_cast %add3A_124 : i32 to index
        %get3A_125 = tpu.vector_load %arg14[%get3A] {strides = array<i32>} : memref<640xf32, #tpu.memory_space<vmem>>, vector<16xf32>,
        %mul3A_126 = arith.constant 16 : i32
        %mul3A_127 = arith.muli %scan3A_118, %mul3A_126 : i32
        %add3A_128 = arith.constant 0 : i32
        %add3A_129 = arith.addi %mul3A_127, %add3A_128 : i32
        %slice3A = vector.extract_strided_slice %get3A_125 {offsets = [0], sizes = [1], strides = [1]} : vector<16xf32> to vector<1xf32>
        %squeeze3A = vector.extract %slice3A[0] : f32 from vector<1xf32>
        %broadcast_in_dim3A_130 = vector.broadcast %squeeze3A : f32 to vector<16xf32>
        %get3A_131 = arith.index_cast %add3A_129 : i32 to index
        %get3A_132 = arith.constant 0 : index
        %get3A_133 = tpu.vector_load %arg15[%get3A_131, %get3A_132] {strides = array<i32>} : memref<128x64xf32, #tpu.memory_space<vmem>>, vector<16xf32>,
        %mul3A_134 = arith.mulf %get3A_133, %broadcast_in_dim3A_130 : vector<16xf32>
        %swap3A = arith.index_cast %add3A_129 : i32 to index
        %swap3A_135 = arith.constant 0 : index
        %swap3A_136 = tpu.vector_load %arg15[%swap3A, %swap3A_135] {strides = array<i32>} : memref<128x64xf32, #tpu.memory_space<vmem>>, vector<16xf32>,
        tpu.vector_store %arg15[%swap3A, %swap3A_135], %mul3A_134 {strides = array<i32>} : memref<128x64xf32, #tpu.memory_space<vmem>>, vector<16xf32>,
        %get3A_137 = arith.index_cast %add3A_129 : i32 to index
        %get3A_138 = arith.constant 16 : index
        %get3A_139 = tpu.vector_load %arg15[%get3A_137, %get3A_138] {strides = array<i32>} : memref<128x64xf32, #tpu.memory_space<vmem>>, vector<16xf32>,
        %mul3A_140 = arith.mulf %get3A_139, %broadcast_in_dim3A_130 : vector<16xf32>
        %swap3A_141 = arith.index_cast %add3A_129 : i32 to index
        %swap3A_142 = arith.constant 16 : index
        %swap3A_143 = tpu.vector_load %arg15[%swap3A_141, %swap3A_142] {strides = array<i32>} : memref<128x64xf32, #tpu.memory_space<vmem>>, vector<16xf32>,
        tpu.vector_store %arg15[%swap3A_141, %swap3A_142], %mul3A_140 {strides = array<i32>} : memref<128x64xf32, #tpu.memory_space<vmem>>, vector<16xf32>,
        %get3A_144 = arith.index_cast %add3A_129 : i32 to index
        %get3A_145 = arith.constant 32 : index
        %get3A_146 = tpu.vector_load %arg15[%get3A_144, %get3A_145] {strides = array<i32>} : memref<128x64xf32, #tpu.memory_space<vmem>>, vector<16xf32>,
        %mul3A_147 = arith.mulf %get3A_146, %broadcast_in_dim3A_130 : vector<16xf32>
        %swap3A_148 = arith.index_cast %add3A_129 : i32 to index
        %swap3A_149 = arith.constant 32 : index
        %swap3A_150 = tpu.vector_load %arg15[%swap3A_148, %swap3A_149] {strides = array<i32>} : memref<128x64xf32, #tpu.memory_space<vmem>>, vector<16xf32>,
        tpu.vector_store %arg15[%swap3A_148, %swap3A_149], %mul3A_147 {strides = array<i32>} : memref<128x64xf32, #tpu.memory_space<vmem>>, vector<16xf32>,
        %get3A_151 = arith.index_cast %add3A_129 : i32 to index
        %get3A_152 = arith.constant 48 : index
        %get3A_153 = tpu.vector_load %arg15[%get3A_151, %get3A_152] {strides = array<i32>} : memref<128x64xf32, #tpu.memory_space<vmem>>, vector<16xf32>,
        %mul3A_154 = arith.mulf %get3A_153, %broadcast_in_dim3A_130 : vector<16xf32>
        %swap3A_155 = arith.index_cast %add3A_129 : i32 to index
        %swap3A_156 = arith.constant 48 : index
        %swap3A_157 = tpu.vector_load %arg15[%swap3A_155, %swap3A_156] {strides = array<i32>} : memref<128x64xf32, #tpu.memory_space<vmem>>, vector<16xf32>,
        tpu.vector_store %arg15[%swap3A_155, %swap3A_156], %mul3A_154 {strides = array<i32>} : memref<128x64xf32, #tpu.memory_space<vmem>>, vector<16xf32>,
        %mul3A_158 = arith.constant 16 : i32
        %mul3A_159 = arith.muli %scan3A_118, %mul3A_158 : i32
        %add3A_160 = arith.constant 1 : i32
        %add3A_161 = arith.addi %mul3A_159, %add3A_160 : i32
        %slice3A_162 = vector.extract_strided_slice %get3A_125 {offsets = [1], sizes = [1], strides = [1]} : vector<16xf32> to vector<1xf32>
        %squeeze3A_163 = vector.extract %slice3A_162[0] : f32 from vector<1xf32>
        %broadcast_in_dim3A_164 = vector.broadcast %squeeze3A_163 : f32 to vector<16xf32>
        %get3A_165 = arith.index_cast %add3A_161 : i32 to index
        %get3A_166 = arith.constant 0 : index
        %get3A_167 = tpu.vector_load %arg15[%get3A_165, %get3A_166] {strides = array<i32>} : memref<128x64xf32, #tpu.memory_space<vmem>>, vector<16xf32>,
        %mul3A_168 = arith.mulf %get3A_167, %broadcast_in_dim3A_164 : vector<16xf32>
        %swap3A_169 = arith.index_cast %add3A_161 : i32 to index
        %swap3A_170 = arith.constant 0 : index
        %swap3A_171 = tpu.vector_load %arg15[%swap3A_169, %swap3A_170] {strides = array<i32>} : memref<128x64xf32, #tpu.memory_space<vmem>>, vector<16xf32>,
        tpu.vector_store %arg15[%swap3A_169, %swap3A_170], %mul3A_168 {strides = array<i32>} : memref<128x64xf32, #tpu.memory_space<vmem>>, vector<16xf32>,
        %get3A_172 = arith.index_cast %add3A_161 : i32 to index
        %get3A_173 = arith.constant 16 : index
        %get3A_174 = tpu.vector_load %arg15[%get3A_172, %get3A_173] {strides = array<i32>} : memref<128x64xf32, #tpu.memory_space<vmem>>, vector<16xf32>,
        %mul3A_175 = arith.mulf %get3A_174, %broadcast_in_dim3A_164 : vector<16xf32>
        %swap3A_176 = arith.index_cast %add3A_161 : i32 to index
        %swap3A_177 = arith.constant 16 : index
        %swap3A_178 = tpu.vector_load %arg15[%swap3A_176, %swap3A_177] {strides = array<i32>} : memref<128x64xf32, #tpu.memory_space<vmem>>, vector<16xf32>,
        tpu.vector_store %arg15[%swap3A_176, %swap3A_177], %mul3A_175 {strides = array<i32>} : memref<128x64xf32, #tpu.memory_space<vmem>>, vector<16xf32>,
        %get3A_179 = arith.index_cast %add3A_161 : i32 to index
        %get3A_180 = arith.constant 32 : index
        %get3A_181 = tpu.vector_load %arg15[%get3A_179, %get3A_180] {strides = array<i32>} : memref<128x64xf32, #tpu.memory_space<vmem>>, vector<16xf32>,
        %mul3A_182 = arith.mulf %get3A_181, %broadcast_in_dim3A_164 : vector<16xf32>
        %swap3A_183 = arith.index_cast %add3A_161 : i32 to index
        %swap3A_184 = arith.constant 32 : index
        %swap3A_185 = tpu.vector_load %arg15[%swap3A_183, %swap3A_184] {strides = array<i32>} : memref<128x64xf32, #tpu.memory_space<vmem>>, vector<16xf32>,
        tpu.vector_store %arg15[%swap3A_183, %swap3A_184], %mul3A_182 {strides = array<i32>} : memref<128x64xf32, #tpu.memory_space<vmem>>, vector<16xf32>,
        %get3A_186 = arith.index_cast %add3A_161 : i32 to index
        %get3A_187 = arith.constant 48 : index
        %get3A_188 = tpu.vector_load %arg15[%get3A_186, %get3A_187] {strides = array<i32>} : memref<128x64xf32, #tpu.memory_space<vmem>>, vector<16xf32>,
        %mul3A_189 = arith.mulf %get3A_188, %broadcast_in_dim3A_164 : vector<16xf32>
        %swap3A_190 = arith.index_cast %add3A_161 : i32 to index
        %swap3A_191 = arith.constant 48 : index
        %swap3A_192 = tpu.vector_load %arg15[%swap3A_190, %swap3A_191] {strides = array<i32>} : memref<128x64xf32, #tpu.memory_space<vmem>>, vector<16xf32>,
        tpu.vector_store %arg15[%swap3A_190, %swap3A_191], %mul3A_189 {strides = array<i32>} : memref<128x64xf32, #tpu.memory_space<vmem>>, vector<16xf32>,
        %mul3A_193 = arith.constant 16 : i32
        %mul3A_194 = arith.muli %scan3A_118, %mul3A_193 : i32
        %add3A_195 = arith.constant 2 : i32
        %add3A_196 = arith.addi %mul3A_194, %add3A_195 : i32
        %slice3A_197 = vector.extract_strided_slice %get3A_125 {offsets = [2], sizes = [1], strides = [1]} : vector<16xf32> to vector<1xf32>
        %squeeze3A_198 = vector.extract %slice3A_197[0] : f32 from vector<1xf32>
        %broadcast_in_dim3A_199 = vector.broadcast %squeeze3A_198 : f32 to vector<16xf32>
        %get3A_200 = arith.index_cast %add3A_196 : i32 to index
        %get3A_201 = arith.constant 0 : index
        %get3A_202 = tpu.vector_load %arg15[%get3A_200, %get3A_201] {strides = array<i32>} : memref<128x64xf32, #tpu.memory_space<vmem>>, vector<16xf32>,
        %mul3A_203 = arith.mulf %get3A_202, %broadcast_in_dim3A_199 : vector<16xf32>
        %swap3A_204 = arith.index_cast %add3A_196 : i32 to index
        %swap3A_205 = arith.constant 0 : index
        %swap3A_206 = tpu.vector_load %arg15[%swap3A_204, %swap3A_205] {strides = array<i32>} : memref<128x64xf32, #tpu.memory_space<vmem>>, vector<16xf32>,
        tpu.vector_store %arg15[%swap3A_204, %swap3A_205], %mul3A_203 {strides = array<i32>} : memref<128x64xf32, #tpu.memory_space<vmem>>, vector<16xf32>,
        %get3A_207 = arith.index_cast %add3A_196 : i32 to index
        %get3A_208 = arith.constant 16 : index
        %get3A_209 = tpu.vector_load %arg15[%get3A_207, %get3A_208] {strides = array<i32>} : memref<128x64xf32, #tpu.memory_space<vmem>>, vector<16xf32>,
        %mul3A_210 = arith.mulf %get3A_209, %broadcast_in_dim3A_199 : vector<16xf32>
        %swap3A_211 = arith.index_cast %add3A_196 : i32 to index
        %swap3A_212 = arith.constant 16 : index
        %swap3A_213 = tpu.vector_load %arg15[%swap3A_211, %swap3A_212] {strides = array<i32>} : memref<128x64xf32, #tpu.memory_space<vmem>>, vector<16xf32>,
        tpu.vector_store %arg15[%swap3A_211, %swap3A_212], %mul3A_210 {strides = array<i32>} : memref<128x64xf32, #tpu.memory_space<vmem>>, vector<16xf32>,
        %get3A_214 = arith.index_cast %add3A_196 : i32 to index
        %get3A_215 = arith.constant 32 : index
        %get3A_216 = tpu.vector_load %arg15[%get3A_214, %get3A_215] {strides = array<i32>} : memref<128x64xf32, #tpu.memory_space<vmem>>, vector<16xf32>,
        %mul3A_217 = arith.mulf %get3A_216, %broadcast_in_dim3A_199 : vector<16xf32>
        %swap3A_218 = arith.index_cast %add3A_196 : i32 to index
        %swap3A_219 = arith.constant 32 : index
        %swap3A_220 = tpu.vector_load %arg15[%swap3A_218, %swap3A_219] {strides = array<i32>} : memref<128x64xf32, #tpu.memory_space<vmem>>, vector<16xf32>,
        tpu.vector_store %arg15[%swap3A_218, %swap3A_219], %mul3A_217 {strides = array<i32>} : memref<128x64xf32, #tpu.memory_space<vmem>>, vector<16xf32>,
        %get3A_221 = arith.index_cast %add3A_196 : i32 to index
        %get3A_222 = arith.constant 48 : index
        %get3A_223 = tpu.vector_load %arg15[%get3A_221, %get3A_222] {strides = array<i32>} : memref<128x64xf32, #tpu.memory_space<vmem>>, vector<16xf32>,
        %mul3A_224 = arith.mulf %get3A_223, %broadcast_in_dim3A_199 : vector<16xf32>
        %swap3A_225 = arith.index_cast %add3A_196 : i32 to index
        %swap3A_226 = arith.constant 48 : index
        %swap3A_227 = tpu.vector_load %arg15[%swap3A_225, %swap3A_226] {strides = array<i32>} : memref<128x64xf32, #tpu.memory_space<vmem>>, vector<16xf32>,
        tpu.vector_store %arg15[%swap3A_225, %swap3A_226], %mul3A_224 {strides = array<i32>} : memref<128x64xf32, #tpu.memory_space<vmem>>, vector<16xf32>,
        %mul3A_228 = arith.constant 16 : i32
        %mul3A_229 = arith.muli %scan3A_118, %mul3A_228 : i32
        %add3A_230 = arith.constant 3 : i32
        %add3A_231 = arith.addi %mul3A_229, %add3A_230 : i32
        %slice3A_232 = vector.extract_strided_slice %get3A_125 {offsets = [3], sizes = [1], strides = [1]} : vector<16xf32> to vector<1xf32>
        %squeeze3A_233 = vector.extract %slice3A_232[0] : f32 from vector<1xf32>
        %broadcast_in_dim3A_234 = vector.broadcast %squeeze3A_233 : f32 to vector<16xf32>
        %get3A_235 = arith.index_cast %add3A_231 : i32 to index
        %get3A_236 = arith.constant 0 : index
        %get3A_237 = tpu.vector_load %arg15[%get3A_235, %get3A_236] {strides = array<i32>} : memref<128x64xf32, #tpu.memory_space<vmem>>, vector<16xf32>,
        %mul3A_238 = arith.mulf %get3A_237, %broadcast_in_dim3A_234 : vector<16xf32>
        %swap3A_239 = arith.index_cast %add3A_231 : i32 to index
        %swap3A_240 = arith.constant 0 : index
        %swap3A_241 = tpu.vector_load %arg15[%swap3A_239, %swap3A_240] {strides = array<i32>} : memref<128x64xf32, #tpu.memory_space<vmem>>, vector<16xf32>,
        tpu.vector_store %arg15[%swap3A_239, %swap3A_240], %mul3A_238 {strides = array<i32>} : memref<128x64xf32, #tpu.memory_space<vmem>>, vector<16xf32>,
        %get3A_242 = arith.index_cast %add3A_231 : i32 to index
        %get3A_243 = arith.constant 16 : index
        %get3A_244 = tpu.vector_load %arg15[%get3A_242, %get3A_243] {strides = array<i32>} : memref<128x64xf32, #tpu.memory_space<vmem>>, vector<16xf32>,
        %mul3A_245 = arith.mulf %get3A_244, %broadcast_in_dim3A_234 : vector<16xf32>
        %swap3A_246 = arith.index_cast %add3A_231 : i32 to index
        %swap3A_247 = arith.constant 16 : index
        %swap3A_248 = tpu.vector_load %arg15[%swap3A_246, %swap3A_247] {strides = array<i32>} : memref<128x64xf32, #tpu.memory_space<vmem>>, vector<16xf32>,
        tpu.vector_store %arg15[%swap3A_246, %swap3A_247], %mul3A_245 {strides = array<i32>} : memref<128x64xf32, #tpu.memory_space<vmem>>, vector<16xf32>,
        %get3A_249 = arith.index_cast %add3A_231 : i32 to index
        %get3A_250 = arith.constant 32 : index
        %get3A_251 = tpu.vector_load %arg15[%get3A_249, %get3A_250] {strides = array<i32>} : memref<128x64xf32, #tpu.memory_space<vmem>>, vector<16xf32>,
        %mul3A_252 = arith.mulf %get3A_251, %broadcast_in_dim3A_234 : vector<16xf32>
        %swap3A_253 = arith.index_cast %add3A_231 : i32 to index
        %swap3A_254 = arith.constant 32 : index
        %swap3A_255 = tpu.vector_load %arg15[%swap3A_253, %swap3A_254] {strides = array<i32>} : memref<128x64xf32, #tpu.memory_space<vmem>>, vector<16xf32>,
        tpu.vector_store %arg15[%swap3A_253, %swap3A_254], %mul3A_252 {strides = array<i32>} : memref<128x64xf32, #tpu.memory_space<vmem>>, vector<16xf32>,
        %get3A_256 = arith.index_cast %add3A_231 : i32 to index
        %get3A_257 = arith.constant 48 : index
        %get3A_258 = tpu.vector_load %arg15[%get3A_256, %get3A_257] {strides = array<i32>} : memref<128x64xf32, #tpu.memory_space<vmem>>, vector<16xf32>,
        %mul3A_259 = arith.mulf %get3A_258, %broadcast_in_dim3A_234 : vector<16xf32>
        %swap3A_260 = arith.index_cast %add3A_231 : i32 to index
        %swap3A_261 = arith.constant 48 : index
        %swap3A_262 = tpu.vector_load %arg15[%swap3A_260, %swap3A_261] {strides = array<i32>} : memref<128x64xf32, #tpu.memory_space<vmem>>, vector<16xf32>,
        tpu.vector_store %arg15[%swap3A_260, %swap3A_261], %mul3A_259 {strides = array<i32>} : memref<128x64xf32, #tpu.memory_space<vmem>>, vector<16xf32>,
        %mul3A_263 = arith.constant 16 : i32
        %mul3A_264 = arith.muli %scan3A_118, %mul3A_263 : i32
        %add3A_265 = arith.constant 4 : i32
        %add3A_266 = arith.addi %mul3A_264, %add3A_265 : i32
        %slice3A_267 = vector.extract_strided_slice %get3A_125 {offsets = [4], sizes = [1], strides = [1]} : vector<16xf32> to vector<1xf32>
        %squeeze3A_268 = vector.extract %slice3A_267[0] : f32 from vector<1xf32>
        %broadcast_in_dim3A_269 = vector.broadcast %squeeze3A_268 : f32 to vector<16xf32>
        %get3A_270 = arith.index_cast %add3A_266 : i32 to index
        %get3A_271 = arith.constant 0 : index
        %get3A_272 = tpu.vector_load %arg15[%get3A_270, %get3A_271] {strides = array<i32>} : memref<128x64xf32, #tpu.memory_space<vmem>>, vector<16xf32>,
        %mul3A_273 = arith.mulf %get3A_272, %broadcast_in_dim3A_269 : vector<16xf32>
        %swap3A_274 = arith.index_cast %add3A_266 : i32 to index
        %swap3A_275 = arith.constant 0 : index
        %swap3A_276 = tpu.vector_load %arg15[%swap3A_274, %swap3A_275] {strides = array<i32>} : memref<128x64xf32, #tpu.memory_space<vmem>>, vector<16xf32>,
        tpu.vector_store %arg15[%swap3A_274, %swap3A_275], %mul3A_273 {strides = array<i32>} : memref<128x64xf32, #tpu.memory_space<vmem>>, vector<16xf32>,
        %get3A_277 = arith.index_cast %add3A_266 : i32 to index
        %get3A_278 = arith.constant 16 : index
        %get3A_279 = tpu.vector_load %arg15[%get3A_277, %get3A_278] {strides = array<i32>} : memref<128x64xf32, #tpu.memory_space<vmem>>, vector<16xf32>,
        %mul3A_280 = arith.mulf %get3A_279, %broadcast_in_dim3A_269 : vector<16xf32>
        %swap3A_281 = arith.index_cast %add3A_266 : i32 to index
        %swap3A_282 = arith.constant 16 : index
        %swap3A_283 = tpu.vector_load %arg15[%swap3A_281, %swap3A_282] {strides = array<i32>} : memref<128x64xf32, #tpu.memory_space<vmem>>, vector<16xf32>,
        tpu.vector_store %arg15[%swap3A_281, %swap3A_282], %mul3A_280 {strides = array<i32>} : memref<128x64xf32, #tpu.memory_space<vmem>>, vector<16xf32>,
        %get3A_284 = arith.index_cast %add3A_266 : i32 to index
        %get3A_285 = arith.constant 32 : index
        %get3A_286 = tpu.vector_load %arg15[%get3A_284, %get3A_285] {strides = array<i32>} : memref<128x64xf32, #tpu.memory_space<vmem>>, vector<16xf32>,
        %mul3A_287 = arith.mulf %get3A_286, %broadcast_in_dim3A_269 : vector<16xf32>
        %swap3A_288 = arith.index_cast %add3A_266 : i32 to index
        %swap3A_289 = arith.constant 32 : index
        %swap3A_290 = tpu.vector_load %arg15[%swap3A_288, %swap3A_289] {strides = array<i32>} : memref<128x64xf32, #tpu.memory_space<vmem>>, vector<16xf32>,
        tpu.vector_store %arg15[%swap3A_288, %swap3A_289], %mul3A_287 {strides = array<i32>} : memref<128x64xf32, #tpu.memory_space<vmem>>, vector<16xf32>,
        %get3A_291 = arith.index_cast %add3A_266 : i32 to index
        %get3A_292 = arith.constant 48 : index
        %get3A_293 = tpu.vector_load %arg15[%get3A_291, %get3A_292] {strides = array<i32>} : memref<128x64xf32, #tpu.memory_space<vmem>>, vector<16xf32>,
        %mul3A_294 = arith.mulf %get3A_293, %broadcast_in_dim3A_269 : vector<16xf32>
        %swap3A_295 = arith.index_cast %add3A_266 : i32 to index
        %swap3A_296 = arith.constant 48 : index
        %swap3A_297 = tpu.vector_load %arg15[%swap3A_295, %swap3A_296] {strides = array<i32>} : memref<128x64xf32, #tpu.memory_space<vmem>>, vector<16xf32>,
        tpu.vector_store %arg15[%swap3A_295, %swap3A_296], %mul3A_294 {strides = array<i32>} : memref<128x64xf32, #tpu.memory_space<vmem>>, vector<16xf32>,
        %mul3A_298 = arith.constant 16 : i32
        %mul3A_299 = arith.muli %scan3A_118, %mul3A_298 : i32
        %add3A_300 = arith.constant 5 : i32
        %add3A_301 = arith.addi %mul3A_299, %add3A_300 : i32
        %slice3A_302 = vector.extract_strided_slice %get3A_125 {offsets = [5], sizes = [1], strides = [1]} : vector<16xf32> to vector<1xf32>
        %squeeze3A_303 = vector.extract %slice3A_302[0] : f32 from vector<1xf32>
        %broadcast_in_dim3A_304 = vector.broadcast %squeeze3A_303 : f32 to vector<16xf32>
        %get3A_305 = arith.index_cast %add3A_301 : i32 to index
        %get3A_306 = arith.constant 0 : index
        %get3A_307 = tpu.vector_load %arg15[%get3A_305, %get3A_306] {strides = array<i32>} : memref<128x64xf32, #tpu.memory_space<vmem>>, vector<16xf32>,
        %mul3A_308 = arith.mulf %get3A_307, %broadcast_in_dim3A_304 : vector<16xf32>
        %swap3A_309 = arith.index_cast %add3A_301 : i32 to index
        %swap3A_310 = arith.constant 0 : index
        %swap3A_311 = tpu.vector_load %arg15[%swap3A_309, %swap3A_310] {strides = array<i32>} : memref<128x64xf32, #tpu.memory_space<vmem>>, vector<16xf32>,
        tpu.vector_store %arg15[%swap3A_309, %swap3A_310], %mul3A_308 {strides = array<i32>} : memref<128x64xf32, #tpu.memory_space<vmem>>, vector<16xf32>,
        %get3A_312 = arith.index_cast %add3A_301 : i32 to index
        %get3A_313 = arith.constant 16 : index
        %get3A_314 = tpu.vector_load %arg15[%get3A_312, %get3A_313] {strides = array<i32>} : memref<128x64xf32, #tpu.memory_space<vmem>>, vector<16xf32>,
        %mul3A_315 = arith.mulf %get3A_314, %broadcast_in_dim3A_304 : vector<16xf32>
        %swap3A_316 = arith.index_cast %add3A_301 : i32 to index
        %swap3A_317 = arith.constant 16 : index
        %swap3A_318 = tpu.vector_load %arg15[%swap3A_316, %swap3A_317] {strides = array<i32>} : memref<128x64xf32, #tpu.memory_space<vmem>>, vector<16xf32>,
        tpu.vector_store %arg15[%swap3A_316, %swap3A_317], %mul3A_315 {strides = array<i32>} : memref<128x64xf32, #tpu.memory_space<vmem>>, vector<16xf32>,
        %get3A_319 = arith.index_cast %add3A_301 : i32 to index
        %get3A_320 = arith.constant 32 : index
        %get3A_321 = tpu.vector_load %arg15[%get3A_319, %get3A_320] {strides = array<i32>} : memref<128x64xf32, #tpu.memory_space<vmem>>, vector<16xf32>,
        %mul3A_322 = arith.mulf %get3A_321, %broadcast_in_dim3A_304 : vector<16xf32>
        %swap3A_323 = arith.index_cast %add3A_301 : i32 to index
        %swap3A_324 = arith.constant 32 : index
        %swap3A_325 = tpu.vector_load %arg15[%swap3A_323, %swap3A_324] {strides = array<i32>} : memref<128x64xf32, #tpu.memory_space<vmem>>, vector<16xf32>,
        tpu.vector_store %arg15[%swap3A_323, %swap3A_324], %mul3A_322 {strides = array<i32>} : memref<128x64xf32, #tpu.memory_space<vmem>>, vector<16xf32>,
        %get3A_326 = arith.index_cast %add3A_301 : i32 to index
        %get3A_327 = arith.constant 48 : index
        %get3A_328 = tpu.vector_load %arg15[%get3A_326, %get3A_327] {strides = array<i32>} : memref<128x64xf32, #tpu.memory_space<vmem>>, vector<16xf32>,
        %mul3A_329 = arith.mulf %get3A_328, %broadcast_in_dim3A_304 : vector<16xf32>
        %swap3A_330 = arith.index_cast %add3A_301 : i32 to index
        %swap3A_331 = arith.constant 48 : index
        %swap3A_332 = tpu.vector_load %arg15[%swap3A_330, %swap3A_331] {strides = array<i32>} : memref<128x64xf32, #tpu.memory_space<vmem>>, vector<16xf32>,
        tpu.vector_store %arg15[%swap3A_330, %swap3A_331], %mul3A_329 {strides = array<i32>} : memref<128x64xf32, #tpu.memory_space<vmem>>, vector<16xf32>,
        %mul3A_333 = arith.constant 16 : i32
        %mul3A_334 = arith.muli %scan3A_118, %mul3A_333 : i32
        %add3A_335 = arith.constant 6 : i32
        %add3A_336 = arith.addi %mul3A_334, %add3A_335 : i32
        %slice3A_337 = vector.extract_strided_slice %get3A_125 {offsets = [6], sizes = [1], strides = [1]} : vector<16xf32> to vector<1xf32>
        %squeeze3A_338 = vector.extract %slice3A_337[0] : f32 from vector<1xf32>
        %broadcast_in_dim3A_339 = vector.broadcast %squeeze3A_338 : f32 to vector<16xf32>
        %get3A_340 = arith.index_cast %add3A_336 : i32 to index
        %get3A_341 = arith.constant 0 : index
        %get3A_342 = tpu.vector_load %arg15[%get3A_340, %get3A_341] {strides = array<i32>} : memref<128x64xf32, #tpu.memory_space<vmem>>, vector<16xf32>,
        %mul3A_343 = arith.mulf %get3A_342, %broadcast_in_dim3A_339 : vector<16xf32>
        %swap3A_344 = arith.index_cast %add3A_336 : i32 to index
        %swap3A_345 = arith.constant 0 : index
        %swap3A_346 = tpu.vector_load %arg15[%swap3A_344, %swap3A_345] {strides = array<i32>} : memref<128x64xf32, #tpu.memory_space<vmem>>, vector<16xf32>,
        tpu.vector_store %arg15[%swap3A_344, %swap3A_345], %mul3A_343 {strides = array<i32>} : memref<128x64xf32, #tpu.memory_space<vmem>>, vector<16xf32>,
        %get3A_347 = arith.index_cast %add3A_336 : i32 to index
        %get3A_348 = arith.constant 16 : index
        %get3A_349 = tpu.vector_load %arg15[%get3A_347, %get3A_348] {strides = array<i32>} : memref<128x64xf32, #tpu.memory_space<vmem>>, vector<16xf32>,
        %mul3A_350 = arith.mulf %get3A_349, %broadcast_in_dim3A_339 : vector<16xf32>
        %swap3A_351 = arith.index_cast %add3A_336 : i32 to index
        %swap3A_352 = arith.constant 16 : index
        %swap3A_353 = tpu.vector_load %arg15[%swap3A_351, %swap3A_352] {strides = array<i32>} : memref<128x64xf32, #tpu.memory_space<vmem>>, vector<16xf32>,
        tpu.vector_store %arg15[%swap3A_351, %swap3A_352], %mul3A_350 {strides = array<i32>} : memref<128x64xf32, #tpu.memory_space<vmem>>, vector<16xf32>,
        %get3A_354 = arith.index_cast %add3A_336 : i32 to index
        %get3A_355 = arith.constant 32 : index
        %get3A_356 = tpu.vector_load %arg15[%get3A_354, %get3A_355] {strides = array<i32>} : memref<128x64xf32, #tpu.memory_space<vmem>>, vector<16xf32>,
        %mul3A_357 = arith.mulf %get3A_356, %broadcast_in_dim3A_339 : vector<16xf32>
        %swap3A_358 = arith.index_cast %add3A_336 : i32 to index
        %swap3A_359 = arith.constant 32 : index
        %swap3A_360 = tpu.vector_load %arg15[%swap3A_358, %swap3A_359] {strides = array<i32>} : memref<128x64xf32, #tpu.memory_space<vmem>>, vector<16xf32>,
        tpu.vector_store %arg15[%swap3A_358, %swap3A_359], %mul3A_357 {strides = array<i32>} : memref<128x64xf32, #tpu.memory_space<vmem>>, vector<16xf32>,
        %get3A_361 = arith.index_cast %add3A_336 : i32 to index
        %get3A_362 = arith.constant 48 : index
        %get3A_363 = tpu.vector_load %arg15[%get3A_361, %get3A_362] {strides = array<i32>} : memref<128x64xf32, #tpu.memory_space<vmem>>, vector<16xf32>,
        %mul3A_364 = arith.mulf %get3A_363, %broadcast_in_dim3A_339 : vector<16xf32>
        %swap3A_365 = arith.index_cast %add3A_336 : i32 to index
        %swap3A_366 = arith.constant 48 : index
        %swap3A_367 = tpu.vector_load %arg15[%swap3A_365, %swap3A_366] {strides = array<i32>} : memref<128x64xf32, #tpu.memory_space<vmem>>, vector<16xf32>,
        tpu.vector_store %arg15[%swap3A_365, %swap3A_366], %mul3A_364 {strides = array<i32>} : memref<128x64xf32, #tpu.memory_space<vmem>>, vector<16xf32>,
        %mul3A_368 = arith.constant 16 : i32
        %mul3A_369 = arith.muli %scan3A_118, %mul3A_368 : i32
        %add3A_370 = arith.constant 7 : i32
        %add3A_371 = arith.addi %mul3A_369, %add3A_370 : i32
        %slice3A_372 = vector.extract_strided_slice %get3A_125 {offsets = [7], sizes = [1], strides = [1]} : vector<16xf32> to vector<1xf32>
        %squeeze3A_373 = vector.extract %slice3A_372[0] : f32 from vector<1xf32>
        %broadcast_in_dim3A_374 = vector.broadcast %squeeze3A_373 : f32 to vector<16xf32>
        %get3A_375 = arith.index_cast %add3A_371 : i32 to index
        %get3A_376 = arith.constant 0 : index
        %get3A_377 = tpu.vector_load %arg15[%get3A_375, %get3A_376] {strides = array<i32>} : memref<128x64xf32, #tpu.memory_space<vmem>>, vector<16xf32>,
        %mul3A_378 = arith.mulf %get3A_377, %broadcast_in_dim3A_374 : vector<16xf32>
        %swap3A_379 = arith.index_cast %add3A_371 : i32 to index
        %swap3A_380 = arith.constant 0 : index
        %swap3A_381 = tpu.vector_load %arg15[%swap3A_379, %swap3A_380] {strides = array<i32>} : memref<128x64xf32, #tpu.memory_space<vmem>>, vector<16xf32>,
        tpu.vector_store %arg15[%swap3A_379, %swap3A_380], %mul3A_378 {strides = array<i32>} : memref<128x64xf32, #tpu.memory_space<vmem>>, vector<16xf32>,
        %get3A_382 = arith.index_cast %add3A_371 : i32 to index
        %get3A_383 = arith.constant 16 : index
        %get3A_384 = tpu.vector_load %arg15[%get3A_382, %get3A_383] {strides = array<i32>} : memref<128x64xf32, #tpu.memory_space<vmem>>, vector<16xf32>,
        %mul3A_385 = arith.mulf %get3A_384, %broadcast_in_dim3A_374 : vector<16xf32>
        %swap3A_386 = arith.index_cast %add3A_371 : i32 to index
        %swap3A_387 = arith.constant 16 : index
        %swap3A_388 = tpu.vector_load %arg15[%swap3A_386, %swap3A_387] {strides = array<i32>} : memref<128x64xf32, #tpu.memory_space<vmem>>, vector<16xf32>,
        tpu.vector_store %arg15[%swap3A_386, %swap3A_387], %mul3A_385 {strides = array<i32>} : memref<128x64xf32, #tpu.memory_space<vmem>>, vector<16xf32>,
        %get3A_389 = arith.index_cast %add3A_371 : i32 to index
        %get3A_390 = arith.constant 32 : index
        %get3A_391 = tpu.vector_load %arg15[%get3A_389, %get3A_390] {strides = array<i32>} : memref<128x64xf32, #tpu.memory_space<vmem>>, vector<16xf32>,
        %mul3A_392 = arith.mulf %get3A_391, %broadcast_in_dim3A_374 : vector<16xf32>
        %swap3A_393 = arith.index_cast %add3A_371 : i32 to index
        %swap3A_394 = arith.constant 32 : index
        %swap3A_395 = tpu.vector_load %arg15[%swap3A_393, %swap3A_394] {strides = array<i32>} : memref<128x64xf32, #tpu.memory_space<vmem>>, vector<16xf32>,
        tpu.vector_store %arg15[%swap3A_393, %swap3A_394], %mul3A_392 {strides = array<i32>} : memref<128x64xf32, #tpu.memory_space<vmem>>, vector<16xf32>,
        %get3A_396 = arith.index_cast %add3A_371 : i32 to index
        %get3A_397 = arith.constant 48 : index
        %get3A_398 = tpu.vector_load %arg15[%get3A_396, %get3A_397] {strides = array<i32>} : memref<128x64xf32, #tpu.memory_space<vmem>>, vector<16xf32>,
        %mul3A_399 = arith.mulf %get3A_398, %broadcast_in_dim3A_374 : vector<16xf32>
        %swap3A_400 = arith.index_cast %add3A_371 : i32 to index
        %swap3A_401 = arith.constant 48 : index
        %swap3A_402 = tpu.vector_load %arg15[%swap3A_400, %swap3A_401] {strides = array<i32>} : memref<128x64xf32, #tpu.memory_space<vmem>>, vector<16xf32>,
        tpu.vector_store %arg15[%swap3A_400, %swap3A_401], %mul3A_399 {strides = array<i32>} : memref<128x64xf32, #tpu.memory_space<vmem>>, vector<16xf32>,
        %mul3A_403 = arith.constant 16 : i32
        %mul3A_404 = arith.muli %scan3A_118, %mul3A_403 : i32
        %add3A_405 = arith.constant 8 : i32
        %add3A_406 = arith.addi %mul3A_404, %add3A_405 : i32
        %slice3A_407 = vector.extract_strided_slice %get3A_125 {offsets = [8], sizes = [1], strides = [1]} : vector<16xf32> to vector<1xf32>
        %squeeze3A_408 = vector.extract %slice3A_407[0] : f32 from vector<1xf32>
        %broadcast_in_dim3A_409 = vector.broadcast %squeeze3A_408 : f32 to vector<16xf32>
        %get3A_410 = arith.index_cast %add3A_406 : i32 to index
        %get3A_411 = arith.constant 0 : index
        %get3A_412 = tpu.vector_load %arg15[%get3A_410, %get3A_411] {strides = array<i32>} : memref<128x64xf32, #tpu.memory_space<vmem>>, vector<16xf32>,
        %mul3A_413 = arith.mulf %get3A_412, %broadcast_in_dim3A_409 : vector<16xf32>
        %swap3A_414 = arith.index_cast %add3A_406 : i32 to index
        %swap3A_415 = arith.constant 0 : index
        %swap3A_416 = tpu.vector_load %arg15[%swap3A_414, %swap3A_415] {strides = array<i32>} : memref<128x64xf32, #tpu.memory_space<vmem>>, vector<16xf32>,
        tpu.vector_store %arg15[%swap3A_414, %swap3A_415], %mul3A_413 {strides = array<i32>} : memref<128x64xf32, #tpu.memory_space<vmem>>, vector<16xf32>,
        %get3A_417 = arith.index_cast %add3A_406 : i32 to index
        %get3A_418 = arith.constant 16 : index
        %get3A_419 = tpu.vector_load %arg15[%get3A_417, %get3A_418] {strides = array<i32>} : memref<128x64xf32, #tpu.memory_space<vmem>>, vector<16xf32>,
        %mul3A_420 = arith.mulf %get3A_419, %broadcast_in_dim3A_409 : vector<16xf32>
        %swap3A_421 = arith.index_cast %add3A_406 : i32 to index
        %swap3A_422 = arith.constant 16 : index
        %swap3A_423 = tpu.vector_load %arg15[%swap3A_421, %swap3A_422] {strides = array<i32>} : memref<128x64xf32, #tpu.memory_space<vmem>>, vector<16xf32>,
        tpu.vector_store %arg15[%swap3A_421, %swap3A_422], %mul3A_420 {strides = array<i32>} : memref<128x64xf32, #tpu.memory_space<vmem>>, vector<16xf32>,
        %get3A_424 = arith.index_cast %add3A_406 : i32 to index
        %get3A_425 = arith.constant 32 : index
        %get3A_426 = tpu.vector_load %arg15[%get3A_424, %get3A_425] {strides = array<i32>} : memref<128x64xf32, #tpu.memory_space<vmem>>, vector<16xf32>,
        %mul3A_427 = arith.mulf %get3A_426, %broadcast_in_dim3A_409 : vector<16xf32>
        %swap3A_428 = arith.index_cast %add3A_406 : i32 to index
        %swap3A_429 = arith.constant 32 : index
        %swap3A_430 = tpu.vector_load %arg15[%swap3A_428, %swap3A_429] {strides = array<i32>} : memref<128x64xf32, #tpu.memory_space<vmem>>, vector<16xf32>,
        tpu.vector_store %arg15[%swap3A_428, %swap3A_429], %mul3A_427 {strides = array<i32>} : memref<128x64xf32, #tpu.memory_space<vmem>>, vector<16xf32>,
        %get3A_431 = arith.index_cast %add3A_406 : i32 to index
        %get3A_432 = arith.constant 48 : index
        %get3A_433 = tpu.vector_load %arg15[%get3A_431, %get3A_432] {strides = array<i32>} : memref<128x64xf32, #tpu.memory_space<vmem>>, vector<16xf32>,
        %mul3A_434 = arith.mulf %get3A_433, %broadcast_in_dim3A_409 : vector<16xf32>
        %swap3A_435 = arith.index_cast %add3A_406 : i32 to index
        %swap3A_436 = arith.constant 48 : index
        %swap3A_437 = tpu.vector_load %arg15[%swap3A_435, %swap3A_436] {strides = array<i32>} : memref<128x64xf32, #tpu.memory_space<vmem>>, vector<16xf32>,
        tpu.vector_store %arg15[%swap3A_435, %swap3A_436], %mul3A_434 {strides = array<i32>} : memref<128x64xf32, #tpu.memory_space<vmem>>, vector<16xf32>,
        %mul3A_438 = arith.constant 16 : i32
        %mul3A_439 = arith.muli %scan3A_118, %mul3A_438 : i32
        %add3A_440 = arith.constant 9 : i32
        %add3A_441 = arith.addi %mul3A_439, %add3A_440 : i32
        %slice3A_442 = vector.extract_strided_slice %get3A_125 {offsets = [9], sizes = [1], strides = [1]} : vector<16xf32> to vector<1xf32>
        %squeeze3A_443 = vector.extract %slice3A_442[0] : f32 from vector<1xf32>
        %broadcast_in_dim3A_444 = vector.broadcast %squeeze3A_443 : f32 to vector<16xf32>
        %get3A_445 = arith.index_cast %add3A_441 : i32 to index
        %get3A_446 = arith.constant 0 : index
        %get3A_447 = tpu.vector_load %arg15[%get3A_445, %get3A_446] {strides = array<i32>} : memref<128x64xf32, #tpu.memory_space<vmem>>, vector<16xf32>,
        %mul3A_448 = arith.mulf %get3A_447, %broadcast_in_dim3A_444 : vector<16xf32>
        %swap3A_449 = arith.index_cast %add3A_441 : i32 to index
        %swap3A_450 = arith.constant 0 : index
        %swap3A_451 = tpu.vector_load %arg15[%swap3A_449, %swap3A_450] {strides = array<i32>} : memref<128x64xf32, #tpu.memory_space<vmem>>, vector<16xf32>,
        tpu.vector_store %arg15[%swap3A_449, %swap3A_450], %mul3A_448 {strides = array<i32>} : memref<128x64xf32, #tpu.memory_space<vmem>>, vector<16xf32>,
        %get3A_452 = arith.index_cast %add3A_441 : i32 to index
        %get3A_453 = arith.constant 16 : index
        %get3A_454 = tpu.vector_load %arg15[%get3A_452, %get3A_453] {strides = array<i32>} : memref<128x64xf32, #tpu.memory_space<vmem>>, vector<16xf32>,
        %mul3A_455 = arith.mulf %get3A_454, %broadcast_in_dim3A_444 : vector<16xf32>
        %swap3A_456 = arith.index_cast %add3A_441 : i32 to index
        %swap3A_457 = arith.constant 16 : index
        %swap3A_458 = tpu.vector_load %arg15[%swap3A_456, %swap3A_457] {strides = array<i32>} : memref<128x64xf32, #tpu.memory_space<vmem>>, vector<16xf32>,
        tpu.vector_store %arg15[%swap3A_456, %swap3A_457], %mul3A_455 {strides = array<i32>} : memref<128x64xf32, #tpu.memory_space<vmem>>, vector<16xf32>,
        %get3A_459 = arith.index_cast %add3A_441 : i32 to index
        %get3A_460 = arith.constant 32 : index
        %get3A_461 = tpu.vector_load %arg15[%get3A_459, %get3A_460] {strides = array<i32>} : memref<128x64xf32, #tpu.memory_space<vmem>>, vector<16xf32>,
        %mul3A_462 = arith.mulf %get3A_461, %broadcast_in_dim3A_444 : vector<16xf32>
        %swap3A_463 = arith.index_cast %add3A_441 : i32 to index
        %swap3A_464 = arith.constant 32 : index
        %swap3A_465 = tpu.vector_load %arg15[%swap3A_463, %swap3A_464] {strides = array<i32>} : memref<128x64xf32, #tpu.memory_space<vmem>>, vector<16xf32>,
        tpu.vector_store %arg15[%swap3A_463, %swap3A_464], %mul3A_462 {strides = array<i32>} : memref<128x64xf32, #tpu.memory_space<vmem>>, vector<16xf32>,
        %get3A_466 = arith.index_cast %add3A_441 : i32 to index
        %get3A_467 = arith.constant 48 : index
        %get3A_468 = tpu.vector_load %arg15[%get3A_466, %get3A_467] {strides = array<i32>} : memref<128x64xf32, #tpu.memory_space<vmem>>, vector<16xf32>,
        %mul3A_469 = arith.mulf %get3A_468, %broadcast_in_dim3A_444 : vector<16xf32>
        %swap3A_470 = arith.index_cast %add3A_441 : i32 to index
        %swap3A_471 = arith.constant 48 : index
        %swap3A_472 = tpu.vector_load %arg15[%swap3A_470, %swap3A_471] {strides = array<i32>} : memref<128x64xf32, #tpu.memory_space<vmem>>, vector<16xf32>,
        tpu.vector_store %arg15[%swap3A_470, %swap3A_471], %mul3A_469 {strides = array<i32>} : memref<128x64xf32, #tpu.memory_space<vmem>>, vector<16xf32>,
        %mul3A_473 = arith.constant 16 : i32
        %mul3A_474 = arith.muli %scan3A_118, %mul3A_473 : i32
        %add3A_475 = arith.constant 10 : i32
        %add3A_476 = arith.addi %mul3A_474, %add3A_475 : i32
        %slice3A_477 = vector.extract_strided_slice %get3A_125 {offsets = [10], sizes = [1], strides = [1]} : vector<16xf32> to vector<1xf32>
        %squeeze3A_478 = vector.extract %slice3A_477[0] : f32 from vector<1xf32>
        %broadcast_in_dim3A_479 = vector.broadcast %squeeze3A_478 : f32 to vector<16xf32>
        %get3A_480 = arith.index_cast %add3A_476 : i32 to index
        %get3A_481 = arith.constant 0 : index
        %get3A_482 = tpu.vector_load %arg15[%get3A_480, %get3A_481] {strides = array<i32>} : memref<128x64xf32, #tpu.memory_space<vmem>>, vector<16xf32>,
        %mul3A_483 = arith.mulf %get3A_482, %broadcast_in_dim3A_479 : vector<16xf32>
        %swap3A_484 = arith.index_cast %add3A_476 : i32 to index
        %swap3A_485 = arith.constant 0 : index
        %swap3A_486 = tpu.vector_load %arg15[%swap3A_484, %swap3A_485] {strides = array<i32>} : memref<128x64xf32, #tpu.memory_space<vmem>>, vector<16xf32>,
        tpu.vector_store %arg15[%swap3A_484, %swap3A_485], %mul3A_483 {strides = array<i32>} : memref<128x64xf32, #tpu.memory_space<vmem>>, vector<16xf32>,
        %get3A_487 = arith.index_cast %add3A_476 : i32 to index
        %get3A_488 = arith.constant 16 : index
        %get3A_489 = tpu.vector_load %arg15[%get3A_487, %get3A_488] {strides = array<i32>} : memref<128x64xf32, #tpu.memory_space<vmem>>, vector<16xf32>,
        %mul3A_490 = arith.mulf %get3A_489, %broadcast_in_dim3A_479 : vector<16xf32>
        %swap3A_491 = arith.index_cast %add3A_476 : i32 to index
        %swap3A_492 = arith.constant 16 : index
        %swap3A_493 = tpu.vector_load %arg15[%swap3A_491, %swap3A_492] {strides = array<i32>} : memref<128x64xf32, #tpu.memory_space<vmem>>, vector<16xf32>,
        tpu.vector_store %arg15[%swap3A_491, %swap3A_492], %mul3A_490 {strides = array<i32>} : memref<128x64xf32, #tpu.memory_space<vmem>>, vector<16xf32>,
        %get3A_494 = arith.index_cast %add3A_476 : i32 to index
        %get3A_495 = arith.constant 32 : index
        %get3A_496 = tpu.vector_load %arg15[%get3A_494, %get3A_495] {strides = array<i32>} : memref<128x64xf32, #tpu.memory_space<vmem>>, vector<16xf32>,
        %mul3A_497 = arith.mulf %get3A_496, %broadcast_in_dim3A_479 : vector<16xf32>
        %swap3A_498 = arith.index_cast %add3A_476 : i32 to index
        %swap3A_499 = arith.constant 32 : index
        %swap3A_500 = tpu.vector_load %arg15[%swap3A_498, %swap3A_499] {strides = array<i32>} : memref<128x64xf32, #tpu.memory_space<vmem>>, vector<16xf32>,
        tpu.vector_store %arg15[%swap3A_498, %swap3A_499], %mul3A_497 {strides = array<i32>} : memref<128x64xf32, #tpu.memory_space<vmem>>, vector<16xf32>,
        %get3A_501 = arith.index_cast %add3A_476 : i32 to index
        %get3A_502 = arith.constant 48 : index
        %get3A_503 = tpu.vector_load %arg15[%get3A_501, %get3A_502] {strides = array<i32>} : memref<128x64xf32, #tpu.memory_space<vmem>>, vector<16xf32>,
        %mul3A_504 = arith.mulf %get3A_503, %broadcast_in_dim3A_479 : vector<16xf32>
        %swap3A_505 = arith.index_cast %add3A_476 : i32 to index
        %swap3A_506 = arith.constant 48 : index
        %swap3A_507 = tpu.vector_load %arg15[%swap3A_505, %swap3A_506] {strides = array<i32>} : memref<128x64xf32, #tpu.memory_space<vmem>>, vector<16xf32>,
        tpu.vector_store %arg15[%swap3A_505, %swap3A_506], %mul3A_504 {strides = array<i32>} : memref<128x64xf32, #tpu.memory_space<vmem>>, vector<16xf32>,
        %mul3A_508 = arith.constant 16 : i32
        %mul3A_509 = arith.muli %scan3A_118, %mul3A_508 : i32
        %add3A_510 = arith.constant 11 : i32
        %add3A_511 = arith.addi %mul3A_509, %add3A_510 : i32
        %slice3A_512 = vector.extract_strided_slice %get3A_125 {offsets = [11], sizes = [1], strides = [1]} : vector<16xf32> to vector<1xf32>
        %squeeze3A_513 = vector.extract %slice3A_512[0] : f32 from vector<1xf32>
        %broadcast_in_dim3A_514 = vector.broadcast %squeeze3A_513 : f32 to vector<16xf32>
        %get3A_515 = arith.index_cast %add3A_511 : i32 to index
        %get3A_516 = arith.constant 0 : index
        %get3A_517 = tpu.vector_load %arg15[%get3A_515, %get3A_516] {strides = array<i32>} : memref<128x64xf32, #tpu.memory_space<vmem>>, vector<16xf32>,
        %mul3A_518 = arith.mulf %get3A_517, %broadcast_in_dim3A_514 : vector<16xf32>
        %swap3A_519 = arith.index_cast %add3A_511 : i32 to index
        %swap3A_520 = arith.constant 0 : index
        %swap3A_521 = tpu.vector_load %arg15[%swap3A_519, %swap3A_520] {strides = array<i32>} : memref<128x64xf32, #tpu.memory_space<vmem>>, vector<16xf32>,
        tpu.vector_store %arg15[%swap3A_519, %swap3A_520], %mul3A_518 {strides = array<i32>} : memref<128x64xf32, #tpu.memory_space<vmem>>, vector<16xf32>,
        %get3A_522 = arith.index_cast %add3A_511 : i32 to index
        %get3A_523 = arith.constant 16 : index
        %get3A_524 = tpu.vector_load %arg15[%get3A_522, %get3A_523] {strides = array<i32>} : memref<128x64xf32, #tpu.memory_space<vmem>>, vector<16xf32>,
        %mul3A_525 = arith.mulf %get3A_524, %broadcast_in_dim3A_514 : vector<16xf32>
        %swap3A_526 = arith.index_cast %add3A_511 : i32 to index
        %swap3A_527 = arith.constant 16 : index
        %swap3A_528 = tpu.vector_load %arg15[%swap3A_526, %swap3A_527] {strides = array<i32>} : memref<128x64xf32, #tpu.memory_space<vmem>>, vector<16xf32>,
        tpu.vector_store %arg15[%swap3A_526, %swap3A_527], %mul3A_525 {strides = array<i32>} : memref<128x64xf32, #tpu.memory_space<vmem>>, vector<16xf32>,
        %get3A_529 = arith.index_cast %add3A_511 : i32 to index
        %get3A_530 = arith.constant 32 : index
        %get3A_531 = tpu.vector_load %arg15[%get3A_529, %get3A_530] {strides = array<i32>} : memref<128x64xf32, #tpu.memory_space<vmem>>, vector<16xf32>,
        %mul3A_532 = arith.mulf %get3A_531, %broadcast_in_dim3A_514 : vector<16xf32>
        %swap3A_533 = arith.index_cast %add3A_511 : i32 to index
        %swap3A_534 = arith.constant 32 : index
        %swap3A_535 = tpu.vector_load %arg15[%swap3A_533, %swap3A_534] {strides = array<i32>} : memref<128x64xf32, #tpu.memory_space<vmem>>, vector<16xf32>,
        tpu.vector_store %arg15[%swap3A_533, %swap3A_534], %mul3A_532 {strides = array<i32>} : memref<128x64xf32, #tpu.memory_space<vmem>>, vector<16xf32>,
        %get3A_536 = arith.index_cast %add3A_511 : i32 to index
        %get3A_537 = arith.constant 48 : index
        %get3A_538 = tpu.vector_load %arg15[%get3A_536, %get3A_537] {strides = array<i32>} : memref<128x64xf32, #tpu.memory_space<vmem>>, vector<16xf32>,
        %mul3A_539 = arith.mulf %get3A_538, %broadcast_in_dim3A_514 : vector<16xf32>
        %swap3A_540 = arith.index_cast %add3A_511 : i32 to index
        %swap3A_541 = arith.constant 48 : index
        %swap3A_542 = tpu.vector_load %arg15[%swap3A_540, %swap3A_541] {strides = array<i32>} : memref<128x64xf32, #tpu.memory_space<vmem>>, vector<16xf32>,
        tpu.vector_store %arg15[%swap3A_540, %swap3A_541], %mul3A_539 {strides = array<i32>} : memref<128x64xf32, #tpu.memory_space<vmem>>, vector<16xf32>,
        %mul3A_543 = arith.constant 16 : i32
        %mul3A_544 = arith.muli %scan3A_118, %mul3A_543 : i32
        %add3A_545 = arith.constant 12 : i32
        %add3A_546 = arith.addi %mul3A_544, %add3A_545 : i32
        %slice3A_547 = vector.extract_strided_slice %get3A_125 {offsets = [12], sizes = [1], strides = [1]} : vector<16xf32> to vector<1xf32>
        %squeeze3A_548 = vector.extract %slice3A_547[0] : f32 from vector<1xf32>
        %broadcast_in_dim3A_549 = vector.broadcast %squeeze3A_548 : f32 to vector<16xf32>
        %get3A_550 = arith.index_cast %add3A_546 : i32 to index
        %get3A_551 = arith.constant 0 : index
        %get3A_552 = tpu.vector_load %arg15[%get3A_550, %get3A_551] {strides = array<i32>} : memref<128x64xf32, #tpu.memory_space<vmem>>, vector<16xf32>,
        %mul3A_553 = arith.mulf %get3A_552, %broadcast_in_dim3A_549 : vector<16xf32>
        %swap3A_554 = arith.index_cast %add3A_546 : i32 to index
        %swap3A_555 = arith.constant 0 : index
        %swap3A_556 = tpu.vector_load %arg15[%swap3A_554, %swap3A_555] {strides = array<i32>} : memref<128x64xf32, #tpu.memory_space<vmem>>, vector<16xf32>,
        tpu.vector_store %arg15[%swap3A_554, %swap3A_555], %mul3A_553 {strides = array<i32>} : memref<128x64xf32, #tpu.memory_space<vmem>>, vector<16xf32>,
        %get3A_557 = arith.index_cast %add3A_546 : i32 to index
        %get3A_558 = arith.constant 16 : index
        %get3A_559 = tpu.vector_load %arg15[%get3A_557, %get3A_558] {strides = array<i32>} : memref<128x64xf32, #tpu.memory_space<vmem>>, vector<16xf32>,
        %mul3A_560 = arith.mulf %get3A_559, %broadcast_in_dim3A_549 : vector<16xf32>
        %swap3A_561 = arith.index_cast %add3A_546 : i32 to index
        %swap3A_562 = arith.constant 16 : index
        %swap3A_563 = tpu.vector_load %arg15[%swap3A_561, %swap3A_562] {strides = array<i32>} : memref<128x64xf32, #tpu.memory_space<vmem>>, vector<16xf32>,
        tpu.vector_store %arg15[%swap3A_561, %swap3A_562], %mul3A_560 {strides = array<i32>} : memref<128x64xf32, #tpu.memory_space<vmem>>, vector<16xf32>,
        %get3A_564 = arith.index_cast %add3A_546 : i32 to index
        %get3A_565 = arith.constant 32 : index
        %get3A_566 = tpu.vector_load %arg15[%get3A_564, %get3A_565] {strides = array<i32>} : memref<128x64xf32, #tpu.memory_space<vmem>>, vector<16xf32>,
        %mul3A_567 = arith.mulf %get3A_566, %broadcast_in_dim3A_549 : vector<16xf32>
        %swap3A_568 = arith.index_cast %add3A_546 : i32 to index
        %swap3A_569 = arith.constant 32 : index
        %swap3A_570 = tpu.vector_load %arg15[%swap3A_568, %swap3A_569] {strides = array<i32>} : memref<128x64xf32, #tpu.memory_space<vmem>>, vector<16xf32>,
        tpu.vector_store %arg15[%swap3A_568, %swap3A_569], %mul3A_567 {strides = array<i32>} : memref<128x64xf32, #tpu.memory_space<vmem>>, vector<16xf32>,
        %get3A_571 = arith.index_cast %add3A_546 : i32 to index
        %get3A_572 = arith.constant 48 : index
        %get3A_573 = tpu.vector_load %arg15[%get3A_571, %get3A_572] {strides = array<i32>} : memref<128x64xf32, #tpu.memory_space<vmem>>, vector<16xf32>,
        %mul3A_574 = arith.mulf %get3A_573, %broadcast_in_dim3A_549 : vector<16xf32>
        %swap3A_575 = arith.index_cast %add3A_546 : i32 to index
        %swap3A_576 = arith.constant 48 : index
        %swap3A_577 = tpu.vector_load %arg15[%swap3A_575, %swap3A_576] {strides = array<i32>} : memref<128x64xf32, #tpu.memory_space<vmem>>, vector<16xf32>,
        tpu.vector_store %arg15[%swap3A_575, %swap3A_576], %mul3A_574 {strides = array<i32>} : memref<128x64xf32, #tpu.memory_space<vmem>>, vector<16xf32>,
        %mul3A_578 = arith.constant 16 : i32
        %mul3A_579 = arith.muli %scan3A_118, %mul3A_578 : i32
        %add3A_580 = arith.constant 13 : i32
        %add3A_581 = arith.addi %mul3A_579, %add3A_580 : i32
        %slice3A_582 = vector.extract_strided_slice %get3A_125 {offsets = [13], sizes = [1], strides = [1]} : vector<16xf32> to vector<1xf32>
        %squeeze3A_583 = vector.extract %slice3A_582[0] : f32 from vector<1xf32>
        %broadcast_in_dim3A_584 = vector.broadcast %squeeze3A_583 : f32 to vector<16xf32>
        %get3A_585 = arith.index_cast %add3A_581 : i32 to index
        %get3A_586 = arith.constant 0 : index
        %get3A_587 = tpu.vector_load %arg15[%get3A_585, %get3A_586] {strides = array<i32>} : memref<128x64xf32, #tpu.memory_space<vmem>>, vector<16xf32>,
        %mul3A_588 = arith.mulf %get3A_587, %broadcast_in_dim3A_584 : vector<16xf32>
        %swap3A_589 = arith.index_cast %add3A_581 : i32 to index
        %swap3A_590 = arith.constant 0 : index
        %swap3A_591 = tpu.vector_load %arg15[%swap3A_589, %swap3A_590] {strides = array<i32>} : memref<128x64xf32, #tpu.memory_space<vmem>>, vector<16xf32>,
        tpu.vector_store %arg15[%swap3A_589, %swap3A_590], %mul3A_588 {strides = array<i32>} : memref<128x64xf32, #tpu.memory_space<vmem>>, vector<16xf32>,
        %get3A_592 = arith.index_cast %add3A_581 : i32 to index
        %get3A_593 = arith.constant 16 : index
        %get3A_594 = tpu.vector_load %arg15[%get3A_592, %get3A_593] {strides = array<i32>} : memref<128x64xf32, #tpu.memory_space<vmem>>, vector<16xf32>,
        %mul3A_595 = arith.mulf %get3A_594, %broadcast_in_dim3A_584 : vector<16xf32>
        %swap3A_596 = arith.index_cast %add3A_581 : i32 to index
        %swap3A_597 = arith.constant 16 : index
        %swap3A_598 = tpu.vector_load %arg15[%swap3A_596, %swap3A_597] {strides = array<i32>} : memref<128x64xf32, #tpu.memory_space<vmem>>, vector<16xf32>,
        tpu.vector_store %arg15[%swap3A_596, %swap3A_597], %mul3A_595 {strides = array<i32>} : memref<128x64xf32, #tpu.memory_space<vmem>>, vector<16xf32>,
        %get3A_599 = arith.index_cast %add3A_581 : i32 to index
        %get3A_600 = arith.constant 32 : index
        %get3A_601 = tpu.vector_load %arg15[%get3A_599, %get3A_600] {strides = array<i32>} : memref<128x64xf32, #tpu.memory_space<vmem>>, vector<16xf32>,
        %mul3A_602 = arith.mulf %get3A_601, %broadcast_in_dim3A_584 : vector<16xf32>
        %swap3A_603 = arith.index_cast %add3A_581 : i32 to index
        %swap3A_604 = arith.constant 32 : index
        %swap3A_605 = tpu.vector_load %arg15[%swap3A_603, %swap3A_604] {strides = array<i32>} : memref<128x64xf32, #tpu.memory_space<vmem>>, vector<16xf32>,
        tpu.vector_store %arg15[%swap3A_603, %swap3A_604], %mul3A_602 {strides = array<i32>} : memref<128x64xf32, #tpu.memory_space<vmem>>, vector<16xf32>,
        %get3A_606 = arith.index_cast %add3A_581 : i32 to index
        %get3A_607 = arith.constant 48 : index
        %get3A_608 = tpu.vector_load %arg15[%get3A_606, %get3A_607] {strides = array<i32>} : memref<128x64xf32, #tpu.memory_space<vmem>>, vector<16xf32>,
        %mul3A_609 = arith.mulf %get3A_608, %broadcast_in_dim3A_584 : vector<16xf32>
        %swap3A_610 = arith.index_cast %add3A_581 : i32 to index
        %swap3A_611 = arith.constant 48 : index
        %swap3A_612 = tpu.vector_load %arg15[%swap3A_610, %swap3A_611] {strides = array<i32>} : memref<128x64xf32, #tpu.memory_space<vmem>>, vector<16xf32>,
        tpu.vector_store %arg15[%swap3A_610, %swap3A_611], %mul3A_609 {strides = array<i32>} : memref<128x64xf32, #tpu.memory_space<vmem>>, vector<16xf32>,
        %mul3A_613 = arith.constant 16 : i32
        %mul3A_614 = arith.muli %scan3A_118, %mul3A_613 : i32
        %add3A_615 = arith.constant 14 : i32
        %add3A_616 = arith.addi %mul3A_614, %add3A_615 : i32
        %slice3A_617 = vector.extract_strided_slice %get3A_125 {offsets = [14], sizes = [1], strides = [1]} : vector<16xf32> to vector<1xf32>
        %squeeze3A_618 = vector.extract %slice3A_617[0] : f32 from vector<1xf32>
        %broadcast_in_dim3A_619 = vector.broadcast %squeeze3A_618 : f32 to vector<16xf32>
        %get3A_620 = arith.index_cast %add3A_616 : i32 to index
        %get3A_621 = arith.constant 0 : index
        %get3A_622 = tpu.vector_load %arg15[%get3A_620, %get3A_621] {strides = array<i32>} : memref<128x64xf32, #tpu.memory_space<vmem>>, vector<16xf32>,
        %mul3A_623 = arith.mulf %get3A_622, %broadcast_in_dim3A_619 : vector<16xf32>
        %swap3A_624 = arith.index_cast %add3A_616 : i32 to index
        %swap3A_625 = arith.constant 0 : index
        %swap3A_626 = tpu.vector_load %arg15[%swap3A_624, %swap3A_625] {strides = array<i32>} : memref<128x64xf32, #tpu.memory_space<vmem>>, vector<16xf32>,
        tpu.vector_store %arg15[%swap3A_624, %swap3A_625], %mul3A_623 {strides = array<i32>} : memref<128x64xf32, #tpu.memory_space<vmem>>, vector<16xf32>,
        %get3A_627 = arith.index_cast %add3A_616 : i32 to index
        %get3A_628 = arith.constant 16 : index
        %get3A_629 = tpu.vector_load %arg15[%get3A_627, %get3A_628] {strides = array<i32>} : memref<128x64xf32, #tpu.memory_space<vmem>>, vector<16xf32>,
        %mul3A_630 = arith.mulf %get3A_629, %broadcast_in_dim3A_619 : vector<16xf32>
        %swap3A_631 = arith.index_cast %add3A_616 : i32 to index
        %swap3A_632 = arith.constant 16 : index
        %swap3A_633 = tpu.vector_load %arg15[%swap3A_631, %swap3A_632] {strides = array<i32>} : memref<128x64xf32, #tpu.memory_space<vmem>>, vector<16xf32>,
        tpu.vector_store %arg15[%swap3A_631, %swap3A_632], %mul3A_630 {strides = array<i32>} : memref<128x64xf32, #tpu.memory_space<vmem>>, vector<16xf32>,
        %get3A_634 = arith.index_cast %add3A_616 : i32 to index
        %get3A_635 = arith.constant 32 : index
        %get3A_636 = tpu.vector_load %arg15[%get3A_634, %get3A_635] {strides = array<i32>} : memref<128x64xf32, #tpu.memory_space<vmem>>, vector<16xf32>,
        %mul3A_637 = arith.mulf %get3A_636, %broadcast_in_dim3A_619 : vector<16xf32>
        %swap3A_638 = arith.index_cast %add3A_616 : i32 to index
        %swap3A_639 = arith.constant 32 : index
        %swap3A_640 = tpu.vector_load %arg15[%swap3A_638, %swap3A_639] {strides = array<i32>} : memref<128x64xf32, #tpu.memory_space<vmem>>, vector<16xf32>,
        tpu.vector_store %arg15[%swap3A_638, %swap3A_639], %mul3A_637 {strides = array<i32>} : memref<128x64xf32, #tpu.memory_space<vmem>>, vector<16xf32>,
        %get3A_641 = arith.index_cast %add3A_616 : i32 to index
        %get3A_642 = arith.constant 48 : index
        %get3A_643 = tpu.vector_load %arg15[%get3A_641, %get3A_642] {strides = array<i32>} : memref<128x64xf32, #tpu.memory_space<vmem>>, vector<16xf32>,
        %mul3A_644 = arith.mulf %get3A_643, %broadcast_in_dim3A_619 : vector<16xf32>
        %swap3A_645 = arith.index_cast %add3A_616 : i32 to index
        %swap3A_646 = arith.constant 48 : index
        %swap3A_647 = tpu.vector_load %arg15[%swap3A_645, %swap3A_646] {strides = array<i32>} : memref<128x64xf32, #tpu.memory_space<vmem>>, vector<16xf32>,
        tpu.vector_store %arg15[%swap3A_645, %swap3A_646], %mul3A_644 {strides = array<i32>} : memref<128x64xf32, #tpu.memory_space<vmem>>, vector<16xf32>,
        %mul3A_648 = arith.constant 16 : i32
        %mul3A_649 = arith.muli %scan3A_118, %mul3A_648 : i32
        %add3A_650 = arith.constant 15 : i32
        %add3A_651 = arith.addi %mul3A_649, %add3A_650 : i32
        %slice3A_652 = vector.extract_strided_slice %get3A_125 {offsets = [15], sizes = [1], strides = [1]} : vector<16xf32> to vector<1xf32>
        %squeeze3A_653 = vector.extract %slice3A_652[0] : f32 from vector<1xf32>
        %broadcast_in_dim3A_654 = vector.broadcast %squeeze3A_653 : f32 to vector<16xf32>
        %get3A_655 = arith.index_cast %add3A_651 : i32 to index
        %get3A_656 = arith.constant 0 : index
        %get3A_657 = tpu.vector_load %arg15[%get3A_655, %get3A_656] {strides = array<i32>} : memref<128x64xf32, #tpu.memory_space<vmem>>, vector<16xf32>,
        %mul3A_658 = arith.mulf %get3A_657, %broadcast_in_dim3A_654 : vector<16xf32>
        %swap3A_659 = arith.index_cast %add3A_651 : i32 to index
        %swap3A_660 = arith.constant 0 : index
        %swap3A_661 = tpu.vector_load %arg15[%swap3A_659, %swap3A_660] {strides = array<i32>} : memref<128x64xf32, #tpu.memory_space<vmem>>, vector<16xf32>,
        tpu.vector_store %arg15[%swap3A_659, %swap3A_660], %mul3A_658 {strides = array<i32>} : memref<128x64xf32, #tpu.memory_space<vmem>>, vector<16xf32>,
        %get3A_662 = arith.index_cast %add3A_651 : i32 to index
        %get3A_663 = arith.constant 16 : index
        %get3A_664 = tpu.vector_load %arg15[%get3A_662, %get3A_663] {strides = array<i32>} : memref<128x64xf32, #tpu.memory_space<vmem>>, vector<16xf32>,
        %mul3A_665 = arith.mulf %get3A_664, %broadcast_in_dim3A_654 : vector<16xf32>
        %swap3A_666 = arith.index_cast %add3A_651 : i32 to index
        %swap3A_667 = arith.constant 16 : index
        %swap3A_668 = tpu.vector_load %arg15[%swap3A_666, %swap3A_667] {strides = array<i32>} : memref<128x64xf32, #tpu.memory_space<vmem>>, vector<16xf32>,
        tpu.vector_store %arg15[%swap3A_666, %swap3A_667], %mul3A_665 {strides = array<i32>} : memref<128x64xf32, #tpu.memory_space<vmem>>, vector<16xf32>,
        %get3A_669 = arith.index_cast %add3A_651 : i32 to index
        %get3A_670 = arith.constant 32 : index
        %get3A_671 = tpu.vector_load %arg15[%get3A_669, %get3A_670] {strides = array<i32>} : memref<128x64xf32, #tpu.memory_space<vmem>>, vector<16xf32>,
        %mul3A_672 = arith.mulf %get3A_671, %broadcast_in_dim3A_654 : vector<16xf32>
        %swap3A_673 = arith.index_cast %add3A_651 : i32 to index
        %swap3A_674 = arith.constant 32 : index
        %swap3A_675 = tpu.vector_load %arg15[%swap3A_673, %swap3A_674] {strides = array<i32>} : memref<128x64xf32, #tpu.memory_space<vmem>>, vector<16xf32>,
        tpu.vector_store %arg15[%swap3A_673, %swap3A_674], %mul3A_672 {strides = array<i32>} : memref<128x64xf32, #tpu.memory_space<vmem>>, vector<16xf32>,
        %get3A_676 = arith.index_cast %add3A_651 : i32 to index
        %get3A_677 = arith.constant 48 : index
        %get3A_678 = tpu.vector_load %arg15[%get3A_676, %get3A_677] {strides = array<i32>} : memref<128x64xf32, #tpu.memory_space<vmem>>, vector<16xf32>,
        %mul3A_679 = arith.mulf %get3A_678, %broadcast_in_dim3A_654 : vector<16xf32>
        %swap3A_680 = arith.index_cast %add3A_651 : i32 to index
        %swap3A_681 = arith.constant 48 : index
        %swap3A_682 = tpu.vector_load %arg15[%swap3A_680, %swap3A_681] {strides = array<i32>} : memref<128x64xf32, #tpu.memory_space<vmem>>, vector<16xf32>,
        tpu.vector_store %arg15[%swap3A_680, %swap3A_681], %mul3A_679 {strides = array<i32>} : memref<128x64xf32, #tpu.memory_space<vmem>>, vector<16xf32>,
        %scan3A_683 = arith.constant 0 : i32
        scf.yield %scan3A_683 : i32
      }
      %scan3A_116 = arith.constant 8 : i32
      "tpu.region"() ({
        %run_scoped3A_118 = tpu.sem_alloc : memref<!tpu.dma_semaphore, #tpu.memory_space<semaphore_mem>>
        %dma_start3A_119 = arith.constant 0 : i32
        %dma_start3A_120 = arith.constant 0 : i32
        %dma_start3A_121 = tpu.memref_slice %arg6[%arg0, %dma_start3A_119, %dma_start3A_120] : memref<2x10240x128xf32, #tpu.memory_space<hbm>> -> memref<1x10240x128xf32, #tpu.memory_space<hbm>>
        %dma_start3A_122 = tpu.memref_squeeze %dma_start3A_121 : memref<1x10240x128xf32, #tpu.memory_space<hbm>> -> memref<10240x128xf32, #tpu.memory_space<hbm>>
        %dma_start3A_123 = arith.constant 0 : i32
        %dma_start3A_124 = tpu.memref_slice %dma_start3A_122[%add3A, %dma_start3A_123] : memref<10240x128xf32, #tpu.memory_space<hbm>> -> memref<128x64xf32, #tpu.memory_space<hbm>>
        %dma_start3A_125 = arith.constant 0 : i32
        %dma_start3A_126 = arith.constant 0 : i32
        %dma_start3A_127 = tpu.memref_slice %arg6[%arg0, %dma_start3A_125, %dma_start3A_126] : memref<2x10240x128xf32, #tpu.memory_space<hbm>> -> memref<1x10240x128xf32, #tpu.memory_space<hbm>>
        %dma_start3A_128 = tpu.memref_squeeze %dma_start3A_127 : memref<1x10240x128xf32, #tpu.memory_space<hbm>> -> memref<10240x128xf32, #tpu.memory_space<hbm>>
        %dma_start3A_129 = arith.constant 0 : i32
        %dma_start3A_130 = tpu.memref_slice %dma_start3A_128[%add3A, %dma_start3A_129] : memref<10240x128xf32, #tpu.memory_space<hbm>> -> memref<128x64xf32, #tpu.memory_space<hbm>>
        tpu.enqueue_dma source(%arg15 : memref<128x64xf32, #tpu.memory_space<vmem>>) target(%dma_start3A_130 : memref<128x64xf32, #tpu.memory_space<hbm>>) target_semaphore(%run_scoped3A_118 : memref<!tpu.dma_semaphore, #tpu.memory_space<semaphore_mem>>)
        %dma_wait3A = arith.constant 0 : i32
        %dma_wait3A_131 = arith.constant 0 : i32
        %dma_wait3A_132 = tpu.memref_slice %arg6[%arg0, %dma_wait3A, %dma_wait3A_131] : memref<2x10240x128xf32, #tpu.memory_space<hbm>> -> memref<1x10240x128xf32, #tpu.memory_space<hbm>>
        %dma_wait3A_133 = tpu.memref_squeeze %dma_wait3A_132 : memref<1x10240x128xf32, #tpu.memory_space<hbm>> -> memref<10240x128xf32, #tpu.memory_space<hbm>>
        %dma_wait3A_134 = arith.constant 0 : i32
        %dma_wait3A_135 = tpu.memref_slice %dma_wait3A_133[%add3A, %dma_wait3A_134] : memref<10240x128xf32, #tpu.memory_space<hbm>> -> memref<128x64xf32, #tpu.memory_space<hbm>>
        %dma_wait3A_136 = arith.constant 0 : i32
        %dma_wait3A_137 = arith.constant 0 : i32
        %dma_wait3A_138 = tpu.memref_slice %arg6[%arg0, %dma_wait3A_136, %dma_wait3A_137] : memref<2x10240x128xf32, #tpu.memory_space<hbm>> -> memref<1x10240x128xf32, #tpu.memory_space<hbm>>
        %dma_wait3A_139 = tpu.memref_squeeze %dma_wait3A_138 : memref<1x10240x128xf32, #tpu.memory_space<hbm>> -> memref<10240x128xf32, #tpu.memory_space<hbm>>
        %dma_wait3A_140 = arith.constant 0 : i32
        %dma_wait3A_141 = tpu.memref_slice %dma_wait3A_139[%add3A, %dma_wait3A_140] : memref<10240x128xf32, #tpu.memory_space<hbm>> -> memref<128x64xf32, #tpu.memory_space<hbm>>
        tpu.wait_dma2 semaphore(%run_scoped3A_118 : memref<!tpu.dma_semaphore, #tpu.memory_space<semaphore_mem>>) src(%arg15 : memref<128x64xf32, #tpu.memory_space<vmem>>) dst(%dma_wait3A_141 : memref<128x64xf32, #tpu.memory_space<hbm>>)
        tpu.yield
      }) : () -> ()
      %scan3A_117 = arith.constant 0 : i32
      scf.yield %scan3A_117 : i32
    }
    %scan3A_56 = arith.constant 5 : i32
    "tpu.trace_stop"() : () -> ()
    %barrier3A_57 = arith.constant 0 : index
    tpu.barrier barrier_id(%barrier3A_57)
    %scan3A_58 = arith.constant 0 : i32
    %scan3A_59 = arith.constant 0 : i32
    %scan3A_60 = arith.constant 250 : i32
    %scan3A_61 = arith.addi %scan3A_59, %scan3A_60 : i32
    %scan3A_62 = arith.constant 1 : i32
    %scan3A_63 = scf.for %scan3A_104 = %scan3A_59 to %scan3A_61 step %scan3A_62 iter_args(%scan3A_105 = %scan3A_58) -> (i32)  : i32 {
      %get3A = arith.index_cast %scan3A_104 : i32 to index
      %get3A_106 = arith.constant 0 : index
      %get3A_107 = tpu.vector_load %arg8[%get3A, %get3A_106] {strides = array<i32>} : memref<250x80xi32, #tpu.memory_space<vmem>>, vector<16xi32>,
      %add3A = arith.addi %get3A_107, %broadcast_in_dim3A_5 : vector<16xi32>
      %swap3A = arith.index_cast %scan3A_104 : i32 to index
      %swap3A_108 = arith.constant 0 : index
      %swap3A_109 = tpu.vector_load %arg8[%swap3A, %swap3A_108] {strides = array<i32>} : memref<250x80xi32, #tpu.memory_space<vmem>>, vector<16xi32>,
      tpu.vector_store %arg8[%swap3A, %swap3A_108], %add3A {strides = array<i32>} : memref<250x80xi32, #tpu.memory_space<vmem>>, vector<16xi32>,
      %get3A_110 = arith.index_cast %scan3A_104 : i32 to index
      %get3A_111 = arith.constant 16 : index
      %get3A_112 = tpu.vector_load %arg8[%get3A_110, %get3A_111] {strides = array<i32>} : memref<250x80xi32, #tpu.memory_space<vmem>>, vector<16xi32>,
      %add3A_113 = arith.addi %get3A_112, %broadcast_in_dim3A_5 : vector<16xi32>
      %swap3A_114 = arith.index_cast %scan3A_104 : i32 to index
      %swap3A_115 = arith.constant 16 : index
      %swap3A_116 = tpu.vector_load %arg8[%swap3A_114, %swap3A_115] {strides = array<i32>} : memref<250x80xi32, #tpu.memory_space<vmem>>, vector<16xi32>,
      tpu.vector_store %arg8[%swap3A_114, %swap3A_115], %add3A_113 {strides = array<i32>} : memref<250x80xi32, #tpu.memory_space<vmem>>, vector<16xi32>,
      %get3A_117 = arith.index_cast %scan3A_104 : i32 to index
      %get3A_118 = arith.constant 32 : index
      %get3A_119 = tpu.vector_load %arg8[%get3A_117, %get3A_118] {strides = array<i32>} : memref<250x80xi32, #tpu.memory_space<vmem>>, vector<16xi32>,
      %add3A_120 = arith.addi %get3A_119, %broadcast_in_dim3A_5 : vector<16xi32>
      %swap3A_121 = arith.index_cast %scan3A_104 : i32 to index
      %swap3A_122 = arith.constant 32 : index
      %swap3A_123 = tpu.vector_load %arg8[%swap3A_121, %swap3A_122] {strides = array<i32>} : memref<250x80xi32, #tpu.memory_space<vmem>>, vector<16xi32>,
      tpu.vector_store %arg8[%swap3A_121, %swap3A_122], %add3A_120 {strides = array<i32>} : memref<250x80xi32, #tpu.memory_space<vmem>>, vector<16xi32>,
      %get3A_124 = arith.index_cast %scan3A_104 : i32 to index
      %get3A_125 = arith.constant 48 : index
      %get3A_126 = tpu.vector_load %arg8[%get3A_124, %get3A_125] {strides = array<i32>} : memref<250x80xi32, #tpu.memory_space<vmem>>, vector<16xi32>,
      %add3A_127 = arith.addi %get3A_126, %broadcast_in_dim3A_5 : vector<16xi32>
      %swap3A_128 = arith.index_cast %scan3A_104 : i32 to index
      %swap3A_129 = arith.constant 48 : index
      %swap3A_130 = tpu.vector_load %arg8[%swap3A_128, %swap3A_129] {strides = array<i32>} : memref<250x80xi32, #tpu.memory_space<vmem>>, vector<16xi32>,
      tpu.vector_store %arg8[%swap3A_128, %swap3A_129], %add3A_127 {strides = array<i32>} : memref<250x80xi32, #tpu.memory_space<vmem>>, vector<16xi32>,
      %get3A_131 = arith.index_cast %scan3A_104 : i32 to index
      %get3A_132 = arith.constant 64 : index
      %get3A_133 = tpu.vector_load %arg8[%get3A_131, %get3A_132] {strides = array<i32>} : memref<250x80xi32, #tpu.memory_space<vmem>>, vector<16xi32>,
      %add3A_134 = arith.addi %get3A_133, %broadcast_in_dim3A_5 : vector<16xi32>
      %swap3A_135 = arith.index_cast %scan3A_104 : i32 to index
      %swap3A_136 = arith.constant 64 : index
      %swap3A_137 = tpu.vector_load %arg8[%swap3A_135, %swap3A_136] {strides = array<i32>} : memref<250x80xi32, #tpu.memory_space<vmem>>, vector<16xi32>,
      tpu.vector_store %arg8[%swap3A_135, %swap3A_136], %add3A_134 {strides = array<i32>} : memref<250x80xi32, #tpu.memory_space<vmem>>, vector<16xi32>,
      %scan3A_138 = arith.constant 0 : i32
      scf.yield %scan3A_138 : i32
    }
    %scan3A_64 = arith.constant 250 : i32
    %run_scoped3A_65 = arith.constant 1 : i32
    "tpu.region"() ({
      %run_scoped3A_104 = tpu.sem_alloc : memref<!tpu.dma_semaphore, #tpu.memory_space<semaphore_mem>>
      %dma_start3A_105 = arith.constant 0 : i32
      %dma_start3A_106 = tpu.memref_slice %arg16[%mul3A_0, %dma_start3A_105] : memref<10256x64xf32, #tpu.memory_space<vmem_shared>> -> memref<640x64xf32, #tpu.memory_space<vmem_shared>>
      %dma_start3A_107 = arith.constant 0 : i32
      %dma_start3A_108 = arith.constant 0 : i32
      %dma_start3A_109 = tpu.memref_slice %arg3[%arg0, %run_scoped3A_65, %dma_start3A_107, %dma_start3A_108] : memref<2x2x10240x64xf32, #tpu.memory_space<hbm>> -> memref<1x1x10240x64xf32, #tpu.memory_space<hbm>>
      %dma_start3A_110 = tpu.memref_squeeze %dma_start3A_109 : memref<1x1x10240x64xf32, #tpu.memory_space<hbm>> -> memref<10240x64xf32, #tpu.memory_space<hbm>>
      %dma_start3A_111 = arith.constant 0 : i32
      %dma_start3A_112 = tpu.memref_slice %dma_start3A_110[%mul3A_0, %dma_start3A_111] : memref<10240x64xf32, #tpu.memory_space<hbm>> -> memref<640x64xf32, #tpu.memory_space<hbm>>
      tpu.enqueue_dma source(%dma_start3A_112 : memref<640x64xf32, #tpu.memory_space<hbm>>) target(%dma_start3A_106 : memref<640x64xf32, #tpu.memory_space<vmem_shared>>) target_semaphore(%run_scoped3A_104 : memref<!tpu.dma_semaphore, #tpu.memory_space<semaphore_mem>>)
      %dma_wait3A = arith.constant 0 : i32
      %dma_wait3A_113 = tpu.memref_slice %arg16[%mul3A_0, %dma_wait3A] : memref<10256x64xf32, #tpu.memory_space<vmem_shared>> -> memref<640x64xf32, #tpu.memory_space<vmem_shared>>
      %dma_wait3A_114 = arith.constant 0 : i32
      %dma_wait3A_115 = arith.constant 0 : i32
      %dma_wait3A_116 = tpu.memref_slice %arg3[%arg0, %run_scoped3A_65, %dma_wait3A_114, %dma_wait3A_115] : memref<2x2x10240x64xf32, #tpu.memory_space<hbm>> -> memref<1x1x10240x64xf32, #tpu.memory_space<hbm>>
      %dma_wait3A_117 = tpu.memref_squeeze %dma_wait3A_116 : memref<1x1x10240x64xf32, #tpu.memory_space<hbm>> -> memref<10240x64xf32, #tpu.memory_space<hbm>>
      %dma_wait3A_118 = arith.constant 0 : i32
      %dma_wait3A_119 = tpu.memref_slice %dma_wait3A_117[%mul3A_0, %dma_wait3A_118] : memref<10240x64xf32, #tpu.memory_space<hbm>> -> memref<640x64xf32, #tpu.memory_space<hbm>>
      tpu.wait_dma2 semaphore(%run_scoped3A_104 : memref<!tpu.dma_semaphore, #tpu.memory_space<semaphore_mem>>) src(%dma_wait3A_119 : memref<640x64xf32, #tpu.memory_space<hbm>>) dst(%dma_wait3A_113 : memref<640x64xf32, #tpu.memory_space<vmem_shared>>)
      tpu.yield
    }) : () -> ()
    %dma_start3A_66 = arith.constant 0 : i32
    %dma_start3A_67 = arith.constant 0 : i32
    %dma_start3A_68 = tpu.memref_slice %arg8[%dma_start3A_66, %dma_start3A_67] : memref<250x80xi32, #tpu.memory_space<vmem>> -> memref<1x80xi32, #tpu.memory_space<vmem>>
    %dma_start3A_69 = tpu.memref_squeeze %dma_start3A_68 : memref<1x80xi32, #tpu.memory_space<vmem>> -> memref<80xi32, #tpu.memory_space<vmem>>
    %dma_start3A_70 = arith.constant 0 : i32
    %dma_start3A_71 = arith.constant 0 : i32
    %dma_start3A_72 = tpu.memref_slice %arg2[%arg0, %dma_start3A_70, %dma_start3A_71] : memref<2x20480x64xf32, #tpu.memory_space<hbm>> -> memref<1x20480x64xf32, #tpu.memory_space<hbm>>
    %dma_start3A_73 = tpu.memref_squeeze %dma_start3A_72 : memref<1x20480x64xf32, #tpu.memory_space<hbm>> -> memref<20480x64xf32, #tpu.memory_space<hbm>>
    %dma_start3A_74 = arith.constant 0 : i32
    %dma_start3A_75 = arith.constant 0 : i32
    %dma_start3A_76 = tpu.memref_slice %dma_start3A_73[%dma_start3A_74, %dma_start3A_75] : memref<20480x64xf32, #tpu.memory_space<hbm>> -> memref<20480x64xf32, #tpu.memory_space<hbm>>
    tpu.enqueue_indirect_dma source(%dma_start3A_76 : memref<20480x64xf32, #tpu.memory_space<hbm>>) target(%arg10 : memref<80x64xf32, #tpu.memory_space<vmem>>) offsets(%dma_start3A_69 : memref<80xi32, #tpu.memory_space<vmem>>) semaphore(%arg17 : memref<!tpu.dma_semaphore, #tpu.memory_space<semaphore_mem>>)
    %dma_start3A_77 = arith.constant 1 : i32
    %dma_start3A_78 = arith.constant 0 : i32
    %dma_start3A_79 = tpu.memref_slice %arg8[%dma_start3A_77, %dma_start3A_78] : memref<250x80xi32, #tpu.memory_space<vmem>> -> memref<1x80xi32, #tpu.memory_space<vmem>>
    %dma_start3A_80 = tpu.memref_squeeze %dma_start3A_79 : memref<1x80xi32, #tpu.memory_space<vmem>> -> memref<80xi32, #tpu.memory_space<vmem>>
    %dma_start3A_81 = arith.constant 0 : i32
    %dma_start3A_82 = arith.constant 0 : i32
    %dma_start3A_83 = tpu.memref_slice %arg2[%arg0, %dma_start3A_81, %dma_start3A_82] : memref<2x20480x64xf32, #tpu.memory_space<hbm>> -> memref<1x20480x64xf32, #tpu.memory_space<hbm>>
    %dma_start3A_84 = tpu.memref_squeeze %dma_start3A_83 : memref<1x20480x64xf32, #tpu.memory_space<hbm>> -> memref<20480x64xf32, #tpu.memory_space<hbm>>
    %dma_start3A_85 = arith.constant 0 : i32
    %dma_start3A_86 = arith.constant 0 : i32
    %dma_start3A_87 = tpu.memref_slice %dma_start3A_84[%dma_start3A_85, %dma_start3A_86] : memref<20480x64xf32, #tpu.memory_space<hbm>> -> memref<20480x64xf32, #tpu.memory_space<hbm>>
    tpu.enqueue_indirect_dma source(%dma_start3A_87 : memref<20480x64xf32, #tpu.memory_space<hbm>>) target(%arg11 : memref<80x64xf32, #tpu.memory_space<vmem>>) offsets(%dma_start3A_80 : memref<80xi32, #tpu.memory_space<vmem>>) semaphore(%arg18 : memref<!tpu.dma_semaphore, #tpu.memory_space<semaphore_mem>>)
    %barrier3A_88 = arith.constant 0 : index
    tpu.barrier barrier_id(%barrier3A_88)
    "tpu.trace_start"() <{level = 10 : i32, message = "edges1"}> : () -> ()
    %scan3A_89 = arith.constant 0 : i32
    %scan3A_90 = arith.constant 0 : i32
    %scan3A_91 = arith.constant 125 : i32
    %scan3A_92 = arith.addi %scan3A_90, %scan3A_91 : i32
    %scan3A_93 = arith.constant 1 : i32
    %scan3A_94 = scf.for %scan3A_104 = %scan3A_90 to %scan3A_92 step %scan3A_93 iter_args(%scan3A_105 = %scan3A_89) -> (i32)  : i32 {
      %mul3A_106 = arith.constant 2 : i32
      %mul3A_107 = arith.muli %mul3A_106, %scan3A_104 : i32
      %add3A = arith.constant 0 : i32
      %add3A_108 = arith.addi %mul3A_107, %add3A : i32
      %dma_wait3A = arith.constant 0 : i32
      %dma_wait3A_109 = tpu.memref_slice %arg8[%add3A_108, %dma_wait3A] : memref<250x80xi32, #tpu.memory_space<vmem>> -> memref<1x80xi32, #tpu.memory_space<vmem>>
      %dma_wait3A_110 = tpu.memref_squeeze %dma_wait3A_109 : memref<1x80xi32, #tpu.memory_space<vmem>> -> memref<80xi32, #tpu.memory_space<vmem>>
      %dma_wait3A_111 = arith.constant 0 : i32
      %dma_wait3A_112 = arith.constant 0 : i32
      %dma_wait3A_113 = tpu.memref_slice %arg2[%arg0, %dma_wait3A_111, %dma_wait3A_112] : memref<2x20480x64xf32, #tpu.memory_space<hbm>> -> memref<1x20480x64xf32, #tpu.memory_space<hbm>>
      %dma_wait3A_114 = tpu.memref_squeeze %dma_wait3A_113 : memref<1x20480x64xf32, #tpu.memory_space<hbm>> -> memref<20480x64xf32, #tpu.memory_space<hbm>>
      %dma_wait3A_115 = arith.constant 0 : i32
      %dma_wait3A_116 = arith.constant 0 : i32
      %dma_wait3A_117 = tpu.memref_slice %dma_wait3A_114[%dma_wait3A_115, %dma_wait3A_116] : memref<20480x64xf32, #tpu.memory_space<hbm>> -> memref<20480x64xf32, #tpu.memory_space<hbm>>
      tpu.wait_indirect_dma semaphore(%arg17 : memref<!tpu.dma_semaphore, #tpu.memory_space<semaphore_mem>>) src(%dma_wait3A_117 : memref<20480x64xf32, #tpu.memory_space<hbm>>) dst(%arg10 : memref<80x64xf32, #tpu.memory_space<vmem>>)
      %dma_start3A_118 = arith.constant 0 : i32
      %dma_start3A_119 = tpu.memref_slice %arg9[%add3A_108, %dma_start3A_118] : memref<250x80xi32, #tpu.memory_space<vmem>> -> memref<1x80xi32, #tpu.memory_space<vmem>>
      %dma_start3A_120 = tpu.memref_squeeze %dma_start3A_119 : memref<1x80xi32, #tpu.memory_space<vmem>> -> memref<80xi32, #tpu.memory_space<vmem>>
      %dma_start3A_121 = arith.constant 0 : i32
      %dma_start3A_122 = arith.constant 0 : i32
      %dma_start3A_123 = tpu.memref_slice %arg16[%dma_start3A_121, %dma_start3A_122] : memref<10256x64xf32, #tpu.memory_space<vmem_shared>> -> memref<10256x64xf32, #tpu.memory_space<vmem_shared>>
      tpu.enqueue_indirect_dma source(%arg10 : memref<80x64xf32, #tpu.memory_space<vmem>>) target(%dma_start3A_123 : memref<10256x64xf32, #tpu.memory_space<vmem_shared>>) offsets(%dma_start3A_120 : memref<80xi32, #tpu.memory_space<vmem>>) semaphore(%arg19 : memref<!tpu.dma_semaphore, #tpu.memory_space<semaphore_mem>>) {add = true}
      %dma_wait3A_124 = arith.constant 0 : i32
      %dma_wait3A_125 = tpu.memref_slice %arg9[%add3A_108, %dma_wait3A_124] : memref<250x80xi32, #tpu.memory_space<vmem>> -> memref<1x80xi32, #tpu.memory_space<vmem>>
      %dma_wait3A_126 = tpu.memref_squeeze %dma_wait3A_125 : memref<1x80xi32, #tpu.memory_space<vmem>> -> memref<80xi32, #tpu.memory_space<vmem>>
      %dma_wait3A_127 = arith.constant 0 : i32
      %dma_wait3A_128 = arith.constant 0 : i32
      %dma_wait3A_129 = tpu.memref_slice %arg16[%dma_wait3A_127, %dma_wait3A_128] : memref<10256x64xf32, #tpu.memory_space<vmem_shared>> -> memref<10256x64xf32, #tpu.memory_space<vmem_shared>>
      tpu.wait_indirect_dma semaphore(%arg19 : memref<!tpu.dma_semaphore, #tpu.memory_space<semaphore_mem>>) src(%arg10 : memref<80x64xf32, #tpu.memory_space<vmem>>) dst(%dma_wait3A_129 : memref<10256x64xf32, #tpu.memory_space<vmem_shared>>)
      %lt3A = arith.constant 248 : i32
      %lt3A_130 = arith.cmpi slt, %add3A_108, %lt3A : i32
      %convert_element_type3A = arith.extui %lt3A_130 : i1 to i32
      %cond3A = arith.constant 0 : i32
      %cond3A_131 = arith.cmpi ne, %convert_element_type3A, %cond3A : i32
      scf.if %cond3A_131 {
        %add3A_164 = arith.constant 2 : i32
        %add3A_165 = arith.addi %add3A_108, %add3A_164 : i32
        %dma_start3A_166 = arith.constant 0 : i32
        %dma_start3A_167 = tpu.memref_slice %arg8[%add3A_165, %dma_start3A_166] : memref<250x80xi32, #tpu.memory_space<vmem>> -> memref<1x80xi32, #tpu.memory_space<vmem>>
        %dma_start3A_168 = tpu.memref_squeeze %dma_start3A_167 : memref<1x80xi32, #tpu.memory_space<vmem>> -> memref<80xi32, #tpu.memory_space<vmem>>
        %dma_start3A_169 = arith.constant 0 : i32
        %dma_start3A_170 = arith.constant 0 : i32
        %dma_start3A_171 = tpu.memref_slice %arg2[%arg0, %dma_start3A_169, %dma_start3A_170] : memref<2x20480x64xf32, #tpu.memory_space<hbm>> -> memref<1x20480x64xf32, #tpu.memory_space<hbm>>
        %dma_start3A_172 = tpu.memref_squeeze %dma_start3A_171 : memref<1x20480x64xf32, #tpu.memory_space<hbm>> -> memref<20480x64xf32, #tpu.memory_space<hbm>>
        %dma_start3A_173 = arith.constant 0 : i32
        %dma_start3A_174 = arith.constant 0 : i32
        %dma_start3A_175 = tpu.memref_slice %dma_start3A_172[%dma_start3A_173, %dma_start3A_174] : memref<20480x64xf32, #tpu.memory_space<hbm>> -> memref<20480x64xf32, #tpu.memory_space<hbm>>
        tpu.enqueue_indirect_dma source(%dma_start3A_175 : memref<20480x64xf32, #tpu.memory_space<hbm>>) target(%arg10 : memref<80x64xf32, #tpu.memory_space<vmem>>) offsets(%dma_start3A_168 : memref<80xi32, #tpu.memory_space<vmem>>) semaphore(%arg17 : memref<!tpu.dma_semaphore, #tpu.memory_space<semaphore_mem>>)
      } else {
      }
      %mul3A_132 = arith.constant 2 : i32
      %mul3A_133 = arith.muli %mul3A_132, %scan3A_104 : i32
      %add3A_134 = arith.constant 1 : i32
      %add3A_135 = arith.addi %mul3A_133, %add3A_134 : i32
      %dma_wait3A_136 = arith.constant 0 : i32
      %dma_wait3A_137 = tpu.memref_slice %arg8[%add3A_135, %dma_wait3A_136] : memref<250x80xi32, #tpu.memory_space<vmem>> -> memref<1x80xi32, #tpu.memory_space<vmem>>
      %dma_wait3A_138 = tpu.memref_squeeze %dma_wait3A_137 : memref<1x80xi32, #tpu.memory_space<vmem>> -> memref<80xi32, #tpu.memory_space<vmem>>
      %dma_wait3A_139 = arith.constant 0 : i32
      %dma_wait3A_140 = arith.constant 0 : i32
      %dma_wait3A_141 = tpu.memref_slice %arg2[%arg0, %dma_wait3A_139, %dma_wait3A_140] : memref<2x20480x64xf32, #tpu.memory_space<hbm>> -> memref<1x20480x64xf32, #tpu.memory_space<hbm>>
      %dma_wait3A_142 = tpu.memref_squeeze %dma_wait3A_141 : memref<1x20480x64xf32, #tpu.memory_space<hbm>> -> memref<20480x64xf32, #tpu.memory_space<hbm>>
      %dma_wait3A_143 = arith.constant 0 : i32
      %dma_wait3A_144 = arith.constant 0 : i32
      %dma_wait3A_145 = tpu.memref_slice %dma_wait3A_142[%dma_wait3A_143, %dma_wait3A_144] : memref<20480x64xf32, #tpu.memory_space<hbm>> -> memref<20480x64xf32, #tpu.memory_space<hbm>>
      tpu.wait_indirect_dma semaphore(%arg18 : memref<!tpu.dma_semaphore, #tpu.memory_space<semaphore_mem>>) src(%dma_wait3A_145 : memref<20480x64xf32, #tpu.memory_space<hbm>>) dst(%arg11 : memref<80x64xf32, #tpu.memory_space<vmem>>)
      %dma_start3A_146 = arith.constant 0 : i32
      %dma_start3A_147 = tpu.memref_slice %arg9[%add3A_135, %dma_start3A_146] : memref<250x80xi32, #tpu.memory_space<vmem>> -> memref<1x80xi32, #tpu.memory_space<vmem>>
      %dma_start3A_148 = tpu.memref_squeeze %dma_start3A_147 : memref<1x80xi32, #tpu.memory_space<vmem>> -> memref<80xi32, #tpu.memory_space<vmem>>
      %dma_start3A_149 = arith.constant 0 : i32
      %dma_start3A_150 = arith.constant 0 : i32
      %dma_start3A_151 = tpu.memref_slice %arg16[%dma_start3A_149, %dma_start3A_150] : memref<10256x64xf32, #tpu.memory_space<vmem_shared>> -> memref<10256x64xf32, #tpu.memory_space<vmem_shared>>
      tpu.enqueue_indirect_dma source(%arg11 : memref<80x64xf32, #tpu.memory_space<vmem>>) target(%dma_start3A_151 : memref<10256x64xf32, #tpu.memory_space<vmem_shared>>) offsets(%dma_start3A_148 : memref<80xi32, #tpu.memory_space<vmem>>) semaphore(%arg20 : memref<!tpu.dma_semaphore, #tpu.memory_space<semaphore_mem>>) {add = true}
      %dma_wait3A_152 = arith.constant 0 : i32
      %dma_wait3A_153 = tpu.memref_slice %arg9[%add3A_135, %dma_wait3A_152] : memref<250x80xi32, #tpu.memory_space<vmem>> -> memref<1x80xi32, #tpu.memory_space<vmem>>
      %dma_wait3A_154 = tpu.memref_squeeze %dma_wait3A_153 : memref<1x80xi32, #tpu.memory_space<vmem>> -> memref<80xi32, #tpu.memory_space<vmem>>
      %dma_wait3A_155 = arith.constant 0 : i32
      %dma_wait3A_156 = arith.constant 0 : i32
      %dma_wait3A_157 = tpu.memref_slice %arg16[%dma_wait3A_155, %dma_wait3A_156] : memref<10256x64xf32, #tpu.memory_space<vmem_shared>> -> memref<10256x64xf32, #tpu.memory_space<vmem_shared>>
      tpu.wait_indirect_dma semaphore(%arg20 : memref<!tpu.dma_semaphore, #tpu.memory_space<semaphore_mem>>) src(%arg11 : memref<80x64xf32, #tpu.memory_space<vmem>>) dst(%dma_wait3A_157 : memref<10256x64xf32, #tpu.memory_space<vmem_shared>>)
      %lt3A_158 = arith.constant 248 : i32
      %lt3A_159 = arith.cmpi slt, %add3A_135, %lt3A_158 : i32
      %convert_element_type3A_160 = arith.extui %lt3A_159 : i1 to i32
      %cond3A_161 = arith.constant 0 : i32
      %cond3A_162 = arith.cmpi ne, %convert_element_type3A_160, %cond3A_161 : i32
      scf.if %cond3A_162 {
        %add3A_164 = arith.constant 2 : i32
        %add3A_165 = arith.addi %add3A_135, %add3A_164 : i32
        %dma_start3A_166 = arith.constant 0 : i32
        %dma_start3A_167 = tpu.memref_slice %arg8[%add3A_165, %dma_start3A_166] : memref<250x80xi32, #tpu.memory_space<vmem>> -> memref<1x80xi32, #tpu.memory_space<vmem>>
        %dma_start3A_168 = tpu.memref_squeeze %dma_start3A_167 : memref<1x80xi32, #tpu.memory_space<vmem>> -> memref<80xi32, #tpu.memory_space<vmem>>
        %dma_start3A_169 = arith.constant 0 : i32
        %dma_start3A_170 = arith.constant 0 : i32
        %dma_start3A_171 = tpu.memref_slice %arg2[%arg0, %dma_start3A_169, %dma_start3A_170] : memref<2x20480x64xf32, #tpu.memory_space<hbm>> -> memref<1x20480x64xf32, #tpu.memory_space<hbm>>
        %dma_start3A_172 = tpu.memref_squeeze %dma_start3A_171 : memref<1x20480x64xf32, #tpu.memory_space<hbm>> -> memref<20480x64xf32, #tpu.memory_space<hbm>>
        %dma_start3A_173 = arith.constant 0 : i32
        %dma_start3A_174 = arith.constant 0 : i32
        %dma_start3A_175 = tpu.memref_slice %dma_start3A_172[%dma_start3A_173, %dma_start3A_174] : memref<20480x64xf32, #tpu.memory_space<hbm>> -> memref<20480x64xf32, #tpu.memory_space<hbm>>
        tpu.enqueue_indirect_dma source(%dma_start3A_175 : memref<20480x64xf32, #tpu.memory_space<hbm>>) target(%arg11 : memref<80x64xf32, #tpu.memory_space<vmem>>) offsets(%dma_start3A_168 : memref<80xi32, #tpu.memory_space<vmem>>) semaphore(%arg18 : memref<!tpu.dma_semaphore, #tpu.memory_space<semaphore_mem>>)
      } else {
      }
      %scan3A_163 = arith.constant 0 : i32
      scf.yield %scan3A_163 : i32
    }
    %scan3A_95 = arith.constant 125 : i32
    "tpu.trace_stop"() : () -> ()
    %barrier3A_96 = arith.constant 0 : index
    tpu.barrier barrier_id(%barrier3A_96)
    "tpu.trace_start"() <{level = 10 : i32, message = "out1"}> : () -> ()
    %scan3A_97 = arith.constant 0 : i32
    %scan3A_98 = arith.constant 0 : i32
    %scan3A_99 = arith.constant 5 : i32
    %scan3A_100 = arith.addi %scan3A_98, %scan3A_99 : i32
    %scan3A_101 = arith.constant 1 : i32
    %scan3A_102 = scf.for %scan3A_104 = %scan3A_98 to %scan3A_100 step %scan3A_101 iter_args(%scan3A_105 = %scan3A_97) -> (i32)  : i32 {
      %mul3A_106 = arith.constant 640 : i32
      %mul3A_107 = arith.muli %arg1, %mul3A_106 : i32
      %mul3A_108 = arith.constant 128 : i32
      %mul3A_109 = arith.muli %scan3A_104, %mul3A_108 : i32
      %add3A = arith.addi %mul3A_107, %mul3A_109 : i32
      "tpu.region"() ({
        %run_scoped3A_118 = tpu.sem_alloc : memref<!tpu.dma_semaphore, #tpu.memory_space<semaphore_mem>>
        %dma_start3A_119 = arith.constant 0 : i32
        %dma_start3A_120 = tpu.memref_slice %arg16[%add3A, %dma_start3A_119] : memref<10256x64xf32, #tpu.memory_space<vmem_shared>> -> memref<128x64xf32, #tpu.memory_space<vmem_shared>>
        %dma_start3A_121 = arith.constant 0 : i32
        %dma_start3A_122 = tpu.memref_slice %arg16[%add3A, %dma_start3A_121] : memref<10256x64xf32, #tpu.memory_space<vmem_shared>> -> memref<128x64xf32, #tpu.memory_space<vmem_shared>>
        tpu.enqueue_dma source(%dma_start3A_122 : memref<128x64xf32, #tpu.memory_space<vmem_shared>>) target(%arg15 : memref<128x64xf32, #tpu.memory_space<vmem>>) target_semaphore(%run_scoped3A_118 : memref<!tpu.dma_semaphore, #tpu.memory_space<semaphore_mem>>)
        %dma_wait3A = arith.constant 0 : i32
        %dma_wait3A_123 = tpu.memref_slice %arg16[%add3A, %dma_wait3A] : memref<10256x64xf32, #tpu.memory_space<vmem_shared>> -> memref<128x64xf32, #tpu.memory_space<vmem_shared>>
        %dma_wait3A_124 = arith.constant 0 : i32
        %dma_wait3A_125 = tpu.memref_slice %arg16[%add3A, %dma_wait3A_124] : memref<10256x64xf32, #tpu.memory_space<vmem_shared>> -> memref<128x64xf32, #tpu.memory_space<vmem_shared>>
        tpu.wait_dma2 semaphore(%run_scoped3A_118 : memref<!tpu.dma_semaphore, #tpu.memory_space<semaphore_mem>>) src(%dma_wait3A_125 : memref<128x64xf32, #tpu.memory_space<vmem_shared>>) dst(%arg15 : memref<128x64xf32, #tpu.memory_space<vmem>>)
        tpu.yield
      }) : () -> ()
      %scan3A_110 = arith.constant 0 : i32
      %scan3A_111 = arith.constant 0 : i32
      %scan3A_112 = arith.constant 8 : i32
      %scan3A_113 = arith.addi %scan3A_111, %scan3A_112 : i32
      %scan3A_114 = arith.constant 1 : i32
      %scan3A_115 = scf.for %scan3A_118 = %scan3A_111 to %scan3A_113 step %scan3A_114 iter_args(%scan3A_119 = %scan3A_110) -> (i32)  : i32 {
        %mul3A_120 = arith.constant 128 : i32
        %mul3A_121 = arith.muli %scan3A_104, %mul3A_120 : i32
        %mul3A_122 = arith.constant 16 : i32
        %mul3A_123 = arith.muli %scan3A_118, %mul3A_122 : i32
        %add3A_124 = arith.addi %mul3A_121, %mul3A_123 : i32
        %get3A = arith.index_cast %add3A_124 : i32 to index
        %get3A_125 = tpu.vector_load %arg14[%get3A] {strides = array<i32>} : memref<640xf32, #tpu.memory_space<vmem>>, vector<16xf32>,
        %mul3A_126 = arith.constant 16 : i32
        %mul3A_127 = arith.muli %scan3A_118, %mul3A_126 : i32
        %add3A_128 = arith.constant 0 : i32
        %add3A_129 = arith.addi %mul3A_127, %add3A_128 : i32
        %slice3A = vector.extract_strided_slice %get3A_125 {offsets = [0], sizes = [1], strides = [1]} : vector<16xf32> to vector<1xf32>
        %squeeze3A = vector.extract %slice3A[0] : f32 from vector<1xf32>
        %broadcast_in_dim3A_130 = vector.broadcast %squeeze3A : f32 to vector<16xf32>
        %get3A_131 = arith.index_cast %add3A_129 : i32 to index
        %get3A_132 = arith.constant 0 : index
        %get3A_133 = tpu.vector_load %arg15[%get3A_131, %get3A_132] {strides = array<i32>} : memref<128x64xf32, #tpu.memory_space<vmem>>, vector<16xf32>,
        %mul3A_134 = arith.mulf %get3A_133, %broadcast_in_dim3A_130 : vector<16xf32>
        %swap3A = arith.index_cast %add3A_129 : i32 to index
        %swap3A_135 = arith.constant 0 : index
        %swap3A_136 = tpu.vector_load %arg15[%swap3A, %swap3A_135] {strides = array<i32>} : memref<128x64xf32, #tpu.memory_space<vmem>>, vector<16xf32>,
        tpu.vector_store %arg15[%swap3A, %swap3A_135], %mul3A_134 {strides = array<i32>} : memref<128x64xf32, #tpu.memory_space<vmem>>, vector<16xf32>,
        %get3A_137 = arith.index_cast %add3A_129 : i32 to index
        %get3A_138 = arith.constant 16 : index
        %get3A_139 = tpu.vector_load %arg15[%get3A_137, %get3A_138] {strides = array<i32>} : memref<128x64xf32, #tpu.memory_space<vmem>>, vector<16xf32>,
        %mul3A_140 = arith.mulf %get3A_139, %broadcast_in_dim3A_130 : vector<16xf32>
        %swap3A_141 = arith.index_cast %add3A_129 : i32 to index
        %swap3A_142 = arith.constant 16 : index
        %swap3A_143 = tpu.vector_load %arg15[%swap3A_141, %swap3A_142] {strides = array<i32>} : memref<128x64xf32, #tpu.memory_space<vmem>>, vector<16xf32>,
        tpu.vector_store %arg15[%swap3A_141, %swap3A_142], %mul3A_140 {strides = array<i32>} : memref<128x64xf32, #tpu.memory_space<vmem>>, vector<16xf32>,
        %get3A_144 = arith.index_cast %add3A_129 : i32 to index
        %get3A_145 = arith.constant 32 : index
        %get3A_146 = tpu.vector_load %arg15[%get3A_144, %get3A_145] {strides = array<i32>} : memref<128x64xf32, #tpu.memory_space<vmem>>, vector<16xf32>,
        %mul3A_147 = arith.mulf %get3A_146, %broadcast_in_dim3A_130 : vector<16xf32>
        %swap3A_148 = arith.index_cast %add3A_129 : i32 to index
        %swap3A_149 = arith.constant 32 : index
        %swap3A_150 = tpu.vector_load %arg15[%swap3A_148, %swap3A_149] {strides = array<i32>} : memref<128x64xf32, #tpu.memory_space<vmem>>, vector<16xf32>,
        tpu.vector_store %arg15[%swap3A_148, %swap3A_149], %mul3A_147 {strides = array<i32>} : memref<128x64xf32, #tpu.memory_space<vmem>>, vector<16xf32>,
        %get3A_151 = arith.index_cast %add3A_129 : i32 to index
        %get3A_152 = arith.constant 48 : index
        %get3A_153 = tpu.vector_load %arg15[%get3A_151, %get3A_152] {strides = array<i32>} : memref<128x64xf32, #tpu.memory_space<vmem>>, vector<16xf32>,
        %mul3A_154 = arith.mulf %get3A_153, %broadcast_in_dim3A_130 : vector<16xf32>
        %swap3A_155 = arith.index_cast %add3A_129 : i32 to index
        %swap3A_156 = arith.constant 48 : index
        %swap3A_157 = tpu.vector_load %arg15[%swap3A_155, %swap3A_156] {strides = array<i32>} : memref<128x64xf32, #tpu.memory_space<vmem>>, vector<16xf32>,
        tpu.vector_store %arg15[%swap3A_155, %swap3A_156], %mul3A_154 {strides = array<i32>} : memref<128x64xf32, #tpu.memory_space<vmem>>, vector<16xf32>,
        %mul3A_158 = arith.constant 16 : i32
        %mul3A_159 = arith.muli %scan3A_118, %mul3A_158 : i32
        %add3A_160 = arith.constant 1 : i32
        %add3A_161 = arith.addi %mul3A_159, %add3A_160 : i32
        %slice3A_162 = vector.extract_strided_slice %get3A_125 {offsets = [1], sizes = [1], strides = [1]} : vector<16xf32> to vector<1xf32>
        %squeeze3A_163 = vector.extract %slice3A_162[0] : f32 from vector<1xf32>
        %broadcast_in_dim3A_164 = vector.broadcast %squeeze3A_163 : f32 to vector<16xf32>
        %get3A_165 = arith.index_cast %add3A_161 : i32 to index
        %get3A_166 = arith.constant 0 : index
        %get3A_167 = tpu.vector_load %arg15[%get3A_165, %get3A_166] {strides = array<i32>} : memref<128x64xf32, #tpu.memory_space<vmem>>, vector<16xf32>,
        %mul3A_168 = arith.mulf %get3A_167, %broadcast_in_dim3A_164 : vector<16xf32>
        %swap3A_169 = arith.index_cast %add3A_161 : i32 to index
        %swap3A_170 = arith.constant 0 : index
        %swap3A_171 = tpu.vector_load %arg15[%swap3A_169, %swap3A_170] {strides = array<i32>} : memref<128x64xf32, #tpu.memory_space<vmem>>, vector<16xf32>,
        tpu.vector_store %arg15[%swap3A_169, %swap3A_170], %mul3A_168 {strides = array<i32>} : memref<128x64xf32, #tpu.memory_space<vmem>>, vector<16xf32>,
        %get3A_172 = arith.index_cast %add3A_161 : i32 to index
        %get3A_173 = arith.constant 16 : index
        %get3A_174 = tpu.vector_load %arg15[%get3A_172, %get3A_173] {strides = array<i32>} : memref<128x64xf32, #tpu.memory_space<vmem>>, vector<16xf32>,
        %mul3A_175 = arith.mulf %get3A_174, %broadcast_in_dim3A_164 : vector<16xf32>
        %swap3A_176 = arith.index_cast %add3A_161 : i32 to index
        %swap3A_177 = arith.constant 16 : index
        %swap3A_178 = tpu.vector_load %arg15[%swap3A_176, %swap3A_177] {strides = array<i32>} : memref<128x64xf32, #tpu.memory_space<vmem>>, vector<16xf32>,
        tpu.vector_store %arg15[%swap3A_176, %swap3A_177], %mul3A_175 {strides = array<i32>} : memref<128x64xf32, #tpu.memory_space<vmem>>, vector<16xf32>,
        %get3A_179 = arith.index_cast %add3A_161 : i32 to index
        %get3A_180 = arith.constant 32 : index
        %get3A_181 = tpu.vector_load %arg15[%get3A_179, %get3A_180] {strides = array<i32>} : memref<128x64xf32, #tpu.memory_space<vmem>>, vector<16xf32>,
        %mul3A_182 = arith.mulf %get3A_181, %broadcast_in_dim3A_164 : vector<16xf32>
        %swap3A_183 = arith.index_cast %add3A_161 : i32 to index
        %swap3A_184 = arith.constant 32 : index
        %swap3A_185 = tpu.vector_load %arg15[%swap3A_183, %swap3A_184] {strides = array<i32>} : memref<128x64xf32, #tpu.memory_space<vmem>>, vector<16xf32>,
        tpu.vector_store %arg15[%swap3A_183, %swap3A_184], %mul3A_182 {strides = array<i32>} : memref<128x64xf32, #tpu.memory_space<vmem>>, vector<16xf32>,
        %get3A_186 = arith.index_cast %add3A_161 : i32 to index
        %get3A_187 = arith.constant 48 : index
        %get3A_188 = tpu.vector_load %arg15[%get3A_186, %get3A_187] {strides = array<i32>} : memref<128x64xf32, #tpu.memory_space<vmem>>, vector<16xf32>,
        %mul3A_189 = arith.mulf %get3A_188, %broadcast_in_dim3A_164 : vector<16xf32>
        %swap3A_190 = arith.index_cast %add3A_161 : i32 to index
        %swap3A_191 = arith.constant 48 : index
        %swap3A_192 = tpu.vector_load %arg15[%swap3A_190, %swap3A_191] {strides = array<i32>} : memref<128x64xf32, #tpu.memory_space<vmem>>, vector<16xf32>,
        tpu.vector_store %arg15[%swap3A_190, %swap3A_191], %mul3A_189 {strides = array<i32>} : memref<128x64xf32, #tpu.memory_space<vmem>>, vector<16xf32>,
        %mul3A_193 = arith.constant 16 : i32
        %mul3A_194 = arith.muli %scan3A_118, %mul3A_193 : i32
        %add3A_195 = arith.constant 2 : i32
        %add3A_196 = arith.addi %mul3A_194, %add3A_195 : i32
        %slice3A_197 = vector.extract_strided_slice %get3A_125 {offsets = [2], sizes = [1], strides = [1]} : vector<16xf32> to vector<1xf32>
        %squeeze3A_198 = vector.extract %slice3A_197[0] : f32 from vector<1xf32>
        %broadcast_in_dim3A_199 = vector.broadcast %squeeze3A_198 : f32 to vector<16xf32>
        %get3A_200 = arith.index_cast %add3A_196 : i32 to index
        %get3A_201 = arith.constant 0 : index
        %get3A_202 = tpu.vector_load %arg15[%get3A_200, %get3A_201] {strides = array<i32>} : memref<128x64xf32, #tpu.memory_space<vmem>>, vector<16xf32>,
        %mul3A_203 = arith.mulf %get3A_202, %broadcast_in_dim3A_199 : vector<16xf32>
        %swap3A_204 = arith.index_cast %add3A_196 : i32 to index
        %swap3A_205 = arith.constant 0 : index
        %swap3A_206 = tpu.vector_load %arg15[%swap3A_204, %swap3A_205] {strides = array<i32>} : memref<128x64xf32, #tpu.memory_space<vmem>>, vector<16xf32>,
        tpu.vector_store %arg15[%swap3A_204, %swap3A_205], %mul3A_203 {strides = array<i32>} : memref<128x64xf32, #tpu.memory_space<vmem>>, vector<16xf32>,
        %get3A_207 = arith.index_cast %add3A_196 : i32 to index
        %get3A_208 = arith.constant 16 : index
        %get3A_209 = tpu.vector_load %arg15[%get3A_207, %get3A_208] {strides = array<i32>} : memref<128x64xf32, #tpu.memory_space<vmem>>, vector<16xf32>,
        %mul3A_210 = arith.mulf %get3A_209, %broadcast_in_dim3A_199 : vector<16xf32>
        %swap3A_211 = arith.index_cast %add3A_196 : i32 to index
        %swap3A_212 = arith.constant 16 : index
        %swap3A_213 = tpu.vector_load %arg15[%swap3A_211, %swap3A_212] {strides = array<i32>} : memref<128x64xf32, #tpu.memory_space<vmem>>, vector<16xf32>,
        tpu.vector_store %arg15[%swap3A_211, %swap3A_212], %mul3A_210 {strides = array<i32>} : memref<128x64xf32, #tpu.memory_space<vmem>>, vector<16xf32>,
        %get3A_214 = arith.index_cast %add3A_196 : i32 to index
        %get3A_215 = arith.constant 32 : index
        %get3A_216 = tpu.vector_load %arg15[%get3A_214, %get3A_215] {strides = array<i32>} : memref<128x64xf32, #tpu.memory_space<vmem>>, vector<16xf32>,
        %mul3A_217 = arith.mulf %get3A_216, %broadcast_in_dim3A_199 : vector<16xf32>
        %swap3A_218 = arith.index_cast %add3A_196 : i32 to index
        %swap3A_219 = arith.constant 32 : index
        %swap3A_220 = tpu.vector_load %arg15[%swap3A_218, %swap3A_219] {strides = array<i32>} : memref<128x64xf32, #tpu.memory_space<vmem>>, vector<16xf32>,
        tpu.vector_store %arg15[%swap3A_218, %swap3A_219], %mul3A_217 {strides = array<i32>} : memref<128x64xf32, #tpu.memory_space<vmem>>, vector<16xf32>,
        %get3A_221 = arith.index_cast %add3A_196 : i32 to index
        %get3A_222 = arith.constant 48 : index
        %get3A_223 = tpu.vector_load %arg15[%get3A_221, %get3A_222] {strides = array<i32>} : memref<128x64xf32, #tpu.memory_space<vmem>>, vector<16xf32>,
        %mul3A_224 = arith.mulf %get3A_223, %broadcast_in_dim3A_199 : vector<16xf32>
        %swap3A_225 = arith.index_cast %add3A_196 : i32 to index
        %swap3A_226 = arith.constant 48 : index
        %swap3A_227 = tpu.vector_load %arg15[%swap3A_225, %swap3A_226] {strides = array<i32>} : memref<128x64xf32, #tpu.memory_space<vmem>>, vector<16xf32>,
        tpu.vector_store %arg15[%swap3A_225, %swap3A_226], %mul3A_224 {strides = array<i32>} : memref<128x64xf32, #tpu.memory_space<vmem>>, vector<16xf32>,
        %mul3A_228 = arith.constant 16 : i32
        %mul3A_229 = arith.muli %scan3A_118, %mul3A_228 : i32
        %add3A_230 = arith.constant 3 : i32
        %add3A_231 = arith.addi %mul3A_229, %add3A_230 : i32
        %slice3A_232 = vector.extract_strided_slice %get3A_125 {offsets = [3], sizes = [1], strides = [1]} : vector<16xf32> to vector<1xf32>
        %squeeze3A_233 = vector.extract %slice3A_232[0] : f32 from vector<1xf32>
        %broadcast_in_dim3A_234 = vector.broadcast %squeeze3A_233 : f32 to vector<16xf32>
        %get3A_235 = arith.index_cast %add3A_231 : i32 to index
        %get3A_236 = arith.constant 0 : index
        %get3A_237 = tpu.vector_load %arg15[%get3A_235, %get3A_236] {strides = array<i32>} : memref<128x64xf32, #tpu.memory_space<vmem>>, vector<16xf32>,
        %mul3A_238 = arith.mulf %get3A_237, %broadcast_in_dim3A_234 : vector<16xf32>
        %swap3A_239 = arith.index_cast %add3A_231 : i32 to index
        %swap3A_240 = arith.constant 0 : index
        %swap3A_241 = tpu.vector_load %arg15[%swap3A_239, %swap3A_240] {strides = array<i32>} : memref<128x64xf32, #tpu.memory_space<vmem>>, vector<16xf32>,
        tpu.vector_store %arg15[%swap3A_239, %swap3A_240], %mul3A_238 {strides = array<i32>} : memref<128x64xf32, #tpu.memory_space<vmem>>, vector<16xf32>,
        %get3A_242 = arith.index_cast %add3A_231 : i32 to index
        %get3A_243 = arith.constant 16 : index
        %get3A_244 = tpu.vector_load %arg15[%get3A_242, %get3A_243] {strides = array<i32>} : memref<128x64xf32, #tpu.memory_space<vmem>>, vector<16xf32>,
        %mul3A_245 = arith.mulf %get3A_244, %broadcast_in_dim3A_234 : vector<16xf32>
        %swap3A_246 = arith.index_cast %add3A_231 : i32 to index
        %swap3A_247 = arith.constant 16 : index
        %swap3A_248 = tpu.vector_load %arg15[%swap3A_246, %swap3A_247] {strides = array<i32>} : memref<128x64xf32, #tpu.memory_space<vmem>>, vector<16xf32>,
        tpu.vector_store %arg15[%swap3A_246, %swap3A_247], %mul3A_245 {strides = array<i32>} : memref<128x64xf32, #tpu.memory_space<vmem>>, vector<16xf32>,
        %get3A_249 = arith.index_cast %add3A_231 : i32 to index
        %get3A_250 = arith.constant 32 : index
        %get3A_251 = tpu.vector_load %arg15[%get3A_249, %get3A_250] {strides = array<i32>} : memref<128x64xf32, #tpu.memory_space<vmem>>, vector<16xf32>,
        %mul3A_252 = arith.mulf %get3A_251, %broadcast_in_dim3A_234 : vector<16xf32>
        %swap3A_253 = arith.index_cast %add3A_231 : i32 to index
        %swap3A_254 = arith.constant 32 : index
        %swap3A_255 = tpu.vector_load %arg15[%swap3A_253, %swap3A_254] {strides = array<i32>} : memref<128x64xf32, #tpu.memory_space<vmem>>, vector<16xf32>,
        tpu.vector_store %arg15[%swap3A_253, %swap3A_254], %mul3A_252 {strides = array<i32>} : memref<128x64xf32, #tpu.memory_space<vmem>>, vector<16xf32>,
        %get3A_256 = arith.index_cast %add3A_231 : i32 to index
        %get3A_257 = arith.constant 48 : index
        %get3A_258 = tpu.vector_load %arg15[%get3A_256, %get3A_257] {strides = array<i32>} : memref<128x64xf32, #tpu.memory_space<vmem>>, vector<16xf32>,
        %mul3A_259 = arith.mulf %get3A_258, %broadcast_in_dim3A_234 : vector<16xf32>
        %swap3A_260 = arith.index_cast %add3A_231 : i32 to index
        %swap3A_261 = arith.constant 48 : index
        %swap3A_262 = tpu.vector_load %arg15[%swap3A_260, %swap3A_261] {strides = array<i32>} : memref<128x64xf32, #tpu.memory_space<vmem>>, vector<16xf32>,
        tpu.vector_store %arg15[%swap3A_260, %swap3A_261], %mul3A_259 {strides = array<i32>} : memref<128x64xf32, #tpu.memory_space<vmem>>, vector<16xf32>,
        %mul3A_263 = arith.constant 16 : i32
        %mul3A_264 = arith.muli %scan3A_118, %mul3A_263 : i32
        %add3A_265 = arith.constant 4 : i32
        %add3A_266 = arith.addi %mul3A_264, %add3A_265 : i32
        %slice3A_267 = vector.extract_strided_slice %get3A_125 {offsets = [4], sizes = [1], strides = [1]} : vector<16xf32> to vector<1xf32>
        %squeeze3A_268 = vector.extract %slice3A_267[0] : f32 from vector<1xf32>
        %broadcast_in_dim3A_269 = vector.broadcast %squeeze3A_268 : f32 to vector<16xf32>
        %get3A_270 = arith.index_cast %add3A_266 : i32 to index
        %get3A_271 = arith.constant 0 : index
        %get3A_272 = tpu.vector_load %arg15[%get3A_270, %get3A_271] {strides = array<i32>} : memref<128x64xf32, #tpu.memory_space<vmem>>, vector<16xf32>,
        %mul3A_273 = arith.mulf %get3A_272, %broadcast_in_dim3A_269 : vector<16xf32>
        %swap3A_274 = arith.index_cast %add3A_266 : i32 to index
        %swap3A_275 = arith.constant 0 : index
        %swap3A_276 = tpu.vector_load %arg15[%swap3A_274, %swap3A_275] {strides = array<i32>} : memref<128x64xf32, #tpu.memory_space<vmem>>, vector<16xf32>,
        tpu.vector_store %arg15[%swap3A_274, %swap3A_275], %mul3A_273 {strides = array<i32>} : memref<128x64xf32, #tpu.memory_space<vmem>>, vector<16xf32>,
        %get3A_277 = arith.index_cast %add3A_266 : i32 to index
        %get3A_278 = arith.constant 16 : index
        %get3A_279 = tpu.vector_load %arg15[%get3A_277, %get3A_278] {strides = array<i32>} : memref<128x64xf32, #tpu.memory_space<vmem>>, vector<16xf32>,
        %mul3A_280 = arith.mulf %get3A_279, %broadcast_in_dim3A_269 : vector<16xf32>
        %swap3A_281 = arith.index_cast %add3A_266 : i32 to index
        %swap3A_282 = arith.constant 16 : index
        %swap3A_283 = tpu.vector_load %arg15[%swap3A_281, %swap3A_282] {strides = array<i32>} : memref<128x64xf32, #tpu.memory_space<vmem>>, vector<16xf32>,
        tpu.vector_store %arg15[%swap3A_281, %swap3A_282], %mul3A_280 {strides = array<i32>} : memref<128x64xf32, #tpu.memory_space<vmem>>, vector<16xf32>,
        %get3A_284 = arith.index_cast %add3A_266 : i32 to index
        %get3A_285 = arith.constant 32 : index
        %get3A_286 = tpu.vector_load %arg15[%get3A_284, %get3A_285] {strides = array<i32>} : memref<128x64xf32, #tpu.memory_space<vmem>>, vector<16xf32>,
        %mul3A_287 = arith.mulf %get3A_286, %broadcast_in_dim3A_269 : vector<16xf32>
        %swap3A_288 = arith.index_cast %add3A_266 : i32 to index
        %swap3A_289 = arith.constant 32 : index
        %swap3A_290 = tpu.vector_load %arg15[%swap3A_288, %swap3A_289] {strides = array<i32>} : memref<128x64xf32, #tpu.memory_space<vmem>>, vector<16xf32>,
        tpu.vector_store %arg15[%swap3A_288, %swap3A_289], %mul3A_287 {strides = array<i32>} : memref<128x64xf32, #tpu.memory_space<vmem>>, vector<16xf32>,
        %get3A_291 = arith.index_cast %add3A_266 : i32 to index
        %get3A_292 = arith.constant 48 : index
        %get3A_293 = tpu.vector_load %arg15[%get3A_291, %get3A_292] {strides = array<i32>} : memref<128x64xf32, #tpu.memory_space<vmem>>, vector<16xf32>,
        %mul3A_294 = arith.mulf %get3A_293, %broadcast_in_dim3A_269 : vector<16xf32>
        %swap3A_295 = arith.index_cast %add3A_266 : i32 to index
        %swap3A_296 = arith.constant 48 : index
        %swap3A_297 = tpu.vector_load %arg15[%swap3A_295, %swap3A_296] {strides = array<i32>} : memref<128x64xf32, #tpu.memory_space<vmem>>, vector<16xf32>,
        tpu.vector_store %arg15[%swap3A_295, %swap3A_296], %mul3A_294 {strides = array<i32>} : memref<128x64xf32, #tpu.memory_space<vmem>>, vector<16xf32>,
        %mul3A_298 = arith.constant 16 : i32
        %mul3A_299 = arith.muli %scan3A_118, %mul3A_298 : i32
        %add3A_300 = arith.constant 5 : i32
        %add3A_301 = arith.addi %mul3A_299, %add3A_300 : i32
        %slice3A_302 = vector.extract_strided_slice %get3A_125 {offsets = [5], sizes = [1], strides = [1]} : vector<16xf32> to vector<1xf32>
        %squeeze3A_303 = vector.extract %slice3A_302[0] : f32 from vector<1xf32>
        %broadcast_in_dim3A_304 = vector.broadcast %squeeze3A_303 : f32 to vector<16xf32>
        %get3A_305 = arith.index_cast %add3A_301 : i32 to index
        %get3A_306 = arith.constant 0 : index
        %get3A_307 = tpu.vector_load %arg15[%get3A_305, %get3A_306] {strides = array<i32>} : memref<128x64xf32, #tpu.memory_space<vmem>>, vector<16xf32>,
        %mul3A_308 = arith.mulf %get3A_307, %broadcast_in_dim3A_304 : vector<16xf32>
        %swap3A_309 = arith.index_cast %add3A_301 : i32 to index
        %swap3A_310 = arith.constant 0 : index
        %swap3A_311 = tpu.vector_load %arg15[%swap3A_309, %swap3A_310] {strides = array<i32>} : memref<128x64xf32, #tpu.memory_space<vmem>>, vector<16xf32>,
        tpu.vector_store %arg15[%swap3A_309, %swap3A_310], %mul3A_308 {strides = array<i32>} : memref<128x64xf32, #tpu.memory_space<vmem>>, vector<16xf32>,
        %get3A_312 = arith.index_cast %add3A_301 : i32 to index
        %get3A_313 = arith.constant 16 : index
        %get3A_314 = tpu.vector_load %arg15[%get3A_312, %get3A_313] {strides = array<i32>} : memref<128x64xf32, #tpu.memory_space<vmem>>, vector<16xf32>,
        %mul3A_315 = arith.mulf %get3A_314, %broadcast_in_dim3A_304 : vector<16xf32>
        %swap3A_316 = arith.index_cast %add3A_301 : i32 to index
        %swap3A_317 = arith.constant 16 : index
        %swap3A_318 = tpu.vector_load %arg15[%swap3A_316, %swap3A_317] {strides = array<i32>} : memref<128x64xf32, #tpu.memory_space<vmem>>, vector<16xf32>,
        tpu.vector_store %arg15[%swap3A_316, %swap3A_317], %mul3A_315 {strides = array<i32>} : memref<128x64xf32, #tpu.memory_space<vmem>>, vector<16xf32>,
        %get3A_319 = arith.index_cast %add3A_301 : i32 to index
        %get3A_320 = arith.constant 32 : index
        %get3A_321 = tpu.vector_load %arg15[%get3A_319, %get3A_320] {strides = array<i32>} : memref<128x64xf32, #tpu.memory_space<vmem>>, vector<16xf32>,
        %mul3A_322 = arith.mulf %get3A_321, %broadcast_in_dim3A_304 : vector<16xf32>
        %swap3A_323 = arith.index_cast %add3A_301 : i32 to index
        %swap3A_324 = arith.constant 32 : index
        %swap3A_325 = tpu.vector_load %arg15[%swap3A_323, %swap3A_324] {strides = array<i32>} : memref<128x64xf32, #tpu.memory_space<vmem>>, vector<16xf32>,
        tpu.vector_store %arg15[%swap3A_323, %swap3A_324], %mul3A_322 {strides = array<i32>} : memref<128x64xf32, #tpu.memory_space<vmem>>, vector<16xf32>,
        %get3A_326 = arith.index_cast %add3A_301 : i32 to index
        %get3A_327 = arith.constant 48 : index
        %get3A_328 = tpu.vector_load %arg15[%get3A_326, %get3A_327] {strides = array<i32>} : memref<128x64xf32, #tpu.memory_space<vmem>>, vector<16xf32>,
        %mul3A_329 = arith.mulf %get3A_328, %broadcast_in_dim3A_304 : vector<16xf32>
        %swap3A_330 = arith.index_cast %add3A_301 : i32 to index
        %swap3A_331 = arith.constant 48 : index
        %swap3A_332 = tpu.vector_load %arg15[%swap3A_330, %swap3A_331] {strides = array<i32>} : memref<128x64xf32, #tpu.memory_space<vmem>>, vector<16xf32>,
        tpu.vector_store %arg15[%swap3A_330, %swap3A_331], %mul3A_329 {strides = array<i32>} : memref<128x64xf32, #tpu.memory_space<vmem>>, vector<16xf32>,
        %mul3A_333 = arith.constant 16 : i32
        %mul3A_334 = arith.muli %scan3A_118, %mul3A_333 : i32
        %add3A_335 = arith.constant 6 : i32
        %add3A_336 = arith.addi %mul3A_334, %add3A_335 : i32
        %slice3A_337 = vector.extract_strided_slice %get3A_125 {offsets = [6], sizes = [1], strides = [1]} : vector<16xf32> to vector<1xf32>
        %squeeze3A_338 = vector.extract %slice3A_337[0] : f32 from vector<1xf32>
        %broadcast_in_dim3A_339 = vector.broadcast %squeeze3A_338 : f32 to vector<16xf32>
        %get3A_340 = arith.index_cast %add3A_336 : i32 to index
        %get3A_341 = arith.constant 0 : index
        %get3A_342 = tpu.vector_load %arg15[%get3A_340, %get3A_341] {strides = array<i32>} : memref<128x64xf32, #tpu.memory_space<vmem>>, vector<16xf32>,
        %mul3A_343 = arith.mulf %get3A_342, %broadcast_in_dim3A_339 : vector<16xf32>
        %swap3A_344 = arith.index_cast %add3A_336 : i32 to index
        %swap3A_345 = arith.constant 0 : index
        %swap3A_346 = tpu.vector_load %arg15[%swap3A_344, %swap3A_345] {strides = array<i32>} : memref<128x64xf32, #tpu.memory_space<vmem>>, vector<16xf32>,
        tpu.vector_store %arg15[%swap3A_344, %swap3A_345], %mul3A_343 {strides = array<i32>} : memref<128x64xf32, #tpu.memory_space<vmem>>, vector<16xf32>,
        %get3A_347 = arith.index_cast %add3A_336 : i32 to index
        %get3A_348 = arith.constant 16 : index
        %get3A_349 = tpu.vector_load %arg15[%get3A_347, %get3A_348] {strides = array<i32>} : memref<128x64xf32, #tpu.memory_space<vmem>>, vector<16xf32>,
        %mul3A_350 = arith.mulf %get3A_349, %broadcast_in_dim3A_339 : vector<16xf32>
        %swap3A_351 = arith.index_cast %add3A_336 : i32 to index
        %swap3A_352 = arith.constant 16 : index
        %swap3A_353 = tpu.vector_load %arg15[%swap3A_351, %swap3A_352] {strides = array<i32>} : memref<128x64xf32, #tpu.memory_space<vmem>>, vector<16xf32>,
        tpu.vector_store %arg15[%swap3A_351, %swap3A_352], %mul3A_350 {strides = array<i32>} : memref<128x64xf32, #tpu.memory_space<vmem>>, vector<16xf32>,
        %get3A_354 = arith.index_cast %add3A_336 : i32 to index
        %get3A_355 = arith.constant 32 : index
        %get3A_356 = tpu.vector_load %arg15[%get3A_354, %get3A_355] {strides = array<i32>} : memref<128x64xf32, #tpu.memory_space<vmem>>, vector<16xf32>,
        %mul3A_357 = arith.mulf %get3A_356, %broadcast_in_dim3A_339 : vector<16xf32>
        %swap3A_358 = arith.index_cast %add3A_336 : i32 to index
        %swap3A_359 = arith.constant 32 : index
        %swap3A_360 = tpu.vector_load %arg15[%swap3A_358, %swap3A_359] {strides = array<i32>} : memref<128x64xf32, #tpu.memory_space<vmem>>, vector<16xf32>,
        tpu.vector_store %arg15[%swap3A_358, %swap3A_359], %mul3A_357 {strides = array<i32>} : memref<128x64xf32, #tpu.memory_space<vmem>>, vector<16xf32>,
        %get3A_361 = arith.index_cast %add3A_336 : i32 to index
        %get3A_362 = arith.constant 48 : index
        %get3A_363 = tpu.vector_load %arg15[%get3A_361, %get3A_362] {strides = array<i32>} : memref<128x64xf32, #tpu.memory_space<vmem>>, vector<16xf32>,
        %mul3A_364 = arith.mulf %get3A_363, %broadcast_in_dim3A_339 : vector<16xf32>
        %swap3A_365 = arith.index_cast %add3A_336 : i32 to index
        %swap3A_366 = arith.constant 48 : index
        %swap3A_367 = tpu.vector_load %arg15[%swap3A_365, %swap3A_366] {strides = array<i32>} : memref<128x64xf32, #tpu.memory_space<vmem>>, vector<16xf32>,
        tpu.vector_store %arg15[%swap3A_365, %swap3A_366], %mul3A_364 {strides = array<i32>} : memref<128x64xf32, #tpu.memory_space<vmem>>, vector<16xf32>,
        %mul3A_368 = arith.constant 16 : i32
        %mul3A_369 = arith.muli %scan3A_118, %mul3A_368 : i32
        %add3A_370 = arith.constant 7 : i32
        %add3A_371 = arith.addi %mul3A_369, %add3A_370 : i32
        %slice3A_372 = vector.extract_strided_slice %get3A_125 {offsets = [7], sizes = [1], strides = [1]} : vector<16xf32> to vector<1xf32>
        %squeeze3A_373 = vector.extract %slice3A_372[0] : f32 from vector<1xf32>
        %broadcast_in_dim3A_374 = vector.broadcast %squeeze3A_373 : f32 to vector<16xf32>
        %get3A_375 = arith.index_cast %add3A_371 : i32 to index
        %get3A_376 = arith.constant 0 : index
        %get3A_377 = tpu.vector_load %arg15[%get3A_375, %get3A_376] {strides = array<i32>} : memref<128x64xf32, #tpu.memory_space<vmem>>, vector<16xf32>,
        %mul3A_378 = arith.mulf %get3A_377, %broadcast_in_dim3A_374 : vector<16xf32>
        %swap3A_379 = arith.index_cast %add3A_371 : i32 to index
        %swap3A_380 = arith.constant 0 : index
        %swap3A_381 = tpu.vector_load %arg15[%swap3A_379, %swap3A_380] {strides = array<i32>} : memref<128x64xf32, #tpu.memory_space<vmem>>, vector<16xf32>,
        tpu.vector_store %arg15[%swap3A_379, %swap3A_380], %mul3A_378 {strides = array<i32>} : memref<128x64xf32, #tpu.memory_space<vmem>>, vector<16xf32>,
        %get3A_382 = arith.index_cast %add3A_371 : i32 to index
        %get3A_383 = arith.constant 16 : index
        %get3A_384 = tpu.vector_load %arg15[%get3A_382, %get3A_383] {strides = array<i32>} : memref<128x64xf32, #tpu.memory_space<vmem>>, vector<16xf32>,
        %mul3A_385 = arith.mulf %get3A_384, %broadcast_in_dim3A_374 : vector<16xf32>
        %swap3A_386 = arith.index_cast %add3A_371 : i32 to index
        %swap3A_387 = arith.constant 16 : index
        %swap3A_388 = tpu.vector_load %arg15[%swap3A_386, %swap3A_387] {strides = array<i32>} : memref<128x64xf32, #tpu.memory_space<vmem>>, vector<16xf32>,
        tpu.vector_store %arg15[%swap3A_386, %swap3A_387], %mul3A_385 {strides = array<i32>} : memref<128x64xf32, #tpu.memory_space<vmem>>, vector<16xf32>,
        %get3A_389 = arith.index_cast %add3A_371 : i32 to index
        %get3A_390 = arith.constant 32 : index
        %get3A_391 = tpu.vector_load %arg15[%get3A_389, %get3A_390] {strides = array<i32>} : memref<128x64xf32, #tpu.memory_space<vmem>>, vector<16xf32>,
        %mul3A_392 = arith.mulf %get3A_391, %broadcast_in_dim3A_374 : vector<16xf32>
        %swap3A_393 = arith.index_cast %add3A_371 : i32 to index
        %swap3A_394 = arith.constant 32 : index
        %swap3A_395 = tpu.vector_load %arg15[%swap3A_393, %swap3A_394] {strides = array<i32>} : memref<128x64xf32, #tpu.memory_space<vmem>>, vector<16xf32>,
        tpu.vector_store %arg15[%swap3A_393, %swap3A_394], %mul3A_392 {strides = array<i32>} : memref<128x64xf32, #tpu.memory_space<vmem>>, vector<16xf32>,
        %get3A_396 = arith.index_cast %add3A_371 : i32 to index
        %get3A_397 = arith.constant 48 : index
        %get3A_398 = tpu.vector_load %arg15[%get3A_396, %get3A_397] {strides = array<i32>} : memref<128x64xf32, #tpu.memory_space<vmem>>, vector<16xf32>,
        %mul3A_399 = arith.mulf %get3A_398, %broadcast_in_dim3A_374 : vector<16xf32>
        %swap3A_400 = arith.index_cast %add3A_371 : i32 to index
        %swap3A_401 = arith.constant 48 : index
        %swap3A_402 = tpu.vector_load %arg15[%swap3A_400, %swap3A_401] {strides = array<i32>} : memref<128x64xf32, #tpu.memory_space<vmem>>, vector<16xf32>,
        tpu.vector_store %arg15[%swap3A_400, %swap3A_401], %mul3A_399 {strides = array<i32>} : memref<128x64xf32, #tpu.memory_space<vmem>>, vector<16xf32>,
        %mul3A_403 = arith.constant 16 : i32
        %mul3A_404 = arith.muli %scan3A_118, %mul3A_403 : i32
        %add3A_405 = arith.constant 8 : i32
        %add3A_406 = arith.addi %mul3A_404, %add3A_405 : i32
        %slice3A_407 = vector.extract_strided_slice %get3A_125 {offsets = [8], sizes = [1], strides = [1]} : vector<16xf32> to vector<1xf32>
        %squeeze3A_408 = vector.extract %slice3A_407[0] : f32 from vector<1xf32>
        %broadcast_in_dim3A_409 = vector.broadcast %squeeze3A_408 : f32 to vector<16xf32>
        %get3A_410 = arith.index_cast %add3A_406 : i32 to index
        %get3A_411 = arith.constant 0 : index
        %get3A_412 = tpu.vector_load %arg15[%get3A_410, %get3A_411] {strides = array<i32>} : memref<128x64xf32, #tpu.memory_space<vmem>>, vector<16xf32>,
        %mul3A_413 = arith.mulf %get3A_412, %broadcast_in_dim3A_409 : vector<16xf32>
        %swap3A_414 = arith.index_cast %add3A_406 : i32 to index
        %swap3A_415 = arith.constant 0 : index
        %swap3A_416 = tpu.vector_load %arg15[%swap3A_414, %swap3A_415] {strides = array<i32>} : memref<128x64xf32, #tpu.memory_space<vmem>>, vector<16xf32>,
        tpu.vector_store %arg15[%swap3A_414, %swap3A_415], %mul3A_413 {strides = array<i32>} : memref<128x64xf32, #tpu.memory_space<vmem>>, vector<16xf32>,
        %get3A_417 = arith.index_cast %add3A_406 : i32 to index
        %get3A_418 = arith.constant 16 : index
        %get3A_419 = tpu.vector_load %arg15[%get3A_417, %get3A_418] {strides = array<i32>} : memref<128x64xf32, #tpu.memory_space<vmem>>, vector<16xf32>,
        %mul3A_420 = arith.mulf %get3A_419, %broadcast_in_dim3A_409 : vector<16xf32>
        %swap3A_421 = arith.index_cast %add3A_406 : i32 to index
        %swap3A_422 = arith.constant 16 : index
        %swap3A_423 = tpu.vector_load %arg15[%swap3A_421, %swap3A_422] {strides = array<i32>} : memref<128x64xf32, #tpu.memory_space<vmem>>, vector<16xf32>,
        tpu.vector_store %arg15[%swap3A_421, %swap3A_422], %mul3A_420 {strides = array<i32>} : memref<128x64xf32, #tpu.memory_space<vmem>>, vector<16xf32>,
        %get3A_424 = arith.index_cast %add3A_406 : i32 to index
        %get3A_425 = arith.constant 32 : index
        %get3A_426 = tpu.vector_load %arg15[%get3A_424, %get3A_425] {strides = array<i32>} : memref<128x64xf32, #tpu.memory_space<vmem>>, vector<16xf32>,
        %mul3A_427 = arith.mulf %get3A_426, %broadcast_in_dim3A_409 : vector<16xf32>
        %swap3A_428 = arith.index_cast %add3A_406 : i32 to index
        %swap3A_429 = arith.constant 32 : index
        %swap3A_430 = tpu.vector_load %arg15[%swap3A_428, %swap3A_429] {strides = array<i32>} : memref<128x64xf32, #tpu.memory_space<vmem>>, vector<16xf32>,
        tpu.vector_store %arg15[%swap3A_428, %swap3A_429], %mul3A_427 {strides = array<i32>} : memref<128x64xf32, #tpu.memory_space<vmem>>, vector<16xf32>,
        %get3A_431 = arith.index_cast %add3A_406 : i32 to index
        %get3A_432 = arith.constant 48 : index
        %get3A_433 = tpu.vector_load %arg15[%get3A_431, %get3A_432] {strides = array<i32>} : memref<128x64xf32, #tpu.memory_space<vmem>>, vector<16xf32>,
        %mul3A_434 = arith.mulf %get3A_433, %broadcast_in_dim3A_409 : vector<16xf32>
        %swap3A_435 = arith.index_cast %add3A_406 : i32 to index
        %swap3A_436 = arith.constant 48 : index
        %swap3A_437 = tpu.vector_load %arg15[%swap3A_435, %swap3A_436] {strides = array<i32>} : memref<128x64xf32, #tpu.memory_space<vmem>>, vector<16xf32>,
        tpu.vector_store %arg15[%swap3A_435, %swap3A_436], %mul3A_434 {strides = array<i32>} : memref<128x64xf32, #tpu.memory_space<vmem>>, vector<16xf32>,
        %mul3A_438 = arith.constant 16 : i32
        %mul3A_439 = arith.muli %scan3A_118, %mul3A_438 : i32
        %add3A_440 = arith.constant 9 : i32
        %add3A_441 = arith.addi %mul3A_439, %add3A_440 : i32
        %slice3A_442 = vector.extract_strided_slice %get3A_125 {offsets = [9], sizes = [1], strides = [1]} : vector<16xf32> to vector<1xf32>
        %squeeze3A_443 = vector.extract %slice3A_442[0] : f32 from vector<1xf32>
        %broadcast_in_dim3A_444 = vector.broadcast %squeeze3A_443 : f32 to vector<16xf32>
        %get3A_445 = arith.index_cast %add3A_441 : i32 to index
        %get3A_446 = arith.constant 0 : index
        %get3A_447 = tpu.vector_load %arg15[%get3A_445, %get3A_446] {strides = array<i32>} : memref<128x64xf32, #tpu.memory_space<vmem>>, vector<16xf32>,
        %mul3A_448 = arith.mulf %get3A_447, %broadcast_in_dim3A_444 : vector<16xf32>
        %swap3A_449 = arith.index_cast %add3A_441 : i32 to index
        %swap3A_450 = arith.constant 0 : index
        %swap3A_451 = tpu.vector_load %arg15[%swap3A_449, %swap3A_450] {strides = array<i32>} : memref<128x64xf32, #tpu.memory_space<vmem>>, vector<16xf32>,
        tpu.vector_store %arg15[%swap3A_449, %swap3A_450], %mul3A_448 {strides = array<i32>} : memref<128x64xf32, #tpu.memory_space<vmem>>, vector<16xf32>,
        %get3A_452 = arith.index_cast %add3A_441 : i32 to index
        %get3A_453 = arith.constant 16 : index
        %get3A_454 = tpu.vector_load %arg15[%get3A_452, %get3A_453] {strides = array<i32>} : memref<128x64xf32, #tpu.memory_space<vmem>>, vector<16xf32>,
        %mul3A_455 = arith.mulf %get3A_454, %broadcast_in_dim3A_444 : vector<16xf32>
        %swap3A_456 = arith.index_cast %add3A_441 : i32 to index
        %swap3A_457 = arith.constant 16 : index
        %swap3A_458 = tpu.vector_load %arg15[%swap3A_456, %swap3A_457] {strides = array<i32>} : memref<128x64xf32, #tpu.memory_space<vmem>>, vector<16xf32>,
        tpu.vector_store %arg15[%swap3A_456, %swap3A_457], %mul3A_455 {strides = array<i32>} : memref<128x64xf32, #tpu.memory_space<vmem>>, vector<16xf32>,
        %get3A_459 = arith.index_cast %add3A_441 : i32 to index
        %get3A_460 = arith.constant 32 : index
        %get3A_461 = tpu.vector_load %arg15[%get3A_459, %get3A_460] {strides = array<i32>} : memref<128x64xf32, #tpu.memory_space<vmem>>, vector<16xf32>,
        %mul3A_462 = arith.mulf %get3A_461, %broadcast_in_dim3A_444 : vector<16xf32>
        %swap3A_463 = arith.index_cast %add3A_441 : i32 to index
        %swap3A_464 = arith.constant 32 : index
        %swap3A_465 = tpu.vector_load %arg15[%swap3A_463, %swap3A_464] {strides = array<i32>} : memref<128x64xf32, #tpu.memory_space<vmem>>, vector<16xf32>,
        tpu.vector_store %arg15[%swap3A_463, %swap3A_464], %mul3A_462 {strides = array<i32>} : memref<128x64xf32, #tpu.memory_space<vmem>>, vector<16xf32>,
        %get3A_466 = arith.index_cast %add3A_441 : i32 to index
        %get3A_467 = arith.constant 48 : index
        %get3A_468 = tpu.vector_load %arg15[%get3A_466, %get3A_467] {strides = array<i32>} : memref<128x64xf32, #tpu.memory_space<vmem>>, vector<16xf32>,
        %mul3A_469 = arith.mulf %get3A_468, %broadcast_in_dim3A_444 : vector<16xf32>
        %swap3A_470 = arith.index_cast %add3A_441 : i32 to index
        %swap3A_471 = arith.constant 48 : index
        %swap3A_472 = tpu.vector_load %arg15[%swap3A_470, %swap3A_471] {strides = array<i32>} : memref<128x64xf32, #tpu.memory_space<vmem>>, vector<16xf32>,
        tpu.vector_store %arg15[%swap3A_470, %swap3A_471], %mul3A_469 {strides = array<i32>} : memref<128x64xf32, #tpu.memory_space<vmem>>, vector<16xf32>,
        %mul3A_473 = arith.constant 16 : i32
        %mul3A_474 = arith.muli %scan3A_118, %mul3A_473 : i32
        %add3A_475 = arith.constant 10 : i32
        %add3A_476 = arith.addi %mul3A_474, %add3A_475 : i32
        %slice3A_477 = vector.extract_strided_slice %get3A_125 {offsets = [10], sizes = [1], strides = [1]} : vector<16xf32> to vector<1xf32>
        %squeeze3A_478 = vector.extract %slice3A_477[0] : f32 from vector<1xf32>
        %broadcast_in_dim3A_479 = vector.broadcast %squeeze3A_478 : f32 to vector<16xf32>
        %get3A_480 = arith.index_cast %add3A_476 : i32 to index
        %get3A_481 = arith.constant 0 : index
        %get3A_482 = tpu.vector_load %arg15[%get3A_480, %get3A_481] {strides = array<i32>} : memref<128x64xf32, #tpu.memory_space<vmem>>, vector<16xf32>,
        %mul3A_483 = arith.mulf %get3A_482, %broadcast_in_dim3A_479 : vector<16xf32>
        %swap3A_484 = arith.index_cast %add3A_476 : i32 to index
        %swap3A_485 = arith.constant 0 : index
        %swap3A_486 = tpu.vector_load %arg15[%swap3A_484, %swap3A_485] {strides = array<i32>} : memref<128x64xf32, #tpu.memory_space<vmem>>, vector<16xf32>,
        tpu.vector_store %arg15[%swap3A_484, %swap3A_485], %mul3A_483 {strides = array<i32>} : memref<128x64xf32, #tpu.memory_space<vmem>>, vector<16xf32>,
        %get3A_487 = arith.index_cast %add3A_476 : i32 to index
        %get3A_488 = arith.constant 16 : index
        %get3A_489 = tpu.vector_load %arg15[%get3A_487, %get3A_488] {strides = array<i32>} : memref<128x64xf32, #tpu.memory_space<vmem>>, vector<16xf32>,
        %mul3A_490 = arith.mulf %get3A_489, %broadcast_in_dim3A_479 : vector<16xf32>
        %swap3A_491 = arith.index_cast %add3A_476 : i32 to index
        %swap3A_492 = arith.constant 16 : index
        %swap3A_493 = tpu.vector_load %arg15[%swap3A_491, %swap3A_492] {strides = array<i32>} : memref<128x64xf32, #tpu.memory_space<vmem>>, vector<16xf32>,
        tpu.vector_store %arg15[%swap3A_491, %swap3A_492], %mul3A_490 {strides = array<i32>} : memref<128x64xf32, #tpu.memory_space<vmem>>, vector<16xf32>,
        %get3A_494 = arith.index_cast %add3A_476 : i32 to index
        %get3A_495 = arith.constant 32 : index
        %get3A_496 = tpu.vector_load %arg15[%get3A_494, %get3A_495] {strides = array<i32>} : memref<128x64xf32, #tpu.memory_space<vmem>>, vector<16xf32>,
        %mul3A_497 = arith.mulf %get3A_496, %broadcast_in_dim3A_479 : vector<16xf32>
        %swap3A_498 = arith.index_cast %add3A_476 : i32 to index
        %swap3A_499 = arith.constant 32 : index
        %swap3A_500 = tpu.vector_load %arg15[%swap3A_498, %swap3A_499] {strides = array<i32>} : memref<128x64xf32, #tpu.memory_space<vmem>>, vector<16xf32>,
        tpu.vector_store %arg15[%swap3A_498, %swap3A_499], %mul3A_497 {strides = array<i32>} : memref<128x64xf32, #tpu.memory_space<vmem>>, vector<16xf32>,
        %get3A_501 = arith.index_cast %add3A_476 : i32 to index
        %get3A_502 = arith.constant 48 : index
        %get3A_503 = tpu.vector_load %arg15[%get3A_501, %get3A_502] {strides = array<i32>} : memref<128x64xf32, #tpu.memory_space<vmem>>, vector<16xf32>,
        %mul3A_504 = arith.mulf %get3A_503, %broadcast_in_dim3A_479 : vector<16xf32>
        %swap3A_505 = arith.index_cast %add3A_476 : i32 to index
        %swap3A_506 = arith.constant 48 : index
        %swap3A_507 = tpu.vector_load %arg15[%swap3A_505, %swap3A_506] {strides = array<i32>} : memref<128x64xf32, #tpu.memory_space<vmem>>, vector<16xf32>,
        tpu.vector_store %arg15[%swap3A_505, %swap3A_506], %mul3A_504 {strides = array<i32>} : memref<128x64xf32, #tpu.memory_space<vmem>>, vector<16xf32>,
        %mul3A_508 = arith.constant 16 : i32
        %mul3A_509 = arith.muli %scan3A_118, %mul3A_508 : i32
        %add3A_510 = arith.constant 11 : i32
        %add3A_511 = arith.addi %mul3A_509, %add3A_510 : i32
        %slice3A_512 = vector.extract_strided_slice %get3A_125 {offsets = [11], sizes = [1], strides = [1]} : vector<16xf32> to vector<1xf32>
        %squeeze3A_513 = vector.extract %slice3A_512[0] : f32 from vector<1xf32>
        %broadcast_in_dim3A_514 = vector.broadcast %squeeze3A_513 : f32 to vector<16xf32>
        %get3A_515 = arith.index_cast %add3A_511 : i32 to index
        %get3A_516 = arith.constant 0 : index
        %get3A_517 = tpu.vector_load %arg15[%get3A_515, %get3A_516] {strides = array<i32>} : memref<128x64xf32, #tpu.memory_space<vmem>>, vector<16xf32>,
        %mul3A_518 = arith.mulf %get3A_517, %broadcast_in_dim3A_514 : vector<16xf32>
        %swap3A_519 = arith.index_cast %add3A_511 : i32 to index
        %swap3A_520 = arith.constant 0 : index
        %swap3A_521 = tpu.vector_load %arg15[%swap3A_519, %swap3A_520] {strides = array<i32>} : memref<128x64xf32, #tpu.memory_space<vmem>>, vector<16xf32>,
        tpu.vector_store %arg15[%swap3A_519, %swap3A_520], %mul3A_518 {strides = array<i32>} : memref<128x64xf32, #tpu.memory_space<vmem>>, vector<16xf32>,
        %get3A_522 = arith.index_cast %add3A_511 : i32 to index
        %get3A_523 = arith.constant 16 : index
        %get3A_524 = tpu.vector_load %arg15[%get3A_522, %get3A_523] {strides = array<i32>} : memref<128x64xf32, #tpu.memory_space<vmem>>, vector<16xf32>,
        %mul3A_525 = arith.mulf %get3A_524, %broadcast_in_dim3A_514 : vector<16xf32>
        %swap3A_526 = arith.index_cast %add3A_511 : i32 to index
        %swap3A_527 = arith.constant 16 : index
        %swap3A_528 = tpu.vector_load %arg15[%swap3A_526, %swap3A_527] {strides = array<i32>} : memref<128x64xf32, #tpu.memory_space<vmem>>, vector<16xf32>,
        tpu.vector_store %arg15[%swap3A_526, %swap3A_527], %mul3A_525 {strides = array<i32>} : memref<128x64xf32, #tpu.memory_space<vmem>>, vector<16xf32>,
        %get3A_529 = arith.index_cast %add3A_511 : i32 to index
        %get3A_530 = arith.constant 32 : index
        %get3A_531 = tpu.vector_load %arg15[%get3A_529, %get3A_530] {strides = array<i32>} : memref<128x64xf32, #tpu.memory_space<vmem>>, vector<16xf32>,
        %mul3A_532 = arith.mulf %get3A_531, %broadcast_in_dim3A_514 : vector<16xf32>
        %swap3A_533 = arith.index_cast %add3A_511 : i32 to index
        %swap3A_534 = arith.constant 32 : index
        %swap3A_535 = tpu.vector_load %arg15[%swap3A_533, %swap3A_534] {strides = array<i32>} : memref<128x64xf32, #tpu.memory_space<vmem>>, vector<16xf32>,
        tpu.vector_store %arg15[%swap3A_533, %swap3A_534], %mul3A_532 {strides = array<i32>} : memref<128x64xf32, #tpu.memory_space<vmem>>, vector<16xf32>,
        %get3A_536 = arith.index_cast %add3A_511 : i32 to index
        %get3A_537 = arith.constant 48 : index
        %get3A_538 = tpu.vector_load %arg15[%get3A_536, %get3A_537] {strides = array<i32>} : memref<128x64xf32, #tpu.memory_space<vmem>>, vector<16xf32>,
        %mul3A_539 = arith.mulf %get3A_538, %broadcast_in_dim3A_514 : vector<16xf32>
        %swap3A_540 = arith.index_cast %add3A_511 : i32 to index
        %swap3A_541 = arith.constant 48 : index
        %swap3A_542 = tpu.vector_load %arg15[%swap3A_540, %swap3A_541] {strides = array<i32>} : memref<128x64xf32, #tpu.memory_space<vmem>>, vector<16xf32>,
        tpu.vector_store %arg15[%swap3A_540, %swap3A_541], %mul3A_539 {strides = array<i32>} : memref<128x64xf32, #tpu.memory_space<vmem>>, vector<16xf32>,
        %mul3A_543 = arith.constant 16 : i32
        %mul3A_544 = arith.muli %scan3A_118, %mul3A_543 : i32
        %add3A_545 = arith.constant 12 : i32
        %add3A_546 = arith.addi %mul3A_544, %add3A_545 : i32
        %slice3A_547 = vector.extract_strided_slice %get3A_125 {offsets = [12], sizes = [1], strides = [1]} : vector<16xf32> to vector<1xf32>
        %squeeze3A_548 = vector.extract %slice3A_547[0] : f32 from vector<1xf32>
        %broadcast_in_dim3A_549 = vector.broadcast %squeeze3A_548 : f32 to vector<16xf32>
        %get3A_550 = arith.index_cast %add3A_546 : i32 to index
        %get3A_551 = arith.constant 0 : index
        %get3A_552 = tpu.vector_load %arg15[%get3A_550, %get3A_551] {strides = array<i32>} : memref<128x64xf32, #tpu.memory_space<vmem>>, vector<16xf32>,
        %mul3A_553 = arith.mulf %get3A_552, %broadcast_in_dim3A_549 : vector<16xf32>
        %swap3A_554 = arith.index_cast %add3A_546 : i32 to index
        %swap3A_555 = arith.constant 0 : index
        %swap3A_556 = tpu.vector_load %arg15[%swap3A_554, %swap3A_555] {strides = array<i32>} : memref<128x64xf32, #tpu.memory_space<vmem>>, vector<16xf32>,
        tpu.vector_store %arg15[%swap3A_554, %swap3A_555], %mul3A_553 {strides = array<i32>} : memref<128x64xf32, #tpu.memory_space<vmem>>, vector<16xf32>,
        %get3A_557 = arith.index_cast %add3A_546 : i32 to index
        %get3A_558 = arith.constant 16 : index
        %get3A_559 = tpu.vector_load %arg15[%get3A_557, %get3A_558] {strides = array<i32>} : memref<128x64xf32, #tpu.memory_space<vmem>>, vector<16xf32>,
        %mul3A_560 = arith.mulf %get3A_559, %broadcast_in_dim3A_549 : vector<16xf32>
        %swap3A_561 = arith.index_cast %add3A_546 : i32 to index
        %swap3A_562 = arith.constant 16 : index
        %swap3A_563 = tpu.vector_load %arg15[%swap3A_561, %swap3A_562] {strides = array<i32>} : memref<128x64xf32, #tpu.memory_space<vmem>>, vector<16xf32>,
        tpu.vector_store %arg15[%swap3A_561, %swap3A_562], %mul3A_560 {strides = array<i32>} : memref<128x64xf32, #tpu.memory_space<vmem>>, vector<16xf32>,
        %get3A_564 = arith.index_cast %add3A_546 : i32 to index
        %get3A_565 = arith.constant 32 : index
        %get3A_566 = tpu.vector_load %arg15[%get3A_564, %get3A_565] {strides = array<i32>} : memref<128x64xf32, #tpu.memory_space<vmem>>, vector<16xf32>,
        %mul3A_567 = arith.mulf %get3A_566, %broadcast_in_dim3A_549 : vector<16xf32>
        %swap3A_568 = arith.index_cast %add3A_546 : i32 to index
        %swap3A_569 = arith.constant 32 : index
        %swap3A_570 = tpu.vector_load %arg15[%swap3A_568, %swap3A_569] {strides = array<i32>} : memref<128x64xf32, #tpu.memory_space<vmem>>, vector<16xf32>,
        tpu.vector_store %arg15[%swap3A_568, %swap3A_569], %mul3A_567 {strides = array<i32>} : memref<128x64xf32, #tpu.memory_space<vmem>>, vector<16xf32>,
        %get3A_571 = arith.index_cast %add3A_546 : i32 to index
        %get3A_572 = arith.constant 48 : index
        %get3A_573 = tpu.vector_load %arg15[%get3A_571, %get3A_572] {strides = array<i32>} : memref<128x64xf32, #tpu.memory_space<vmem>>, vector<16xf32>,
        %mul3A_574 = arith.mulf %get3A_573, %broadcast_in_dim3A_549 : vector<16xf32>
        %swap3A_575 = arith.index_cast %add3A_546 : i32 to index
        %swap3A_576 = arith.constant 48 : index
        %swap3A_577 = tpu.vector_load %arg15[%swap3A_575, %swap3A_576] {strides = array<i32>} : memref<128x64xf32, #tpu.memory_space<vmem>>, vector<16xf32>,
        tpu.vector_store %arg15[%swap3A_575, %swap3A_576], %mul3A_574 {strides = array<i32>} : memref<128x64xf32, #tpu.memory_space<vmem>>, vector<16xf32>,
        %mul3A_578 = arith.constant 16 : i32
        %mul3A_579 = arith.muli %scan3A_118, %mul3A_578 : i32
        %add3A_580 = arith.constant 13 : i32
        %add3A_581 = arith.addi %mul3A_579, %add3A_580 : i32
        %slice3A_582 = vector.extract_strided_slice %get3A_125 {offsets = [13], sizes = [1], strides = [1]} : vector<16xf32> to vector<1xf32>
        %squeeze3A_583 = vector.extract %slice3A_582[0] : f32 from vector<1xf32>
        %broadcast_in_dim3A_584 = vector.broadcast %squeeze3A_583 : f32 to vector<16xf32>
        %get3A_585 = arith.index_cast %add3A_581 : i32 to index
        %get3A_586 = arith.constant 0 : index
        %get3A_587 = tpu.vector_load %arg15[%get3A_585, %get3A_586] {strides = array<i32>} : memref<128x64xf32, #tpu.memory_space<vmem>>, vector<16xf32>,
        %mul3A_588 = arith.mulf %get3A_587, %broadcast_in_dim3A_584 : vector<16xf32>
        %swap3A_589 = arith.index_cast %add3A_581 : i32 to index
        %swap3A_590 = arith.constant 0 : index
        %swap3A_591 = tpu.vector_load %arg15[%swap3A_589, %swap3A_590] {strides = array<i32>} : memref<128x64xf32, #tpu.memory_space<vmem>>, vector<16xf32>,
        tpu.vector_store %arg15[%swap3A_589, %swap3A_590], %mul3A_588 {strides = array<i32>} : memref<128x64xf32, #tpu.memory_space<vmem>>, vector<16xf32>,
        %get3A_592 = arith.index_cast %add3A_581 : i32 to index
        %get3A_593 = arith.constant 16 : index
        %get3A_594 = tpu.vector_load %arg15[%get3A_592, %get3A_593] {strides = array<i32>} : memref<128x64xf32, #tpu.memory_space<vmem>>, vector<16xf32>,
        %mul3A_595 = arith.mulf %get3A_594, %broadcast_in_dim3A_584 : vector<16xf32>
        %swap3A_596 = arith.index_cast %add3A_581 : i32 to index
        %swap3A_597 = arith.constant 16 : index
        %swap3A_598 = tpu.vector_load %arg15[%swap3A_596, %swap3A_597] {strides = array<i32>} : memref<128x64xf32, #tpu.memory_space<vmem>>, vector<16xf32>,
        tpu.vector_store %arg15[%swap3A_596, %swap3A_597], %mul3A_595 {strides = array<i32>} : memref<128x64xf32, #tpu.memory_space<vmem>>, vector<16xf32>,
        %get3A_599 = arith.index_cast %add3A_581 : i32 to index
        %get3A_600 = arith.constant 32 : index
        %get3A_601 = tpu.vector_load %arg15[%get3A_599, %get3A_600] {strides = array<i32>} : memref<128x64xf32, #tpu.memory_space<vmem>>, vector<16xf32>,
        %mul3A_602 = arith.mulf %get3A_601, %broadcast_in_dim3A_584 : vector<16xf32>
        %swap3A_603 = arith.index_cast %add3A_581 : i32 to index
        %swap3A_604 = arith.constant 32 : index
        %swap3A_605 = tpu.vector_load %arg15[%swap3A_603, %swap3A_604] {strides = array<i32>} : memref<128x64xf32, #tpu.memory_space<vmem>>, vector<16xf32>,
        tpu.vector_store %arg15[%swap3A_603, %swap3A_604], %mul3A_602 {strides = array<i32>} : memref<128x64xf32, #tpu.memory_space<vmem>>, vector<16xf32>,
        %get3A_606 = arith.index_cast %add3A_581 : i32 to index
        %get3A_607 = arith.constant 48 : index
        %get3A_608 = tpu.vector_load %arg15[%get3A_606, %get3A_607] {strides = array<i32>} : memref<128x64xf32, #tpu.memory_space<vmem>>, vector<16xf32>,
        %mul3A_609 = arith.mulf %get3A_608, %broadcast_in_dim3A_584 : vector<16xf32>
        %swap3A_610 = arith.index_cast %add3A_581 : i32 to index
        %swap3A_611 = arith.constant 48 : index
        %swap3A_612 = tpu.vector_load %arg15[%swap3A_610, %swap3A_611] {strides = array<i32>} : memref<128x64xf32, #tpu.memory_space<vmem>>, vector<16xf32>,
        tpu.vector_store %arg15[%swap3A_610, %swap3A_611], %mul3A_609 {strides = array<i32>} : memref<128x64xf32, #tpu.memory_space<vmem>>, vector<16xf32>,
        %mul3A_613 = arith.constant 16 : i32
        %mul3A_614 = arith.muli %scan3A_118, %mul3A_613 : i32
        %add3A_615 = arith.constant 14 : i32
        %add3A_616 = arith.addi %mul3A_614, %add3A_615 : i32
        %slice3A_617 = vector.extract_strided_slice %get3A_125 {offsets = [14], sizes = [1], strides = [1]} : vector<16xf32> to vector<1xf32>
        %squeeze3A_618 = vector.extract %slice3A_617[0] : f32 from vector<1xf32>
        %broadcast_in_dim3A_619 = vector.broadcast %squeeze3A_618 : f32 to vector<16xf32>
        %get3A_620 = arith.index_cast %add3A_616 : i32 to index
        %get3A_621 = arith.constant 0 : index
        %get3A_622 = tpu.vector_load %arg15[%get3A_620, %get3A_621] {strides = array<i32>} : memref<128x64xf32, #tpu.memory_space<vmem>>, vector<16xf32>,
        %mul3A_623 = arith.mulf %get3A_622, %broadcast_in_dim3A_619 : vector<16xf32>
        %swap3A_624 = arith.index_cast %add3A_616 : i32 to index
        %swap3A_625 = arith.constant 0 : index
        %swap3A_626 = tpu.vector_load %arg15[%swap3A_624, %swap3A_625] {strides = array<i32>} : memref<128x64xf32, #tpu.memory_space<vmem>>, vector<16xf32>,
        tpu.vector_store %arg15[%swap3A_624, %swap3A_625], %mul3A_623 {strides = array<i32>} : memref<128x64xf32, #tpu.memory_space<vmem>>, vector<16xf32>,
        %get3A_627 = arith.index_cast %add3A_616 : i32 to index
        %get3A_628 = arith.constant 16 : index
        %get3A_629 = tpu.vector_load %arg15[%get3A_627, %get3A_628] {strides = array<i32>} : memref<128x64xf32, #tpu.memory_space<vmem>>, vector<16xf32>,
        %mul3A_630 = arith.mulf %get3A_629, %broadcast_in_dim3A_619 : vector<16xf32>
        %swap3A_631 = arith.index_cast %add3A_616 : i32 to index
        %swap3A_632 = arith.constant 16 : index
        %swap3A_633 = tpu.vector_load %arg15[%swap3A_631, %swap3A_632] {strides = array<i32>} : memref<128x64xf32, #tpu.memory_space<vmem>>, vector<16xf32>,
        tpu.vector_store %arg15[%swap3A_631, %swap3A_632], %mul3A_630 {strides = array<i32>} : memref<128x64xf32, #tpu.memory_space<vmem>>, vector<16xf32>,
        %get3A_634 = arith.index_cast %add3A_616 : i32 to index
        %get3A_635 = arith.constant 32 : index
        %get3A_636 = tpu.vector_load %arg15[%get3A_634, %get3A_635] {strides = array<i32>} : memref<128x64xf32, #tpu.memory_space<vmem>>, vector<16xf32>,
        %mul3A_637 = arith.mulf %get3A_636, %broadcast_in_dim3A_619 : vector<16xf32>
        %swap3A_638 = arith.index_cast %add3A_616 : i32 to index
        %swap3A_639 = arith.constant 32 : index
        %swap3A_640 = tpu.vector_load %arg15[%swap3A_638, %swap3A_639] {strides = array<i32>} : memref<128x64xf32, #tpu.memory_space<vmem>>, vector<16xf32>,
        tpu.vector_store %arg15[%swap3A_638, %swap3A_639], %mul3A_637 {strides = array<i32>} : memref<128x64xf32, #tpu.memory_space<vmem>>, vector<16xf32>,
        %get3A_641 = arith.index_cast %add3A_616 : i32 to index
        %get3A_642 = arith.constant 48 : index
        %get3A_643 = tpu.vector_load %arg15[%get3A_641, %get3A_642] {strides = array<i32>} : memref<128x64xf32, #tpu.memory_space<vmem>>, vector<16xf32>,
        %mul3A_644 = arith.mulf %get3A_643, %broadcast_in_dim3A_619 : vector<16xf32>
        %swap3A_645 = arith.index_cast %add3A_616 : i32 to index
        %swap3A_646 = arith.constant 48 : index
        %swap3A_647 = tpu.vector_load %arg15[%swap3A_645, %swap3A_646] {strides = array<i32>} : memref<128x64xf32, #tpu.memory_space<vmem>>, vector<16xf32>,
        tpu.vector_store %arg15[%swap3A_645, %swap3A_646], %mul3A_644 {strides = array<i32>} : memref<128x64xf32, #tpu.memory_space<vmem>>, vector<16xf32>,
        %mul3A_648 = arith.constant 16 : i32
        %mul3A_649 = arith.muli %scan3A_118, %mul3A_648 : i32
        %add3A_650 = arith.constant 15 : i32
        %add3A_651 = arith.addi %mul3A_649, %add3A_650 : i32
        %slice3A_652 = vector.extract_strided_slice %get3A_125 {offsets = [15], sizes = [1], strides = [1]} : vector<16xf32> to vector<1xf32>
        %squeeze3A_653 = vector.extract %slice3A_652[0] : f32 from vector<1xf32>
        %broadcast_in_dim3A_654 = vector.broadcast %squeeze3A_653 : f32 to vector<16xf32>
        %get3A_655 = arith.index_cast %add3A_651 : i32 to index
        %get3A_656 = arith.constant 0 : index
        %get3A_657 = tpu.vector_load %arg15[%get3A_655, %get3A_656] {strides = array<i32>} : memref<128x64xf32, #tpu.memory_space<vmem>>, vector<16xf32>,
        %mul3A_658 = arith.mulf %get3A_657, %broadcast_in_dim3A_654 : vector<16xf32>
        %swap3A_659 = arith.index_cast %add3A_651 : i32 to index
        %swap3A_660 = arith.constant 0 : index
        %swap3A_661 = tpu.vector_load %arg15[%swap3A_659, %swap3A_660] {strides = array<i32>} : memref<128x64xf32, #tpu.memory_space<vmem>>, vector<16xf32>,
        tpu.vector_store %arg15[%swap3A_659, %swap3A_660], %mul3A_658 {strides = array<i32>} : memref<128x64xf32, #tpu.memory_space<vmem>>, vector<16xf32>,
        %get3A_662 = arith.index_cast %add3A_651 : i32 to index
        %get3A_663 = arith.constant 16 : index
        %get3A_664 = tpu.vector_load %arg15[%get3A_662, %get3A_663] {strides = array<i32>} : memref<128x64xf32, #tpu.memory_space<vmem>>, vector<16xf32>,
        %mul3A_665 = arith.mulf %get3A_664, %broadcast_in_dim3A_654 : vector<16xf32>
        %swap3A_666 = arith.index_cast %add3A_651 : i32 to index
        %swap3A_667 = arith.constant 16 : index
        %swap3A_668 = tpu.vector_load %arg15[%swap3A_666, %swap3A_667] {strides = array<i32>} : memref<128x64xf32, #tpu.memory_space<vmem>>, vector<16xf32>,
        tpu.vector_store %arg15[%swap3A_666, %swap3A_667], %mul3A_665 {strides = array<i32>} : memref<128x64xf32, #tpu.memory_space<vmem>>, vector<16xf32>,
        %get3A_669 = arith.index_cast %add3A_651 : i32 to index
        %get3A_670 = arith.constant 32 : index
        %get3A_671 = tpu.vector_load %arg15[%get3A_669, %get3A_670] {strides = array<i32>} : memref<128x64xf32, #tpu.memory_space<vmem>>, vector<16xf32>,
        %mul3A_672 = arith.mulf %get3A_671, %broadcast_in_dim3A_654 : vector<16xf32>
        %swap3A_673 = arith.index_cast %add3A_651 : i32 to index
        %swap3A_674 = arith.constant 32 : index
        %swap3A_675 = tpu.vector_load %arg15[%swap3A_673, %swap3A_674] {strides = array<i32>} : memref<128x64xf32, #tpu.memory_space<vmem>>, vector<16xf32>,
        tpu.vector_store %arg15[%swap3A_673, %swap3A_674], %mul3A_672 {strides = array<i32>} : memref<128x64xf32, #tpu.memory_space<vmem>>, vector<16xf32>,
        %get3A_676 = arith.index_cast %add3A_651 : i32 to index
        %get3A_677 = arith.constant 48 : index
        %get3A_678 = tpu.vector_load %arg15[%get3A_676, %get3A_677] {strides = array<i32>} : memref<128x64xf32, #tpu.memory_space<vmem>>, vector<16xf32>,
        %mul3A_679 = arith.mulf %get3A_678, %broadcast_in_dim3A_654 : vector<16xf32>
        %swap3A_680 = arith.index_cast %add3A_651 : i32 to index
        %swap3A_681 = arith.constant 48 : index
        %swap3A_682 = tpu.vector_load %arg15[%swap3A_680, %swap3A_681] {strides = array<i32>} : memref<128x64xf32, #tpu.memory_space<vmem>>, vector<16xf32>,
        tpu.vector_store %arg15[%swap3A_680, %swap3A_681], %mul3A_679 {strides = array<i32>} : memref<128x64xf32, #tpu.memory_space<vmem>>, vector<16xf32>,
        %scan3A_683 = arith.constant 0 : i32
        scf.yield %scan3A_683 : i32
      }
      %scan3A_116 = arith.constant 8 : i32
      "tpu.region"() ({
        %run_scoped3A_118 = tpu.sem_alloc : memref<!tpu.dma_semaphore, #tpu.memory_space<semaphore_mem>>
        %dma_start3A_119 = arith.constant 0 : i32
        %dma_start3A_120 = arith.constant 0 : i32
        %dma_start3A_121 = tpu.memref_slice %arg6[%arg0, %dma_start3A_119, %dma_start3A_120] : memref<2x10240x128xf32, #tpu.memory_space<hbm>> -> memref<1x10240x128xf32, #tpu.memory_space<hbm>>
        %dma_start3A_122 = tpu.memref_squeeze %dma_start3A_121 : memref<1x10240x128xf32, #tpu.memory_space<hbm>> -> memref<10240x128xf32, #tpu.memory_space<hbm>>
        %dma_start3A_123 = arith.constant 64 : i32
        %dma_start3A_124 = tpu.memref_slice %dma_start3A_122[%add3A, %dma_start3A_123] : memref<10240x128xf32, #tpu.memory_space<hbm>> -> memref<128x64xf32, #tpu.memory_space<hbm>>
        %dma_start3A_125 = arith.constant 0 : i32
        %dma_start3A_126 = arith.constant 0 : i32
        %dma_start3A_127 = tpu.memref_slice %arg6[%arg0, %dma_start3A_125, %dma_start3A_126] : memref<2x10240x128xf32, #tpu.memory_space<hbm>> -> memref<1x10240x128xf32, #tpu.memory_space<hbm>>
        %dma_start3A_128 = tpu.memref_squeeze %dma_start3A_127 : memref<1x10240x128xf32, #tpu.memory_space<hbm>> -> memref<10240x128xf32, #tpu.memory_space<hbm>>
        %dma_start3A_129 = arith.constant 64 : i32
        %dma_start3A_130 = tpu.memref_slice %dma_start3A_128[%add3A, %dma_start3A_129] : memref<10240x128xf32, #tpu.memory_space<hbm>> -> memref<128x64xf32, #tpu.memory_space<hbm>>
        tpu.enqueue_dma source(%arg15 : memref<128x64xf32, #tpu.memory_space<vmem>>) target(%dma_start3A_130 : memref<128x64xf32, #tpu.memory_space<hbm>>) target_semaphore(%run_scoped3A_118 : memref<!tpu.dma_semaphore, #tpu.memory_space<semaphore_mem>>)
        %dma_wait3A = arith.constant 0 : i32
        %dma_wait3A_131 = arith.constant 0 : i32
        %dma_wait3A_132 = tpu.memref_slice %arg6[%arg0, %dma_wait3A, %dma_wait3A_131] : memref<2x10240x128xf32, #tpu.memory_space<hbm>> -> memref<1x10240x128xf32, #tpu.memory_space<hbm>>
        %dma_wait3A_133 = tpu.memref_squeeze %dma_wait3A_132 : memref<1x10240x128xf32, #tpu.memory_space<hbm>> -> memref<10240x128xf32, #tpu.memory_space<hbm>>
        %dma_wait3A_134 = arith.constant 64 : i32
        %dma_wait3A_135 = tpu.memref_slice %dma_wait3A_133[%add3A, %dma_wait3A_134] : memref<10240x128xf32, #tpu.memory_space<hbm>> -> memref<128x64xf32, #tpu.memory_space<hbm>>
        %dma_wait3A_136 = arith.constant 0 : i32
        %dma_wait3A_137 = arith.constant 0 : i32
        %dma_wait3A_138 = tpu.memref_slice %arg6[%arg0, %dma_wait3A_136, %dma_wait3A_137] : memref<2x10240x128xf32, #tpu.memory_space<hbm>> -> memref<1x10240x128xf32, #tpu.memory_space<hbm>>
        %dma_wait3A_139 = tpu.memref_squeeze %dma_wait3A_138 : memref<1x10240x128xf32, #tpu.memory_space<hbm>> -> memref<10240x128xf32, #tpu.memory_space<hbm>>
        %dma_wait3A_140 = arith.constant 64 : i32
        %dma_wait3A_141 = tpu.memref_slice %dma_wait3A_139[%add3A, %dma_wait3A_140] : memref<10240x128xf32, #tpu.memory_space<hbm>> -> memref<128x64xf32, #tpu.memory_space<hbm>>
        tpu.wait_dma2 semaphore(%run_scoped3A_118 : memref<!tpu.dma_semaphore, #tpu.memory_space<semaphore_mem>>) src(%arg15 : memref<128x64xf32, #tpu.memory_space<vmem>>) dst(%dma_wait3A_141 : memref<128x64xf32, #tpu.memory_space<hbm>>)
        tpu.yield
      }) : () -> ()
      %scan3A_117 = arith.constant 0 : i32
      scf.yield %scan3A_117 : i32
    }
    %scan3A_103 = arith.constant 5 : i32
    "tpu.trace_stop"() : () -> ()
    return
  }
}

</mosaic_0001>

<sc_bundles>
// kernel: kernel.3.cloned.1.call-start
scs
__scs_entry_jumppad:
0x0: {  	(pc) =	sbr.rel $0x88, $3  }
0x1: {  	(tag) =	ssettag $0x0;
	lr =	simm.s32 $0x1  }
0x2: {  	[smem:$0x3F9F] =	sst lr;
	_ =	strace $0xD0000000  }
0x3: {  	_ = 	snop  }
0x4: {  	_ = 	snop  }
0x5: {  	_ = 	snop  }
0x6: {  	_ = 	snop  }
0x7: {  	_ = 	snop  }
__scs_overlays_trampoline_lowered:
0x8: {  	[smem:$0x3FAE] =	sst s0  }
0x9: {  	[smem:$0x3FAF] =	sst s1  }
0xa: {  	[smem:$0x3FB0] =	sst s2  }
0xb: {  	[smem:$0x3FB1] =	sst s3  }
0xc: {  	[smem:$0x3FB2] =	sst s4  }
0xd: {  	[smem:$0x3FB3] =	sst s5  }
0xe: {  	[smem:$0x3FB4] =	sst s6  }
0xf: {  	[smem:$0x3FB5] =	sst s7  }
0x10: {  	[smem:$0x3FB6] =	sst s8  }
0x11: {  	[smem:$0x3FB7] =	sst s9;
	s0 =	simm.s32 @!p0 $0x0  }
0x12: {  	s1 =	sld [smem:$0x3F9D];
	s0 =	simm.s32 @p0 $0x1  }
0x13: {  	[smem:$0x3FB8] =	sst s0;
	s0 =	simm.s32 @!p1 $0x0  }
0x14: {  	s2 =	sld [smem:$0x3F9C];
	s0 =	simm.s32 @p1 $0x1  }
0x15: {  	[smem:$0x3FB9] =	sst s0;
	s0 =	simm.s32 @!p2 $0x0  }
0x16: {  	s3 =	sld [smem:$0x3FDB];
	s0 =	simm.s32 @p2 $0x1  }
0x17: {  	s4 =	simm.s32 $0x1BF5;
	[smem:$0x3FBB] =	sst s0  }
0x18: {  	s0 =	sld [smem:$0x3F9E];
	_ =	swait.ge [sflag:s4], $0x0  }
0x19: {  	s7 =	sld [smem:$0x3F9F]  }
0x1a: {  	s8 =	sadd.s32 $0xFFFFE003, lr  }
0x1b: {  	s9 =	sadd.s32 $0xFFFFFEF7, lr;
	s5 =	simm.s32 $0xFFFFFFFF;
	p2 =	slt.u32 s8, $0xFFFFF086  }
0x1c: {  	p1 =	slt.u32 s9, $0xF7A;
	s5 =	simm.s32 @!p2 $0x0  }
0x1d: {  	s5 =	simm.s32 @p1 $0x1;
	p0 =	seq.s32 s7, s2  }
0x1e: {  	s7 =	smul.u32 @!p0 $0xF7A, s2;
	p2 =	seq.s32 @!p0 s5, $0x0  }
0x1f: {  	s9 =	smul.u32 $0xF7A, s1;
	s8 =	simm.s32 @!p0 $0x1BF5;
	p2 =	por !p2, p0  }
0x20: {  	[sflag:s8] =	ssyncset.s32 @!p0 $0xFFFFF086;
	s6 =	sadd.s32 @!p0 s3, s7;
	s7 =	simm.s32 @!p0 $0x108  }
0x21: {  	s3 =	sadd.s32 s3, s9;
	s6 =	sadd.s32 @!p0 $0x88, s6;
	s7 =	simm.s32 @p2 $0x1082  }
0x22: {  	[simem:s7], [sflag:s8] =	dma.local @!p0 [hbm:s6], $0xF7A  }
0x23: {  	s9 =	sor.u32 $0xD0000000, s2;
	s6 =	simm.s32 $0x108;
	_ =	swait.ge @!p0 [sflag:s8], $0x0  }
0x24: {  	s3 =	sadd.s32 $0x88, s3;
	s6 =	simm.s32 @!p1 $0x1082;
	[sflag:s4] =	ssyncset.s32 $0xFFFFF086  }
0x25: {  	[simem:s6], [sflag:s4] =	dma.local [hbm:s3], $0xF7A  }
0x26: {  	[smem:$0x3F9F] =	sst s1;
	(tag) =	ssettag s2;
	_ =	strace s9  }
0x27: {  	s1 =	sld [smem:$0x3FAF]  }
0x28: {  	s2 =	sld [smem:$0x3FB0]  }
0x29: {  	s4 =	sld [smem:$0x3FB2]  }
0x2a: {  	p0 =	seq.s32 s5, $0x0;
	s5 =	sld [smem:$0x3FB3]  }
0x2b: {  	s6 =	sld [smem:$0x3FB4]  }
0x2c: {  	s7 =	sld [smem:$0x3FB5]  }
0x2d: {  	s3 =	simm.s32 $0x108;
	s8 =	sld [smem:$0x3FB6]  }
0x2e: {  	s3 =	simm.s32 @!p0 $0x1082;
	s9 =	sld [smem:$0x3FB7]  }
0x2f: {  	lr =	sadd.s32 s0, s3;
	s0 =	sld [smem:$0x3FAE]  }
0x30: {  	s3 =	sld [smem:$0x3FB1]  }
0x31: {  	[smem:$0x3FBA] =	sst s10  }
0x32: {  	s10 =	sld [smem:$0x3FB8];
	_ =	sdelay $0x3  }
0x33: {  	p0 =	seq.s32 s10, $0x1;
	s10 =	sld [smem:$0x3FBA];
	_ =	sdelay $0x3  }
0x34: {  	[smem:$0x3FBA] =	sst s10  }
0x35: {  	s10 =	sld [smem:$0x3FB9];
	_ =	sdelay $0x3  }
0x36: {  	p1 =	seq.s32 s10, $0x1;
	s10 =	sld [smem:$0x3FBA];
	_ =	sdelay $0x3  }
0x37: {  	[smem:$0x3FBA] =	sst s10  }
0x38: {  	s10 =	sld [smem:$0x3FBB]  }
0x39: {  	_ = 	snop;
	(pc) =	sbr.ind lr, $3  }
0x3a: {  	_ = 	snop  }
0x3b: {  	_ = 	snop  }
0x3c: {  	p2 =	seq.s32 s10, $0x1;
	s10 =	sld [smem:$0x3FBA]  }
0x3d: {  	_ =	shalt  }
0x3e: {  	_ =	shalt  }
0x3f: {  	_ =	shalt  }
0x40: {  	_ =	shalt  }
0x41: {  	_ =	shalt  }
0x42: {  	_ =	shalt  }
0x43: {  	_ =	shalt  }
0x44: {  	_ =	shalt  }
0x45: {  	_ =	shalt  }
0x46: {  	_ =	shalt  }
0x47: {  	_ =	shalt  }
0x48: {  	_ =	shalt  }
0x49: {  	_ =	shalt  }
0x4a: {  	_ =	shalt  }
0x4b: {  	_ =	shalt  }
0x4c: {  	_ =	shalt  }
0x4d: {  	_ =	shalt  }
0x4e: {  	_ =	shalt  }
0x4f: {  	_ =	shalt  }
0x50: {  	_ =	shalt  }
0x51: {  	_ =	shalt  }
0x52: {  	_ =	shalt  }
0x53: {  	_ =	shalt  }
0x54: {  	_ =	shalt  }
0x55: {  	_ =	shalt  }
0x56: {  	_ =	shalt  }
0x57: {  	_ =	shalt  }
0x58: {  	_ =	shalt  }
0x59: {  	_ =	shalt  }
0x5a: {  	_ =	shalt  }
0x5b: {  	_ =	shalt  }
0x5c: {  	_ =	shalt  }
0x5d: {  	_ =	shalt  }
0x5e: {  	_ =	shalt  }
0x5f: {  	_ =	shalt  }
0x60: {  	_ =	shalt  }
0x61: {  	_ =	shalt  }
0x62: {  	_ =	shalt  }
0x63: {  	_ =	shalt  }
0x64: {  	_ =	shalt  }
0x65: {  	_ =	shalt  }
0x66: {  	_ =	shalt  }
0x67: {  	_ =	shalt  }
0x68: {  	_ =	shalt  }
0x69: {  	_ =	shalt  }
0x6a: {  	_ =	shalt  }
0x6b: {  	_ =	shalt  }
0x6c: {  	_ =	shalt  }
0x6d: {  	_ =	shalt  }
0x6e: {  	_ =	shalt  }
0x6f: {  	_ =	shalt  }
0x70: {  	_ =	shalt  }
0x71: {  	_ =	shalt  }
0x72: {  	_ =	shalt  }
0x73: {  	_ =	shalt  }
0x74: {  	_ =	shalt  }
0x75: {  	_ =	shalt  }
0x76: {  	_ =	shalt  }
0x77: {  	_ =	shalt  }
0x78: {  	_ =	shalt  }
0x79: {  	_ =	shalt  }
0x7a: {  	_ =	shalt  }
0x7b: {  	_ =	shalt  }
0x7c: {  	_ =	shalt  }
0x7d: {  	_ =	shalt  }
0x7e: {  	_ =	shalt  }
0x7f: {  	_ =	shalt  }
0x80: {  	_ =	shalt  }
0x81: {  	_ =	shalt  }
0x82: {  	_ =	shalt  }
0x83: {  	_ =	shalt  }
0x84: {  	_ =	shalt  }
0x85: {  	_ =	shalt  }
0x86: {  	_ =	shalt  }
0x87: {  	_ =	shalt  }
.Lfunc_end0:
.L_simem_size_0:
called_computation_lowered:
.L_overlay_start_0:
0x88: {  	s2 =	sld [smem:$0x3FD9]  }
0x89: {  	s3 =	sld [smem:$0x3FFE];
	_ =	sdelay $0x1  }
0x8a: {  	s1 =	srdreg.scid  }
0x8b: {  	s0 =	sand.u32 $0x1, s1  }
0x8c: {  	s17 =	sshll.u32 s0, $0xA;
	s2 =	sadd.s32 s3, s2  }
0x8d: {  	s2 =	sadd.s32 s2, s17  }
0x8e: {  	[smem:$0x3FC6] =	sst s2  }
0x8f: {  	_ = 	snop  }
0x90: {  	s2 =	sld [smem:$0x3FD0];
	(tm) =	ssettm $0x1  }
0x91: {  	s18 =	sld [smem:$0x3FFB];
	_ =	sdelay $0x3  }
0x92: {  	_ =	strace s18  }
0x93: {  	s3 =	sld [smem:$0x3FFC];
	_ =	sdelay $0x3  }
0x94: {  	_ =	strace s3  }
0x95: {  	s3 =	sld [smem:$0x3FFD];
	_ =	sdelay $0x3  }
0x96: {  	_ =	strace s3  }
0x97: {  	_ =	strace $0x8FFFFFFF  }
0x98: {  	s19 =	sld [smem:$0x3FDB];
	_ =	sdelay $0x1  }
0x99: {  	s4 =	simm.s32 $_scs_section_size  }
0x9a: {  	s5 =	simm.s32 $_size__tile_overlayer_lowered;
	s6 =	simm.s32 $_tile_overlayer_lowered  }
0x9b: {  	s22 =	simm.s32 $0x1BFF;
	s21 =	sshll.u32 s6, $0x1;
	s3 =	sadd.s32 s4, s19  }
0x9c: {  	s7 =	simm.s32 $0x0;
	s20 =	sshll.u32 s5, $0x1;
	s5 =	sadd.s32 s21, s3  }
0x9d: {  	[timem:s7], [sflag:s22] =	dma.local [hbm:s5], s20  }
0x9e: {  	_ =	swait.ge [sflag:s22], s20  }
0x9f: {  	s4 =	ssub.s32 $0x0, s20;
	[sflag:s22] =	ssyncset.done $0x0  }
0xa0: {  	[sflag:s22] =	ssyncadd.s32 s4;
	_ =	sdelay $0x1  }
0xa1: {  	s23 =	simm.s32 $0x1B8B  }
0xa2: {  	_ =	swait.ge [sflag:s23], $0x1  }
0xa3: {  	[sflag:s23] =	ssyncset.done $0x0  }
0xa4: {  	s25 =	simm.s32 $0x1B8E;
	s24 =	sld [smem:$0x3FFE];
	[sflag:s23] =	ssyncadd.s32 $0xFFFFFFFF  }
0xa5: {  	s26 =	simm.s32 $execute0_lowered;
	[smem:$0x3FD2] =	sst s25  }
0xa6: {  	s5 =	sshll.u32 s26, $0x1;
	_ =	strace $0x80000046;
	[dreg:$0x1] =	wrdreg $0xFFFFFFFF  }
0xa7: {  	s28 =	simm.s32 $_size_execute0_lowered;
	s3 =	sadd.s32 s3, s5;
	[dreg:$0x0] =	wrdreg $0x0  }
0xa8: {  	s5 =	sshll.u32 s28, $0x1;
	[dreg:$0x2] =	wrdreg s3  }
0xa9: {  	[dreg:$0x3] =	wrdreg s5  }
0xaa: {  	[dreg:$0x4] =	wrdreg $0xC0  }
0xab: {  	_ =	task [dreg:s7], $0x5FFFF  }
0xac: {  	[dreg:$0x1] =	wrdreg $0xFFFFFFFF  }
0xad: {  	[dreg:$0x0] =	wrdreg $0x60  }
0xae: {  	[dreg:$0x2] =	wrdreg s24  }
0xaf: {  	[dreg:$0x3] =	wrdreg s2  }
0xb0: {  	[dreg:$0x4] =	wrdreg $0x136D00  }
0xb1: {  	[dreg:$0x5] =	wrdreg $0x9  }
0xb2: {  	_ =	task.clear_ibuf [dreg:s7], $0x6FFFF;
	_ =	strace $0x90000046  }
0xb3: {  	s29 =	simm.s32 $0x9;
	_ =	strace $0x8000004D  }
0xb4: {  	_ =	swait.ge [sflag:s29], $0x1  }
0xb5: {  	[sflag:s29] =	ssyncadd.s32 $0xFFFFFFFF  }
0xb6: {  	_ =	strace $0x9000004D  }
0xb7: {  	_ =	sfence  }
0xb8: {  	s30 =	sld [smem:$0x0];
	_ =	sdelay $0x2  }
0xb9: {  	s31 =	sshll.u32 s1, $0xD;
	s1 =	sshrl.u32 s1, $0x2  }
0xba: {  	s3 =	sand.u32 $0x4000, s31;
	s1 =	sadd.s32 s1, s30  }
0xbb: {  	s0 =	sor.u32 s3, s0;
	s1 =	sshll.u32 s1, $0x11  }
0xbc: {  	s0 =	sor.u32 s1, s0  }
0xbd: {  	s0 =	sadd.s32 $0x8F2B, s0  }
0xbe: {  	[sflag:s0] =	ssyncadd.remote.s32 $0x1  }
0xbf: {  	_ =	sfence.sel $0xFFFF  }
0xc0: {  	[dreg:$0x0] =	wrdreg $0xFFFFFFFF;
	(pc) =	sbr.abs _section_cstart, $3  }
0xc1: {  	[dreg:$0x1] =	wrdreg $0xFFFFFFFF  }
0xc2: {  	_ =	task.clear_ibuf [dreg:s7], $0x2FFFF;
	_ =	strace $0x9FFFFFFF  }
0xc3: {  	(tm) =	ssettm $0x7FFFFFFF  }
tec
execute0_lowered:
.L_overlay_start_1:
0x0: {  	(tag) =	ssettag $0x1  }
0x1: {  	s0 =	rddreg [dreg:$0x0]  }
0x2: {  	s1 =	rddreg [dreg:$0x1]  }
0x3: {  	s2 =	rddreg [dreg:$0x2]  }
0x4: {  	s14 =	stileid.u32;
	s3 =	srdreg.scid;
	s5 =	simm.s32 $0x0  }
0x5: {  	s11 =	simm.s32 $0x5;
	s16 =	simm.s32 $0x50;
	s17 =	simm.s32 $0x9C40  }
0x6: {  	s18 =	simm.s32 $0xB040;
	s19 =	simm.s32 $0x1;
	s20 =	simm.s32 $0xC440  }
0x7: {  	s21 =	simm.s32 $0x3;
	s28 =	simm.s32 $0x9BF0;
	s4 =	smul.u32 $0x9C4, s14  }
0x8: {  	s29 =	simm.s32 $0x0;
	s3 =	sand.u32 $0x1, s3;
	s7 =	smul.u32 $0xA000, s14  }
0x9: {  	[smem:$0x7FF] =	sst s5;
	s8 =	smul.u32 $0x2800, s14;
	s31 =	sshll.u32 s14, $0x6  }
0xa: {  	s23 =	smul.u32 $0x140000, s3;
	_ =	strace $0x80000047;
	s6 =	ssub.s32 $0x2, s3  }
0xb: {  	s3 =	smul.u32 $0x28000, s3;
	s4 =	sadd.s32 s4, s0;
	s24 =	sshrl.u32 s6, $0x1  }
0xc: {  	s26 =	sadd.s32 s7, s2;
	s5 =	sshrl.u32 s23, $0x3;
	s25 =	sadd.s32 $0xAC00, s4  }
0xd: {  	s4 =	sadd.s32 $0xE00, s4;
	s8 =	sadd.s32 s8, s3;
	s3 =	sshrl.u32 s3, $0x3  }
0xe: {  	s15 =	sshrl.u32 s26, $0x3;
	s23 =	simm.s32 $0x2;
	s26 =	simm.s32 $0x9BA0  }
0xf: {  	s0 =	sadd.s32 s5, s0;
	s5 =	ssub.s32 s6, s24;
	[dreg:$0x4] =	wrdreg s25  }
0x10: {  	[dreg:$0x5] =	wrdreg s4;
	s6 =	smul.u32 $0x280, s14;
	s24 =	sshrl.u32 s7, $0x3  }
0x11: {  	s8 =	sshrl.u32 s8, $0x3;
	s14 =	sor.u32 $0x1C05, s31;
	s25 =	simm.s32 $0x4  }
0x12: {  	s12 =	sadd.s32 $0x28E00, s0;
	s7 =	sadd.s32 $0x78E00, s0;
	s8 =	sadd.s32 s1, s8  }
0x13: {  	s1 =	sadd.s32 s1, s3;
	s9 =	sadd.s32 $0xC8E00, s0;
	s0 =	sadd.s32 $0x3CE00, s0  }
0x14: {  	s10 =	smax.u32 s5, $0x1;
	[dreg:$0x6] =	wrdreg s8;
	s30 =	sshrl.u32 s6, $0x3  }
0x15: {  	s13 =	sadd.s32 s24, s12;
	s24 =	sadd.s32 s24, s0;
	s0 =	simm.s32 $0x116D0  }
0x16: {  	v0 =	vimm.f32 $0.0e+00;
	v1 =	vimm.f32 $1.000000000e+00;
	s12 =	simm.s32 $0x80;
	s22 =	sadd.s32 s30, s1;
	s1 =	simm.s32 $0x40  }
.LBB2_1:
0x17: {  	s3 =	simm.s32 $0x0;
	s4 =	rddreg [dreg:$0x4]  }
0x18: {  	[tilespmem:s3], [sflag:$0x5] =	stream.linear.gather [hbm4b:s4+s3], $0x4E20, $0x38;
	[tilespmem:$0x1D710] =	vst v63  }
0x19: {  	_ =	swait.ge [sflag:s11], $0x4E20  }
0x1a: {  	[sflag:s11] =	ssyncset.done $0x0  }
0x1b: {  	s5 =	simm.s32 $0x4E20;
	s31 =	rddreg [dreg:$0x5];
	[sflag:s11] =	ssyncadd.s32 $0xFFFFB1E0  }
0x1c: {  	[tilespmem:s5], [sflag:$0x5] =	stream.linear.gather [hbm4b:s31+s3], $0x4E20, $0x38;
	[tilespmem:$0x1D710] =	vst v63  }
0x1d: {  	_ =	swait.ge [sflag:s11], $0x4E20  }
0x1e: {  	[sflag:s11] =	ssyncset.done $0x0  }
0x1f: {  	s4 =	simm.s32 $0x0;
	s3 =	simm.s32 $0x40;
	[sflag:s11] =	ssyncadd.s32 $0xFFFFB1E0  }
.LBB2_2:
0x20: {  	p0 =	sne.s32 s3, $0xA000;
	[tilespmem:s4+$0xC440] =	vst v0;
	s4 =	smov.u32 s3;
	s3 =	sadd.s32 $0x40, s3  }
.Ltmp0:
0x21: {  	(pc) =	sbr.rel @p0 .LBB2_2-.Ltmp0, $2  }
0x22: {  	_ =	sdelay $0x2  }
0x23: {  	s4 =	sshra.s32 s4, $0x2  }
0x24: {  	[tilespmem:s4+$0xC440] =	vst v0  }
0x25: {  	[spmem:s15], [sflag:s14] =	dma.local [hbm:s13], $0x1400  }
0x26: {  	_ =	swait.ge [sflag:s11], $0x1400  }
0x27: {  	[sflag:s11] =	ssyncset.done $0x0  }
0x28: {  	s3 =	simm.s32 $0x0;
	[sflag:s11] =	ssyncadd.s32 $0xFFFFEC00  }
0x29: {  	[tilespmem:s17], [sflag:$0x1] =	stream.indirect.gather [hbm4b:s7+s16], $0x40, s3, s16, $0xb8;
	[tilespmem:$0x1D710] =	vst v63  }
0x2a: {  	_ = 	snop  }
0x2b: {  	[tilespmem:s18], [sflag:$0x2] =	stream.indirect.gather [hbm4b:s7+s16], $0x40, s16, s16, $0xb8;
	[tilespmem:$0x1D710] =	vst v63  }
0x2c: {  	[bflag:$0x0] =	sbarrier.arrive $0xFFFF  }
0x2d: {  	_ =	strace $0x80000048  }
.LBB2_4:
0x2e: {  	_ =	swait.ge [sflag:s19], $0x1400  }
0x2f: {  	s4 =	sshra.s32 s3, $0x2;
	[sflag:s19] =	ssyncset.done $0x0  }
0x30: {  	s5 =	sadd.s32 $0x4E20, s4;
	[sflag:s19] =	ssyncadd.s32 $0xFFFFEC00  }
0x31: {  	[spmem:s2] =	stream.indirect.scatter.add.f32 [tilespmem:s17], [sflag:$0x3], $0x40, s5, s16, $0x2000b8;
	[tilespmem:$0x1D710] =	vst v63  }
0x32: {  	v2 =	vld [tilespmem:s4+$0x4E20];
	_ =	sdelay $0x7  }
0x33: {  	[tilespmem:v2+s20+$0x0] =	vst.idx.add.f32.msk $0xffff, v1  }
0x34: {  	v2 =	vld [tilespmem:s4+$0x4E30];
	_ =	sdelay $0x7  }
0x35: {  	[tilespmem:v2+s20+$0x0] =	vst.idx.add.f32.msk $0xffff, v1  }
0x36: {  	v2 =	vld [tilespmem:s4+$0x4E40];
	_ =	sdelay $0x7  }
0x37: {  	[tilespmem:v2+s20+$0x0] =	vst.idx.add.f32.msk $0xffff, v1  }
0x38: {  	v2 =	vld [tilespmem:s4+$0x4E50];
	_ =	sdelay $0x7  }
0x39: {  	[tilespmem:v2+s20+$0x0] =	vst.idx.add.f32.msk $0xffff, v1  }
0x3a: {  	v2 =	vld [tilespmem:s4+$0x4E60];
	_ =	sdelay $0x7  }
0x3b: {  	[tilespmem:v2+s20+$0x0] =	vst.idx.add.f32.msk $0xffff, v1  }
0x3c: {  	_ =	swait.ge [sflag:s21], $0x1400  }
0x3d: {  	[sflag:s21] =	ssyncset.done $0x0  }
0x3e: {  	s30 =	sadd.s32 $0xA0, s4;
	[sflag:s21] =	ssyncadd.s32 $0xFFFFEC00  }
0x3f: {  	[tilespmem:s17], [sflag:$0x1] =	stream.indirect.gather [hbm4b:s7+s16], $0x40, s30, s16, $0x2000b8;
	[tilespmem:$0x1D710] =	vst v63  }
0x40: {  	_ =	swait.ge [sflag:s23], $0x1400  }
0x41: {  	[sflag:s23] =	ssyncset.done $0x0  }
0x42: {  	s31 =	sadd.s32 $0x4E70, s4;
	[sflag:s23] =	ssyncadd.s32 $0xFFFFEC00  }
0x43: {  	[spmem:s2] =	stream.indirect.scatter.add.f32 [tilespmem:s18], [sflag:$0x4], $0x40, s31, s16, $0x2000b8;
	[tilespmem:$0x1D710] =	vst v63  }
0x44: {  	v2 =	vld [tilespmem:s4+$0x4E70];
	_ =	sdelay $0x7  }
0x45: {  	[tilespmem:v2+s20+$0x0] =	vst.idx.add.f32.msk $0xffff, v1  }
0x46: {  	v2 =	vld [tilespmem:s4+$0x4E80];
	_ =	sdelay $0x7  }
0x47: {  	[tilespmem:v2+s20+$0x0] =	vst.idx.add.f32.msk $0xffff, v1  }
0x48: {  	v2 =	vld [tilespmem:s4+$0x4E90];
	_ =	sdelay $0x7  }
0x49: {  	[tilespmem:v2+s20+$0x0] =	vst.idx.add.f32.msk $0xffff, v1  }
0x4a: {  	v2 =	vld [tilespmem:s4+$0x4EA0];
	_ =	sdelay $0x7  }
0x4b: {  	[tilespmem:v2+s20+$0x0] =	vst.idx.add.f32.msk $0xffff, v1  }
0x4c: {  	v2 =	vld [tilespmem:s4+$0x4EB0];
	_ =	sdelay $0x6  }
0x4d: {  	p0 =	sne.s32 s3, $0x13380  }
.Ltmp1:
0x4e: {  	[tilespmem:v2+s20+$0x0] =	vst.idx.add.f32.msk $0xffff, v1;
	(pc) =	sbr.rel @p0 .LBB2_4-.Ltmp1, $4  }
0x4f: {  	_ =	swait.ge [sflag:s25], $0x1400  }
0x50: {  	[sflag:s25] =	ssyncset.done $0x0  }
0x51: {  	s3 =	sadd.s32 $0x280, s3;
	s4 =	sadd.s32 $0xF0, s4;
	[sflag:s25] =	ssyncadd.s32 $0xFFFFEC00  }
0x52: {  	[tilespmem:s18], [sflag:$0x2] =	stream.indirect.gather [hbm4b:s7+s16], $0x40, s4, s16, $0x2000b8;
	[tilespmem:$0x1D710] =	vst v63  }
0x53: {  	_ =	swait.ge [sflag:s19], $0x1400  }
0x54: {  	[sflag:s19] =	ssyncset.done $0x0  }
0x55: {  	[sflag:s19] =	ssyncadd.s32 $0xFFFFEC00  }
0x56: {  	[spmem:s2] =	stream.indirect.scatter.add.f32 [tilespmem:s17], [sflag:$0x3], $0x40, s26, s16, $0x2000b8;
	[tilespmem:$0x1D710] =	vst v63  }
0x57: {  	v2 =	vld [tilespmem:$0x9BA0];
	_ =	sdelay $0x7  }
0x58: {  	[tilespmem:v2+s20+$0x0] =	vst.idx.add.f32.msk $0xffff, v1  }
0x59: {  	v2 =	vld [tilespmem:$0x9BB0];
	_ =	sdelay $0x7  }
0x5a: {  	[tilespmem:v2+s20+$0x0] =	vst.idx.add.f32.msk $0xffff, v1  }
0x5b: {  	v2 =	vld [tilespmem:$0x9BC0];
	_ =	sdelay $0x7  }
0x5c: {  	[tilespmem:v2+s20+$0x0] =	vst.idx.add.f32.msk $0xffff, v1  }
0x5d: {  	v2 =	vld [tilespmem:$0x9BD0];
	_ =	sdelay $0x7  }
0x5e: {  	[tilespmem:v2+s20+$0x0] =	vst.idx.add.f32.msk $0xffff, v1  }
0x5f: {  	v2 =	vld [tilespmem:$0x9BE0];
	_ =	sdelay $0x7  }
0x60: {  	[tilespmem:v2+s20+$0x0] =	vst.idx.add.f32.msk $0xffff, v1  }
0x61: {  	_ =	swait.ge [sflag:s21], $0x1400  }
0x62: {  	[sflag:s21] =	ssyncset.done $0x0  }
0x63: {  	[sflag:s21] =	ssyncadd.s32 $0xFFFFEC00  }
0x64: {  	_ =	swait.ge [sflag:s23], $0x1400  }
0x65: {  	[sflag:s23] =	ssyncset.done $0x0  }
0x66: {  	[sflag:s23] =	ssyncadd.s32 $0xFFFFEC00  }
0x67: {  	[spmem:s2] =	stream.indirect.scatter.add.f32 [tilespmem:s18], [sflag:$0x4], $0x40, s28, s16, $0x2000b8;
	[tilespmem:$0x1D710] =	vst v63  }
0x68: {  	v2 =	vld [tilespmem:$0x9BF0];
	_ =	sdelay $0x7  }
0x69: {  	[tilespmem:v2+s20+$0x0] =	vst.idx.add.f32.msk $0xffff, v1  }
0x6a: {  	v2 =	vld [tilespmem:$0x9C00];
	_ =	sdelay $0x7  }
0x6b: {  	[tilespmem:v2+s20+$0x0] =	vst.idx.add.f32.msk $0xffff, v1  }
0x6c: {  	v2 =	vld [tilespmem:$0x9C10];
	_ =	sdelay $0x7  }
0x6d: {  	[tilespmem:v2+s20+$0x0] =	vst.idx.add.f32.msk $0xffff, v1  }
0x6e: {  	v2 =	vld [tilespmem:$0x9C20];
	_ =	sdelay $0x7  }
0x6f: {  	[tilespmem:v2+s20+$0x0] =	vst.idx.add.f32.msk $0xffff, v1  }
0x70: {  	v2 =	vld [tilespmem:$0x9C30];
	_ =	sdelay $0x7  }
0x71: {  	[tilespmem:v2+s20+$0x0] =	vst.idx.add.f32.msk $0xffff, v1  }
0x72: {  	_ =	swait.ge [sflag:s25], $0x1400  }
0x73: {  	[sflag:s25] =	ssyncset.done $0x0  }
0x74: {  	[sflag:s25] =	ssyncadd.s32 $0xFFFFEC00  }
0x75: {  	_ =	strace $0x90000048  }
0x76: {  	s3 =	simm.s32 $0x0;
	s4 =	rddreg [dreg:$0x6]  }
0x77: {  	[hbm4b:s4+s3] =	stream.linear.scatter [tilespmem:s20], [sflag:$0x5], $0x2800, $0x38;
	[tilespmem:$0x1D710] =	vst v63  }
0x78: {  	_ =	swait.ge [sflag:s11], $0x2800  }
0x79: {  	[sflag:s11] =	ssyncset.done $0x0  }
0x7a: {  	s8 =	simm.s32 $0x280;
	[sflag:s11] =	ssyncadd.s32 $0xFFFFD800  }
0x7b: {  	s31 =	simm.s32 $0x2800;
	s5 =	simm.s32 $0xEC50;
	[bflag:$0x0] =	sbarrier.arrive $0xFFFF  }
0x7c: {  	[tilespmem:s5], [sflag:$0x5] =	stream.strided.gather [hbm4b:s22+s8], $0x2800, s31, s8, $0x38;
	[tilespmem:$0x1D710] =	vst v63  }
0x7d: {  	_ =	swait.ge [sflag:s11], $0x2800  }
0x7e: {  	[sflag:s11] =	ssyncset.done $0x0  }
0x7f: {  	[sflag:s11] =	ssyncadd.s32 $0xFFFFD800  }
0x80: {  	s4 =	simm.s32 $0x0;
	_ =	strace $0x80000049  }
0x81: {  	v2 =	vld [tilespmem:s4+$0xEC50];
	_ =	sdelay $0x1  }
0x82: {  	v3 =	vld [tilespmem:s4+$0xEED0];
	_ =	sdelay $0x1  }
0x83: {  	v4 =	vld [tilespmem:s4+$0xF150]  }
0x84: {  	v2 =	vadd.f32 $1.000000000e+00, v2  }
0x85: {  	v5 =	vld [tilespmem:s4+$0xF3D0]  }
0x86: {  	v2 =	vadd.f32 v3, v2  }
0x87: {  	v3 =	vld [tilespmem:s4+$0xF650]  }
0x88: {  	v2 =	vadd.f32 v4, v2  }
0x89: {  	v4 =	vld [tilespmem:s4+$0xF8D0]  }
0x8a: {  	v2 =	vadd.f32 v5, v2  }
0x8b: {  	v5 =	vld [tilespmem:s4+$0xFB50]  }
0x8c: {  	v2 =	vadd.f32 v3, v2  }
0x8d: {  	s3 =	simm.s32 $0x10;
	v3 =	vld [tilespmem:s4+$0xFDD0]  }
0x8e: {  	v6 =	vld [tilespmem:s3+$0xEC50];
	v2 =	vadd.f32 v4, v2  }
0x8f: {  	v4 =	vld [tilespmem:s4+$0x10050]  }
0x90: {  	v7 =	vld [tilespmem:s3+$0xEED0];
	v2 =	vadd.f32 v5, v2  }
0x91: {  	v5 =	vld [tilespmem:s4+$0x102D0]  }
0x92: {  	v8 =	vld [tilespmem:s3+$0xF150];
	v2 =	vadd.f32 v3, v2  }
0x93: {  	v3 =	vld [tilespmem:s4+$0x10550]  }
0x94: {  	v9 =	vld [tilespmem:s3+$0xF3D0];
	v6 =	vadd.f32 $1.000000000e+00, v6;
	v2 =	vadd.f32 v4, v2  }
0x95: {  	v4 =	vld [tilespmem:s4+$0x107D0]  }
0x96: {  	v10 =	vld [tilespmem:s3+$0xF650];
	v6 =	vadd.f32 v7, v6;
	v2 =	vadd.f32 v5, v2  }
0x97: {  	v7 =	vld [tilespmem:s4+$0x10A50]  }
0x98: {  	v5 =	vadd.f32 v8, v6;
	v8 =	vld [tilespmem:s4+$0x10CD0];
	v2 =	vadd.f32 v3, v2  }
0x99: {  	v3 =	vld [tilespmem:s3+$0xF8D0]  }
0x9a: {  	v6 =	vadd.f32 v9, v5;
	v5 =	vld [tilespmem:s4+$0x10F50];
	v2 =	vadd.f32 v4, v2  }
0x9b: {  	v4 =	vld [tilespmem:s3+$0xFB50]  }
0x9c: {  	v9 =	vadd.f32 v10, v6;
	v6 =	vld [tilespmem:s4+$0x111D0];
	v10 =	vadd.f32 v7, v2  }
0x9d: {  	v2 =	vld [tilespmem:s3+$0xFDD0]  }
0x9e: {  	s30 =	simm.s32 $0xC0;
	s5 =	simm.s32 $0x20;
	v7 =	vadd.f32 v3, v9;
	v3 =	vld [tilespmem:s3+$0x10050];
	v8 =	vadd.f32 v8, v10  }
.LBB2_6:
0x9f: {  	p0 =	sne.s32 s30, $0x9C0;
	v9 =	vld [tilespmem:s5+$0xEC50];
	s31 =	smov.u32 s3;
	s3 =	smov.u32 s5  }
0xa0: {  	v4 =	vadd.f32 v4, v7;
	v7 =	vld [tilespmem:s31+$0x102D0];
	v5 =	vadd.f32 v5, v8  }
0xa1: {  	v8 =	vld [tilespmem:s3+$0xEED0]  }
0xa2: {  	v2 =	vadd.f32 v2, v4;
	v4 =	vld [tilespmem:s31+$0x10550];
	v5 =	vadd.f32 v6, v5  }
0xa3: {  	v6 =	vld [tilespmem:s3+$0xF150]  }
0xa4: {  	v9 =	vadd.f32 $1.000000000e+00, v9;
	v2 =	vadd.f32 v3, v2;
	v3 =	vld [tilespmem:s31+$0x107D0];
	(erf) = vrcp.f32 v5  }
0xa5: {  	v5 =	vld [tilespmem:s3+$0xF3D0]  }
0xa6: {  	v8 =	vadd.f32 v8, v9;
	v2 =	vadd.f32 v7, v2;
	v7 =	vld [tilespmem:s31+$0x10A50]  }
0xa7: {  	v9 =	vld [tilespmem:s3+$0xF650]  }
0xa8: {  	v6 =	vadd.f32 v6, v8;
	v2 =	vadd.f32 v4, v2;
	v8 =	vld [tilespmem:s31+$0x10CD0]  }
0xa9: {  	v10 =	vld [tilespmem:s3+$0xF8D0]  }
.Ltmp2:
0xaa: {  	v6 =	vadd.f32 v5, v6;
	v2 =	vadd.f32 v3, v2;
	v5 =	vld [tilespmem:s31+$0x10F50];
	(pc) =	sbr.rel @p0 .LBB2_6-.Ltmp2, $4  }
0xab: {  	v4 =	vld [tilespmem:s3+$0xFB50]  }
0xac: {  	v3 =	vadd.f32 v9, v6;
	v9 =	vadd.f32 v7, v2;
	v6 =	vld [tilespmem:s31+$0x111D0]  }
0xad: {  	v2 =	vld [tilespmem:s3+$0xFDD0];
	v11 =	vpop (erf)  }
0xae: {  	s5 =	sshra.s32 s30, $0x2;
	s30 =	sadd.s32 $0x40, s30;
	v7 =	vadd.f32 v10, v3;
	v3 =	vld [tilespmem:s3+$0x10050];
	v8 =	vadd.f32 v8, v9;
	[tilespmem:s4+$0x11450] =	vst v11;
	s4 =	smov.u32 s31  }
0xaf: {  	v9 =	vld [tilespmem:s5+$0xEC50];
	_ =	sdelay $0x1  }
0xb0: {  	v10 =	vld [tilespmem:s5+$0xEED0]  }
0xb1: {  	v5 =	vadd.f32 v5, v8  }
0xb2: {  	v47 =	vld [tilespmem:s5+$0xF150]  }
0xb3: {  	v11 =	vld [tilespmem:s3+$0x102D0];
	v5 =	vadd.f32 v6, v5;
	v48 =	vadd.f32 $1.000000000e+00, v9  }
0xb4: {  	v49 =	vld [tilespmem:s5+$0xF3D0]  }
0xb5: {  	v12 =	vld [tilespmem:s3+$0x10550];
	(erf) = vrcp.f32 v5;
	v50 =	vadd.f32 v10, v48  }
0xb6: {  	v51 =	vld [tilespmem:s5+$0xF650]  }
0xb7: {  	v13 =	vld [tilespmem:s3+$0x107D0];
	v5 =	vadd.f32 v47, v50  }
0xb8: {  	v53 =	vld [tilespmem:s5+$0xF8D0]  }
0xb9: {  	v52 =	vld [tilespmem:s3+$0x10A50];
	v5 =	vadd.f32 v49, v5  }
0xba: {  	v54 =	vld [tilespmem:s5+$0xFB50]  }
0xbb: {  	v14 =	vld [tilespmem:s3+$0x10CD0];
	v5 =	vadd.f32 v51, v5  }
0xbc: {  	v55 =	vld [tilespmem:s5+$0xFDD0]  }
0xbd: {  	v15 =	vld [tilespmem:s3+$0x10F50];
	v5 =	vadd.f32 v53, v5  }
0xbe: {  	v57 =	vld [tilespmem:s5+$0x10050];
	v4 =	vadd.f32 v4, v7;
	v56 =	vpop (erf)  }
0xbf: {  	v16 =	vld [tilespmem:s3+$0x111D0];
	[tilespmem:s4+$0x11450] =	vst v56;
	v5 =	vadd.f32 v54, v5  }
0xc0: {  	v2 =	vadd.f32 v2, v4;
	v58 =	vld [tilespmem:s5+$0x102D0]  }
0xc1: {  	v5 =	vadd.f32 v55, v5  }
0xc2: {  	v2 =	vadd.f32 v3, v2;
	v3 =	vld [tilespmem:s5+$0x10550]  }
0xc3: {  	v5 =	vadd.f32 v57, v5  }
0xc4: {  	v2 =	vadd.f32 v11, v2;
	v59 =	vld [tilespmem:s5+$0x107D0]  }
0xc5: {  	v4 =	vadd.f32 v58, v5  }
0xc6: {  	v2 =	vadd.f32 v12, v2;
	v60 =	vld [tilespmem:s5+$0x10A50]  }
0xc7: {  	v3 =	vadd.f32 v3, v4  }
0xc8: {  	v2 =	vadd.f32 v13, v2;
	v61 =	vld [tilespmem:s5+$0x10CD0]  }
0xc9: {  	v3 =	vadd.f32 v59, v3  }
0xca: {  	v2 =	vadd.f32 v52, v2;
	v62 =	vld [tilespmem:s5+$0x10F50]  }
0xcb: {  	v3 =	vadd.f32 v60, v3  }
0xcc: {  	v2 =	vadd.f32 v14, v2;
	v63 =	vld [tilespmem:s5+$0x111D0]  }
0xcd: {  	v3 =	vadd.f32 v61, v3  }
0xce: {  	v2 =	vadd.f32 v15, v2  }
0xcf: {  	v3 =	vadd.f32 v62, v3  }
0xd0: {  	v2 =	vadd.f32 v16, v2  }
0xd1: {  	v3 =	vadd.f32 v63, v3  }
0xd2: {  	(erf) = vrcp.f32 v2  }
0xd3: {  	(erf) = vrcp.f32 v3;
	_ =	sdelay $0x7  }
0xd4: {  	v2 =	vpop (erf)  }
0xd5: {  	[tilespmem:s3+$0x11450] =	vst v2;
	v2 =	vpop (erf)  }
0xd6: {  	[tilespmem:s5+$0x11450] =	vst v2  }
0xd7: {  	_ =	strace $0x90000049  }
0xd8: {  	s30 =	simm.s32 $0x0;
	s31 =	simm.s32 $0x11450;
	_ =	strace $0x8000004A  }
.LBB2_8:
0xd9: {  	s3 =	sshll.u32 s30, $0x7  }
0xda: {  	s3 =	sadd.s32 s6, s3  }
0xdb: {  	s4 =	sshll.u32 s3, $0x6  }
0xdc: {  	s4 =	sand.u32 $0x3FFFFFC0, s4  }
0xdd: {  	s4 =	sadd.s32 s4, s2  }
0xde: {  	v2 =	vmov s31;
	[tilespmem:s0], [sflag:$0x5] =	stream.linear.gather [spmem:s4], $0x2000, $0x200038;
	[tilespmem:$0x1D710] =	vst v63  }
0xdf: {  	_ =	swait.ge [sflag:s11], $0x2000  }
0xe0: {  	[sflag:s11] =	ssyncset.done $0x0  }
0xe1: {  	s5 =	simm.s32 $0x0;
	s4 =	simm.s32 $0x118D0;
	[sflag:s11] =	ssyncadd.s32 $0xFFFFE000  }
.LBB2_9:
0xe2: {  	s8 =	sshra.s32 s5, $0x2  }
0xe3: {  	v3 =	vld.idx.msk [tilespmem:v2+s8+$0x0 ss:$0x1], $0xffff;
	_ =	sdelay $0x1  }
0xe4: {  	v4 =	vld [tilespmem:s4+$0xFFFFFE00];
	_ =	sdelay $0x1  }
0xe5: {  	v43 =	vld [tilespmem:s4+$0xFFFFFE10]  }
0xe6: {  	v5 =	vbroadcast v3, $0x0  }
0xe7: {  	v44 =	vld [tilespmem:s4+$0xFFFFFE20]  }
0xe8: {  	v4 =	vmul.f32 v5, v4  }
0xe9: {  	v45 =	vld [tilespmem:s4+$0xFFFFFE30]  }
0xea: {  	[tilespmem:s4+$0xFFFFFE00] =	vst v4;
	v4 =	vmul.f32 v43, v5  }
0xeb: {  	v46 =	vld [tilespmem:s4+$0xFFFFFE40]  }
0xec: {  	[tilespmem:s4+$0xFFFFFE10] =	vst v4;
	v4 =	vmul.f32 v44, v5  }
0xed: {  	v48 =	vld [tilespmem:s4+$0xFFFFFE50]  }
0xee: {  	v47 =	vbroadcast v3, $0x1;
	[tilespmem:s4+$0xFFFFFE20] =	vst v4;
	v4 =	vmul.f32 v45, v5  }
0xef: {  	v49 =	vld [tilespmem:s4+$0xFFFFFE60]  }
0xf0: {  	[tilespmem:s4+$0xFFFFFE30] =	vst v4;
	v4 =	vmul.f32 v46, v47  }
0xf1: {  	v50 =	vld [tilespmem:s4+$0xFFFFFE70]  }
0xf2: {  	[tilespmem:s4+$0xFFFFFE40] =	vst v4;
	v4 =	vmul.f32 v48, v47  }
0xf3: {  	v51 =	vld [tilespmem:s4+$0xFFFFFE80]  }
0xf4: {  	[tilespmem:s4+$0xFFFFFE50] =	vst v4;
	v4 =	vmul.f32 v49, v47  }
0xf5: {  	v53 =	vld [tilespmem:s4+$0xFFFFFE90]  }
0xf6: {  	v52 =	vbroadcast v3, $0x2;
	[tilespmem:s4+$0xFFFFFE60] =	vst v4;
	v4 =	vmul.f32 v50, v47  }
0xf7: {  	v54 =	vld [tilespmem:s4+$0xFFFFFEA0]  }
0xf8: {  	[tilespmem:s4+$0xFFFFFE70] =	vst v4;
	v4 =	vmul.f32 v51, v52  }
0xf9: {  	v55 =	vld [tilespmem:s4+$0xFFFFFEB0]  }
0xfa: {  	[tilespmem:s4+$0xFFFFFE80] =	vst v4;
	v4 =	vmul.f32 v53, v52  }
0xfb: {  	v56 =	vld [tilespmem:s4+$0xFFFFFEC0]  }
0xfc: {  	[tilespmem:s4+$0xFFFFFE90] =	vst v4;
	v4 =	vmul.f32 v54, v52  }
0xfd: {  	v58 =	vld [tilespmem:s4+$0xFFFFFED0]  }
0xfe: {  	v57 =	vbroadcast v3, $0x3;
	[tilespmem:s4+$0xFFFFFEA0] =	vst v4;
	v4 =	vmul.f32 v55, v52  }
0xff: {  	v59 =	vld [tilespmem:s4+$0xFFFFFEE0]  }
0x100: {  	[tilespmem:s4+$0xFFFFFEB0] =	vst v4;
	v4 =	vmul.f32 v56, v57  }
0x101: {  	v60 =	vld [tilespmem:s4+$0xFFFFFEF0]  }
0x102: {  	[tilespmem:s4+$0xFFFFFEC0] =	vst v4;
	v4 =	vmul.f32 v58, v57  }
0x103: {  	v61 =	vld [tilespmem:s4+$0xFFFFFF00]  }
0x104: {  	[tilespmem:s4+$0xFFFFFED0] =	vst v4;
	v4 =	vmul.f32 v59, v57  }
0x105: {  	v63 =	vld [tilespmem:s4+$0xFFFFFF10]  }
0x106: {  	v62 =	vbroadcast v3, $0x4;
	[tilespmem:s4+$0xFFFFFEE0] =	vst v4;
	v4 =	vmul.f32 v60, v57  }
0x107: {  	v8 =	vld [tilespmem:s4+$0xFFFFFF20]  }
0x108: {  	[tilespmem:s4+$0xFFFFFEF0] =	vst v4;
	v4 =	vmul.f32 v61, v62  }
0x109: {  	v9 =	vld [tilespmem:s4+$0xFFFFFF30]  }
0x10a: {  	[tilespmem:s4+$0xFFFFFF00] =	vst v4;
	v4 =	vmul.f32 v63, v62  }
0x10b: {  	v10 =	vld [tilespmem:s4+$0xFFFFFF40]  }
0x10c: {  	[tilespmem:s4+$0xFFFFFF10] =	vst v4;
	v4 =	vmul.f32 v8, v62  }
0x10d: {  	v12 =	vld [tilespmem:s4+$0xFFFFFF50]  }
0x10e: {  	v11 =	vbroadcast v3, $0x5;
	[tilespmem:s4+$0xFFFFFF20] =	vst v4;
	v4 =	vmul.f32 v9, v62  }
0x10f: {  	v13 =	vld [tilespmem:s4+$0xFFFFFF60]  }
0x110: {  	[tilespmem:s4+$0xFFFFFF30] =	vst v4;
	v4 =	vmul.f32 v10, v11  }
0x111: {  	v14 =	vld [tilespmem:s4+$0xFFFFFF70]  }
0x112: {  	[tilespmem:s4+$0xFFFFFF40] =	vst v4;
	v4 =	vmul.f32 v12, v11  }
0x113: {  	v15 =	vld [tilespmem:s4+$0xFFFFFF80]  }
0x114: {  	[tilespmem:s4+$0xFFFFFF50] =	vst v4;
	v4 =	vmul.f32 v13, v11  }
0x115: {  	v17 =	vld [tilespmem:s4+$0xFFFFFF90]  }
0x116: {  	v16 =	vbroadcast v3, $0x6;
	[tilespmem:s4+$0xFFFFFF60] =	vst v4;
	v4 =	vmul.f32 v14, v11  }
0x117: {  	v18 =	vld [tilespmem:s4+$0xFFFFFFA0]  }
0x118: {  	[tilespmem:s4+$0xFFFFFF70] =	vst v4;
	v4 =	vmul.f32 v15, v16  }
0x119: {  	v19 =	vld [tilespmem:s4+$0xFFFFFFB0]  }
0x11a: {  	[tilespmem:s4+$0xFFFFFF80] =	vst v4;
	v4 =	vmul.f32 v17, v16  }
0x11b: {  	v20 =	vld [tilespmem:s4+$0xFFFFFFC0]  }
0x11c: {  	[tilespmem:s4+$0xFFFFFF90] =	vst v4;
	v4 =	vmul.f32 v18, v16  }
0x11d: {  	v22 =	vld [tilespmem:s4+$0xFFFFFFD0]  }
0x11e: {  	v21 =	vbroadcast v3, $0x7;
	[tilespmem:s4+$0xFFFFFFA0] =	vst v4;
	v4 =	vmul.f32 v19, v16  }
0x11f: {  	v23 =	vld [tilespmem:s4+$0xFFFFFFE0]  }
0x120: {  	[tilespmem:s4+$0xFFFFFFB0] =	vst v4;
	v4 =	vmul.f32 v20, v21  }
0x121: {  	v24 =	vld [tilespmem:s4+$0xFFFFFFF0]  }
0x122: {  	[tilespmem:s4+$0xFFFFFFC0] =	vst v4;
	v4 =	vmul.f32 v22, v21  }
0x123: {  	v25 =	vld [tilespmem:s4+$0x0]  }
0x124: {  	[tilespmem:s4+$0xFFFFFFD0] =	vst v4;
	v4 =	vmul.f32 v23, v21  }
0x125: {  	v27 =	vld [tilespmem:s4+$0x10]  }
0x126: {  	v26 =	vbroadcast v3, $0x8;
	[tilespmem:s4+$0xFFFFFFE0] =	vst v4;
	v4 =	vmul.f32 v24, v21  }
0x127: {  	v28 =	vld [tilespmem:s4+$0x20]  }
0x128: {  	[tilespmem:s4+$0xFFFFFFF0] =	vst v4;
	v4 =	vmul.f32 v25, v26  }
0x129: {  	v29 =	vld [tilespmem:s4+$0x30]  }
0x12a: {  	[tilespmem:s4+$0x0] =	vst v4;
	v4 =	vmul.f32 v27, v26  }
0x12b: {  	v30 =	vld [tilespmem:s4+$0x40]  }
0x12c: {  	[tilespmem:s4+$0x10] =	vst v4;
	v4 =	vmul.f32 v28, v26  }
0x12d: {  	v32 =	vld [tilespmem:s4+$0x50]  }
0x12e: {  	v31 =	vbroadcast v3, $0x9;
	[tilespmem:s4+$0x20] =	vst v4;
	v4 =	vmul.f32 v29, v26  }
0x12f: {  	v33 =	vld [tilespmem:s4+$0x60]  }
0x130: {  	[tilespmem:s4+$0x30] =	vst v4;
	v4 =	vmul.f32 v30, v31  }
0x131: {  	v34 =	vld [tilespmem:s4+$0x70]  }
0x132: {  	[tilespmem:s4+$0x40] =	vst v4;
	v4 =	vmul.f32 v32, v31  }
0x133: {  	v35 =	vld [tilespmem:s4+$0x80]  }
0x134: {  	[tilespmem:s4+$0x50] =	vst v4;
	v4 =	vmul.f32 v33, v31  }
0x135: {  	v37 =	vld [tilespmem:s4+$0x90]  }
0x136: {  	v36 =	vbroadcast v3, $0xA;
	[tilespmem:s4+$0x60] =	vst v4;
	v4 =	vmul.f32 v34, v31  }
0x137: {  	v38 =	vld [tilespmem:s4+$0xA0]  }
0x138: {  	[tilespmem:s4+$0x70] =	vst v4;
	v4 =	vmul.f32 v35, v36  }
0x139: {  	v39 =	vld [tilespmem:s4+$0xB0]  }
0x13a: {  	[tilespmem:s4+$0x80] =	vst v4;
	v4 =	vmul.f32 v37, v36  }
0x13b: {  	v40 =	vld [tilespmem:s4+$0xC0]  }
0x13c: {  	[tilespmem:s4+$0x90] =	vst v4;
	v4 =	vmul.f32 v38, v36  }
0x13d: {  	v42 =	vld [tilespmem:s4+$0xD0]  }
0x13e: {  	v41 =	vbroadcast v3, $0xB;
	[tilespmem:s4+$0xA0] =	vst v4;
	v4 =	vmul.f32 v39, v36  }
0x13f: {  	v43 =	vld [tilespmem:s4+$0xE0]  }
0x140: {  	[tilespmem:s4+$0xB0] =	vst v4;
	v4 =	vmul.f32 v40, v41  }
0x141: {  	v44 =	vld [tilespmem:s4+$0xF0]  }
0x142: {  	[tilespmem:s4+$0xC0] =	vst v4;
	v4 =	vmul.f32 v42, v41  }
0x143: {  	v45 =	vld [tilespmem:s4+$0x100]  }
0x144: {  	[tilespmem:s4+$0xD0] =	vst v4;
	v4 =	vmul.f32 v43, v41  }
0x145: {  	v47 =	vld [tilespmem:s4+$0x110]  }
0x146: {  	v46 =	vbroadcast v3, $0xC;
	[tilespmem:s4+$0xE0] =	vst v4;
	v4 =	vmul.f32 v44, v41  }
0x147: {  	v48 =	vld [tilespmem:s4+$0x120]  }
0x148: {  	[tilespmem:s4+$0xF0] =	vst v4;
	v4 =	vmul.f32 v45, v46  }
0x149: {  	v49 =	vld [tilespmem:s4+$0x130]  }
0x14a: {  	[tilespmem:s4+$0x100] =	vst v4;
	v4 =	vmul.f32 v47, v46  }
0x14b: {  	v50 =	vld [tilespmem:s4+$0x140]  }
0x14c: {  	[tilespmem:s4+$0x110] =	vst v4;
	v4 =	vmul.f32 v48, v46  }
0x14d: {  	v52 =	vld [tilespmem:s4+$0x150]  }
0x14e: {  	v51 =	vbroadcast v3, $0xD;
	[tilespmem:s4+$0x120] =	vst v4;
	v4 =	vmul.f32 v49, v46  }
0x14f: {  	v53 =	vld [tilespmem:s4+$0x160]  }
0x150: {  	[tilespmem:s4+$0x130] =	vst v4;
	v4 =	vmul.f32 v50, v51  }
0x151: {  	v54 =	vld [tilespmem:s4+$0x170]  }
0x152: {  	[tilespmem:s4+$0x140] =	vst v4;
	v4 =	vmul.f32 v52, v51  }
0x153: {  	v55 =	vld [tilespmem:s4+$0x180]  }
0x154: {  	[tilespmem:s4+$0x150] =	vst v4;
	v4 =	vmul.f32 v53, v51  }
0x155: {  	v57 =	vld [tilespmem:s4+$0x190]  }
0x156: {  	v56 =	vbroadcast v3, $0xE;
	[tilespmem:s4+$0x160] =	vst v4;
	v4 =	vmul.f32 v54, v51  }
0x157: {  	v58 =	vld [tilespmem:s4+$0x1A0]  }
0x158: {  	[tilespmem:s4+$0x170] =	vst v4;
	v4 =	vmul.f32 v55, v56  }
0x159: {  	v59 =	vld [tilespmem:s4+$0x1B0]  }
0x15a: {  	[tilespmem:s4+$0x180] =	vst v4;
	v4 =	vmul.f32 v57, v56  }
0x15b: {  	v60 =	vld [tilespmem:s4+$0x1C0]  }
0x15c: {  	[tilespmem:s4+$0x190] =	vst v4;
	v4 =	vmul.f32 v58, v56  }
0x15d: {  	v61 =	vld [tilespmem:s4+$0x1D0]  }
0x15e: {  	v3 =	vbroadcast v3, $0xF;
	[tilespmem:s4+$0x1A0] =	vst v4;
	v4 =	vmul.f32 v59, v56  }
0x15f: {  	v62 =	vld [tilespmem:s4+$0x1E0]  }
0x160: {  	v63 =	vld [tilespmem:s4+$0x1F0];
	[tilespmem:s4+$0x1B0] =	vst v4;
	v4 =	vmul.f32 v60, v3;
	_ =	sdelay $0x1  }
0x161: {  	p0 =	sne.s32 s5, $0x1C0;
	[tilespmem:s4+$0x1C0] =	vst v4;
	v4 =	vmul.f32 v61, v3  }
.Ltmp3:
0x162: {  	_ = 	snop;
	(pc) =	sbr.rel @p0 .LBB2_9-.Ltmp3, $4  }
0x163: {  	[tilespmem:s4+$0x1D0] =	vst v4;
	v4 =	vmul.f32 v62, v3  }
0x164: {  	v3 =	vmul.f32 v63, v3  }
0x165: {  	[tilespmem:s4+$0x1E0] =	vst v4  }
0x166: {  	s5 =	sadd.s32 $0x40, s5;
	[tilespmem:s4+$0x1F0] =	vst v3;
	s4 =	sadd.s32 $0x400, s4  }
0x167: {  	s30 =	sadd.s32 $0x1, s30  }
0x168: {  	s3 =	sshll.u32 s3, $0x4;
	p0 =	sne.s32 s30, $0x5  }
.Ltmp4:
0x169: {  	s3 =	sadd.s32 s3, s9;
	(pc) =	sbr.rel @p0 .LBB2_8-.Ltmp4, $4  }
0x16a: {  	[hbm4b:s3+s1] =	stream.strided.scatter [tilespmem:s0], [sflag:$0x5], $0x2000, s12, s1, $0x200038;
	[tilespmem:$0x1D710] =	vst v63  }
0x16b: {  	_ =	swait.ge [sflag:s11], $0x2000  }
0x16c: {  	[sflag:s11] =	ssyncset.done $0x0  }
0x16d: {  	s31 =	sadd.s32 $0x80, s31;
	[sflag:s11] =	ssyncadd.s32 $0xFFFFE000  }
0x16e: {  	_ =	strace $0x9000004A  }
0x16f: {  	s3 =	simm.s32 $0x0;
	[bflag:$0x0] =	sbarrier.arrive $0xFFFF  }
0x170: {  	v5 =	vld [tilespmem:s3+$0x0]  }
0x171: {  	v4 =	vld [tilespmem:s3+$0x10]  }
0x172: {  	v3 =	vld [tilespmem:s3+$0x20]  }
0x173: {  	s4 =	simm.s32 $0x140;
	v2 =	vld [tilespmem:s3+$0x30]  }
.LBB2_12:
0x174: {  	p0 =	sne.s32 s4, $0x13740;
	v6 =	vld [tilespmem:s3+$0x40]  }
0x175: {  	v5 =	vadd.s32 $0x1, v5  }
.Ltmp5:
0x176: {  	s5 =	sshra.s32 s4, $0x2;
	[tilespmem:s3+$0x0] =	vst v5;
	v4 =	vadd.s32 $0x1, v4;
	(pc) =	sbr.rel @p0 .LBB2_12-.Ltmp5, $4  }
0x177: {  	v5 =	vld [tilespmem:s5+$0x0];
	[tilespmem:s3+$0x10] =	vst v4;
	v3 =	vadd.s32 $0x1, v3  }
0x178: {  	v4 =	vld [tilespmem:s5+$0x10];
	[tilespmem:s3+$0x20] =	vst v3;
	v2 =	vadd.s32 $0x1, v2  }
0x179: {  	v3 =	vld [tilespmem:s5+$0x20];
	[tilespmem:s3+$0x30] =	vst v2;
	v6 =	vadd.s32 $0x1, v6  }
0x17a: {  	s4 =	sadd.s32 $0x140, s4;
	v2 =	vld [tilespmem:s5+$0x30];
	[tilespmem:s3+$0x40] =	vst v6;
	s3 =	smov.u32 s5  }
0x17b: {  	v6 =	vld [tilespmem:s3+$0x40]  }
0x17c: {  	v5 =	vadd.s32 $0x1, v5  }
0x17d: {  	[tilespmem:s3+$0x0] =	vst v5;
	v4 =	vadd.s32 $0x1, v4  }
0x17e: {  	[tilespmem:s3+$0x10] =	vst v4;
	v3 =	vadd.s32 $0x1, v3  }
0x17f: {  	[tilespmem:s3+$0x20] =	vst v3;
	v2 =	vadd.s32 $0x1, v2  }
0x180: {  	[tilespmem:s3+$0x30] =	vst v2;
	v2 =	vadd.s32 $0x1, v6  }
0x181: {  	[tilespmem:s3+$0x40] =	vst v2  }
0x182: {  	[spmem:s15], [sflag:s14] =	dma.local [hbm:s24], $0x1400  }
0x183: {  	_ =	swait.ge [sflag:s11], $0x1400  }
0x184: {  	[sflag:s11] =	ssyncset.done $0x0  }
0x185: {  	s5 =	simm.s32 $0x0;
	[sflag:s11] =	ssyncadd.s32 $0xFFFFEC00  }
0x186: {  	[tilespmem:s17], [sflag:$0x1] =	stream.indirect.gather [hbm4b:s7+s16], $0x40, s5, s16, $0xb8;
	[tilespmem:$0x1D710] =	vst v63  }
0x187: {  	_ = 	snop  }
0x188: {  	[tilespmem:s18], [sflag:$0x2] =	stream.indirect.gather [hbm4b:s7+s16], $0x40, s16, s16, $0xb8;
	[tilespmem:$0x1D710] =	vst v63  }
0x189: {  	[bflag:$0x0] =	sbarrier.arrive $0xFFFF  }
0x18a: {  	_ =	strace $0x8000004B  }
0x18b: {  	_ =	swait.ge [sflag:s19], $0x1400  }
0x18c: {  	[sflag:s19] =	ssyncset.done $0x0  }
0x18d: {  	s8 =	simm.s32 $0x4E20;
	[sflag:s19] =	ssyncadd.s32 $0xFFFFEC00  }
0x18e: {  	[spmem:s2] =	stream.indirect.scatter.add.f32 [tilespmem:s17], [sflag:$0x3], $0x40, s8, s16, $0x2000b8;
	[tilespmem:$0x1D710] =	vst v63  }
0x18f: {  	_ =	swait.ge [sflag:s21], $0x1400  }
0x190: {  	[sflag:s21] =	ssyncset.done $0x0  }
0x191: {  	s30 =	simm.s32 $0xA0;
	[sflag:s21] =	ssyncadd.s32 $0xFFFFEC00  }
0x192: {  	[tilespmem:s17], [sflag:$0x1] =	stream.indirect.gather [hbm4b:s7+s16], $0x40, s30, s16, $0x2000b8;
	[tilespmem:$0x1D710] =	vst v63  }
0x193: {  	_ =	swait.ge [sflag:s23], $0x1400  }
0x194: {  	[sflag:s23] =	ssyncset.done $0x0  }
0x195: {  	s31 =	simm.s32 $0x4E70;
	[sflag:s23] =	ssyncadd.s32 $0xFFFFEC00  }
0x196: {  	[spmem:s2] =	stream.indirect.scatter.add.f32 [tilespmem:s18], [sflag:$0x4], $0x40, s31, s16, $0x2000b8;
	[tilespmem:$0x1D710] =	vst v63  }
0x197: {  	_ =	swait.ge [sflag:s25], $0x1400  }
0x198: {  	[sflag:s25] =	ssyncset.done $0x0  }
0x199: {  	s4 =	simm.s32 $0xF0;
	s3 =	simm.s32 $0x280;
	[sflag:s25] =	ssyncadd.s32 $0xFFFFEC00  }
.LBB2_14:
0x19a: {  	[tilespmem:s18], [sflag:$0x2] =	stream.indirect.gather [hbm4b:s7+s16], $0x40, s4, s16, $0x2000b8;
	[tilespmem:$0x1D710] =	vst v63  }
0x19b: {  	s4 =	smov.u32 s3  }
0x19c: {  	p0 =	sne.s32 s3, $0x13380;
	s3 =	sadd.s32 $0x280, s3;
	_ =	swait.ge [sflag:s19], $0x1400  }
0x19d: {  	s4 =	sshra.s32 s4, $0x2;
	[sflag:s19] =	ssyncset.done $0x0  }
0x19e: {  	s5 =	sadd.s32 $0x4E20, s4;
	[sflag:s19] =	ssyncadd.s32 $0xFFFFEC00  }
0x19f: {  	[spmem:s2] =	stream.indirect.scatter.add.f32 [tilespmem:s17], [sflag:$0x3], $0x40, s5, s16, $0x2000b8;
	[tilespmem:$0x1D710] =	vst v63  }
0x1a0: {  	_ =	swait.ge [sflag:s21], $0x1400  }
0x1a1: {  	[sflag:s21] =	ssyncset.done $0x0  }
0x1a2: {  	s5 =	sadd.s32 $0xA0, s4;
	[sflag:s21] =	ssyncadd.s32 $0xFFFFEC00  }
0x1a3: {  	[tilespmem:s17], [sflag:$0x1] =	stream.indirect.gather [hbm4b:s7+s16], $0x40, s5, s16, $0x2000b8;
	[tilespmem:$0x1D710] =	vst v63  }
0x1a4: {  	_ =	swait.ge [sflag:s23], $0x1400  }
0x1a5: {  	[sflag:s23] =	ssyncset.done $0x0  }
.Ltmp6:
0x1a6: {  	s5 =	sadd.s32 $0x4E70, s4;
	[sflag:s23] =	ssyncadd.s32 $0xFFFFEC00;
	(pc) =	sbr.rel @p0 .LBB2_14-.Ltmp6, $4  }
0x1a7: {  	[spmem:s2] =	stream.indirect.scatter.add.f32 [tilespmem:s18], [sflag:$0x4], $0x40, s5, s16, $0x2000b8;
	[tilespmem:$0x1D710] =	vst v63  }
0x1a8: {  	_ =	swait.ge [sflag:s25], $0x1400  }
0x1a9: {  	[sflag:s25] =	ssyncset.done $0x0  }
0x1aa: {  	s4 =	sadd.s32 $0xF0, s4;
	[sflag:s25] =	ssyncadd.s32 $0xFFFFEC00  }
0x1ab: {  	[tilespmem:s18], [sflag:$0x2] =	stream.indirect.gather [hbm4b:s7+s16], $0x40, s4, s16, $0x2000b8;
	[tilespmem:$0x1D710] =	vst v63  }
0x1ac: {  	_ =	swait.ge [sflag:s19], $0x1400  }
0x1ad: {  	[sflag:s19] =	ssyncset.done $0x0  }
0x1ae: {  	[sflag:s19] =	ssyncadd.s32 $0xFFFFEC00  }
0x1af: {  	[spmem:s2] =	stream.indirect.scatter.add.f32 [tilespmem:s17], [sflag:$0x3], $0x40, s26, s16, $0x2000b8;
	[tilespmem:$0x1D710] =	vst v63  }
0x1b0: {  	_ =	swait.ge [sflag:s21], $0x1400  }
0x1b1: {  	[sflag:s21] =	ssyncset.done $0x0  }
0x1b2: {  	[sflag:s21] =	ssyncadd.s32 $0xFFFFEC00  }
0x1b3: {  	_ =	swait.ge [sflag:s23], $0x1400  }
0x1b4: {  	[sflag:s23] =	ssyncset.done $0x0  }
0x1b5: {  	[sflag:s23] =	ssyncadd.s32 $0xFFFFEC00  }
0x1b6: {  	[spmem:s2] =	stream.indirect.scatter.add.f32 [tilespmem:s18], [sflag:$0x4], $0x40, s28, s16, $0x2000b8;
	[tilespmem:$0x1D710] =	vst v63  }
0x1b7: {  	_ =	swait.ge [sflag:s25], $0x1400  }
0x1b8: {  	[sflag:s25] =	ssyncset.done $0x0  }
0x1b9: {  	[sflag:s25] =	ssyncadd.s32 $0xFFFFEC00  }
0x1ba: {  	_ =	strace $0x9000004B  }
0x1bb: {  	[bflag:$0x0] =	sbarrier.arrive $0xFFFF  }
0x1bc: {  	s30 =	simm.s32 $0x0;
	s31 =	simm.s32 $0x11450;
	_ =	strace $0x8000004C  }
.LBB2_16:
0x1bd: {  	s3 =	sshll.u32 s30, $0x7  }
0x1be: {  	s3 =	sadd.s32 s6, s3  }
0x1bf: {  	s4 =	sshll.u32 s3, $0x6  }
0x1c0: {  	s4 =	sand.u32 $0x3FFFFFC0, s4  }
0x1c1: {  	s4 =	sadd.s32 s4, s2  }
0x1c2: {  	v2 =	vmov s31;
	[tilespmem:s0], [sflag:$0x5] =	stream.linear.gather [spmem:s4], $0x2000, $0x200038;
	[tilespmem:$0x1D710] =	vst v63  }
0x1c3: {  	_ =	swait.ge [sflag:s11], $0x2000  }
0x1c4: {  	[sflag:s11] =	ssyncset.done $0x0  }
0x1c5: {  	s5 =	simm.s32 $0x0;
	s4 =	simm.s32 $0x118D0;
	[sflag:s11] =	ssyncadd.s32 $0xFFFFE000  }
.LBB2_17:
0x1c6: {  	s8 =	sshra.s32 s5, $0x2  }
0x1c7: {  	v3 =	vld.idx.msk [tilespmem:v2+s8+$0x0 ss:$0x1], $0xffff;
	_ =	sdelay $0x1  }
0x1c8: {  	v4 =	vld [tilespmem:s4+$0xFFFFFE00];
	_ =	sdelay $0x1  }
0x1c9: {  	v43 =	vld [tilespmem:s4+$0xFFFFFE10]  }
0x1ca: {  	v5 =	vbroadcast v3, $0x0  }
0x1cb: {  	v44 =	vld [tilespmem:s4+$0xFFFFFE20]  }
0x1cc: {  	v4 =	vmul.f32 v5, v4  }
0x1cd: {  	v45 =	vld [tilespmem:s4+$0xFFFFFE30]  }
0x1ce: {  	[tilespmem:s4+$0xFFFFFE00] =	vst v4;
	v4 =	vmul.f32 v43, v5  }
0x1cf: {  	v46 =	vld [tilespmem:s4+$0xFFFFFE40]  }
0x1d0: {  	[tilespmem:s4+$0xFFFFFE10] =	vst v4;
	v4 =	vmul.f32 v44, v5  }
0x1d1: {  	v48 =	vld [tilespmem:s4+$0xFFFFFE50]  }
0x1d2: {  	v47 =	vbroadcast v3, $0x1;
	[tilespmem:s4+$0xFFFFFE20] =	vst v4;
	v4 =	vmul.f32 v45, v5  }
0x1d3: {  	v49 =	vld [tilespmem:s4+$0xFFFFFE60]  }
0x1d4: {  	[tilespmem:s4+$0xFFFFFE30] =	vst v4;
	v4 =	vmul.f32 v46, v47  }
0x1d5: {  	v50 =	vld [tilespmem:s4+$0xFFFFFE70]  }
0x1d6: {  	[tilespmem:s4+$0xFFFFFE40] =	vst v4;
	v4 =	vmul.f32 v48, v47  }
0x1d7: {  	v51 =	vld [tilespmem:s4+$0xFFFFFE80]  }
0x1d8: {  	[tilespmem:s4+$0xFFFFFE50] =	vst v4;
	v4 =	vmul.f32 v49, v47  }
0x1d9: {  	v53 =	vld [tilespmem:s4+$0xFFFFFE90]  }
0x1da: {  	v52 =	vbroadcast v3, $0x2;
	[tilespmem:s4+$0xFFFFFE60] =	vst v4;
	v4 =	vmul.f32 v50, v47  }
0x1db: {  	v54 =	vld [tilespmem:s4+$0xFFFFFEA0]  }
0x1dc: {  	[tilespmem:s4+$0xFFFFFE70] =	vst v4;
	v4 =	vmul.f32 v51, v52  }
0x1dd: {  	v55 =	vld [tilespmem:s4+$0xFFFFFEB0]  }
0x1de: {  	[tilespmem:s4+$0xFFFFFE80] =	vst v4;
	v4 =	vmul.f32 v53, v52  }
0x1df: {  	v56 =	vld [tilespmem:s4+$0xFFFFFEC0]  }
0x1e0: {  	[tilespmem:s4+$0xFFFFFE90] =	vst v4;
	v4 =	vmul.f32 v54, v52  }
0x1e1: {  	v58 =	vld [tilespmem:s4+$0xFFFFFED0]  }
0x1e2: {  	v57 =	vbroadcast v3, $0x3;
	[tilespmem:s4+$0xFFFFFEA0] =	vst v4;
	v4 =	vmul.f32 v55, v52  }
0x1e3: {  	v59 =	vld [tilespmem:s4+$0xFFFFFEE0]  }
0x1e4: {  	[tilespmem:s4+$0xFFFFFEB0] =	vst v4;
	v4 =	vmul.f32 v56, v57  }
0x1e5: {  	v60 =	vld [tilespmem:s4+$0xFFFFFEF0]  }
0x1e6: {  	[tilespmem:s4+$0xFFFFFEC0] =	vst v4;
	v4 =	vmul.f32 v58, v57  }
0x1e7: {  	v61 =	vld [tilespmem:s4+$0xFFFFFF00]  }
0x1e8: {  	[tilespmem:s4+$0xFFFFFED0] =	vst v4;
	v4 =	vmul.f32 v59, v57  }
0x1e9: {  	v63 =	vld [tilespmem:s4+$0xFFFFFF10]  }
0x1ea: {  	v62 =	vbroadcast v3, $0x4;
	[tilespmem:s4+$0xFFFFFEE0] =	vst v4;
	v4 =	vmul.f32 v60, v57  }
0x1eb: {  	v8 =	vld [tilespmem:s4+$0xFFFFFF20]  }
0x1ec: {  	[tilespmem:s4+$0xFFFFFEF0] =	vst v4;
	v4 =	vmul.f32 v61, v62  }
0x1ed: {  	v9 =	vld [tilespmem:s4+$0xFFFFFF30]  }
0x1ee: {  	[tilespmem:s4+$0xFFFFFF00] =	vst v4;
	v4 =	vmul.f32 v63, v62  }
0x1ef: {  	v10 =	vld [tilespmem:s4+$0xFFFFFF40]  }
0x1f0: {  	[tilespmem:s4+$0xFFFFFF10] =	vst v4;
	v4 =	vmul.f32 v8, v62  }
0x1f1: {  	v12 =	vld [tilespmem:s4+$0xFFFFFF50]  }
0x1f2: {  	v11 =	vbroadcast v3, $0x5;
	[tilespmem:s4+$0xFFFFFF20] =	vst v4;
	v4 =	vmul.f32 v9, v62  }
0x1f3: {  	v13 =	vld [tilespmem:s4+$0xFFFFFF60]  }
0x1f4: {  	[tilespmem:s4+$0xFFFFFF30] =	vst v4;
	v4 =	vmul.f32 v10, v11  }
0x1f5: {  	v14 =	vld [tilespmem:s4+$0xFFFFFF70]  }
0x1f6: {  	[tilespmem:s4+$0xFFFFFF40] =	vst v4;
	v4 =	vmul.f32 v12, v11  }
0x1f7: {  	v15 =	vld [tilespmem:s4+$0xFFFFFF80]  }
0x1f8: {  	[tilespmem:s4+$0xFFFFFF50] =	vst v4;
	v4 =	vmul.f32 v13, v11  }
0x1f9: {  	v17 =	vld [tilespmem:s4+$0xFFFFFF90]  }
0x1fa: {  	v16 =	vbroadcast v3, $0x6;
	[tilespmem:s4+$0xFFFFFF60] =	vst v4;
	v4 =	vmul.f32 v14, v11  }
0x1fb: {  	v18 =	vld [tilespmem:s4+$0xFFFFFFA0]  }
0x1fc: {  	[tilespmem:s4+$0xFFFFFF70] =	vst v4;
	v4 =	vmul.f32 v15, v16  }
0x1fd: {  	v19 =	vld [tilespmem:s4+$0xFFFFFFB0]  }
0x1fe: {  	[tilespmem:s4+$0xFFFFFF80] =	vst v4;
	v4 =	vmul.f32 v17, v16  }
0x1ff: {  	v20 =	vld [tilespmem:s4+$0xFFFFFFC0]  }
0x200: {  	[tilespmem:s4+$0xFFFFFF90] =	vst v4;
	v4 =	vmul.f32 v18, v16  }
0x201: {  	v22 =	vld [tilespmem:s4+$0xFFFFFFD0]  }
0x202: {  	v21 =	vbroadcast v3, $0x7;
	[tilespmem:s4+$0xFFFFFFA0] =	vst v4;
	v4 =	vmul.f32 v19, v16  }
0x203: {  	v23 =	vld [tilespmem:s4+$0xFFFFFFE0]  }
0x204: {  	[tilespmem:s4+$0xFFFFFFB0] =	vst v4;
	v4 =	vmul.f32 v20, v21  }
0x205: {  	v24 =	vld [tilespmem:s4+$0xFFFFFFF0]  }
0x206: {  	[tilespmem:s4+$0xFFFFFFC0] =	vst v4;
	v4 =	vmul.f32 v22, v21  }
0x207: {  	v25 =	vld [tilespmem:s4+$0x0]  }
0x208: {  	[tilespmem:s4+$0xFFFFFFD0] =	vst v4;
	v4 =	vmul.f32 v23, v21  }
0x209: {  	v27 =	vld [tilespmem:s4+$0x10]  }
0x20a: {  	v26 =	vbroadcast v3, $0x8;
	[tilespmem:s4+$0xFFFFFFE0] =	vst v4;
	v4 =	vmul.f32 v24, v21  }
0x20b: {  	v28 =	vld [tilespmem:s4+$0x20]  }
0x20c: {  	[tilespmem:s4+$0xFFFFFFF0] =	vst v4;
	v4 =	vmul.f32 v25, v26  }
0x20d: {  	v29 =	vld [tilespmem:s4+$0x30]  }
0x20e: {  	[tilespmem:s4+$0x0] =	vst v4;
	v4 =	vmul.f32 v27, v26  }
0x20f: {  	v30 =	vld [tilespmem:s4+$0x40]  }
0x210: {  	[tilespmem:s4+$0x10] =	vst v4;
	v4 =	vmul.f32 v28, v26  }
0x211: {  	v32 =	vld [tilespmem:s4+$0x50]  }
0x212: {  	v31 =	vbroadcast v3, $0x9;
	[tilespmem:s4+$0x20] =	vst v4;
	v4 =	vmul.f32 v29, v26  }
0x213: {  	v33 =	vld [tilespmem:s4+$0x60]  }
0x214: {  	[tilespmem:s4+$0x30] =	vst v4;
	v4 =	vmul.f32 v30, v31  }
0x215: {  	v34 =	vld [tilespmem:s4+$0x70]  }
0x216: {  	[tilespmem:s4+$0x40] =	vst v4;
	v4 =	vmul.f32 v32, v31  }
0x217: {  	v35 =	vld [tilespmem:s4+$0x80]  }
0x218: {  	[tilespmem:s4+$0x50] =	vst v4;
	v4 =	vmul.f32 v33, v31  }
0x219: {  	v37 =	vld [tilespmem:s4+$0x90]  }
0x21a: {  	v36 =	vbroadcast v3, $0xA;
	[tilespmem:s4+$0x60] =	vst v4;
	v4 =	vmul.f32 v34, v31  }
0x21b: {  	v38 =	vld [tilespmem:s4+$0xA0]  }
0x21c: {  	[tilespmem:s4+$0x70] =	vst v4;
	v4 =	vmul.f32 v35, v36  }
0x21d: {  	v39 =	vld [tilespmem:s4+$0xB0]  }
0x21e: {  	[tilespmem:s4+$0x80] =	vst v4;
	v4 =	vmul.f32 v37, v36  }
0x21f: {  	v40 =	vld [tilespmem:s4+$0xC0]  }
0x220: {  	[tilespmem:s4+$0x90] =	vst v4;
	v4 =	vmul.f32 v38, v36  }
0x221: {  	v42 =	vld [tilespmem:s4+$0xD0]  }
0x222: {  	v41 =	vbroadcast v3, $0xB;
	[tilespmem:s4+$0xA0] =	vst v4;
	v4 =	vmul.f32 v39, v36  }
0x223: {  	v43 =	vld [tilespmem:s4+$0xE0]  }
0x224: {  	[tilespmem:s4+$0xB0] =	vst v4;
	v4 =	vmul.f32 v40, v41  }
0x225: {  	v44 =	vld [tilespmem:s4+$0xF0]  }
0x226: {  	[tilespmem:s4+$0xC0] =	vst v4;
	v4 =	vmul.f32 v42, v41  }
0x227: {  	v45 =	vld [tilespmem:s4+$0x100]  }
0x228: {  	[tilespmem:s4+$0xD0] =	vst v4;
	v4 =	vmul.f32 v43, v41  }
0x229: {  	v47 =	vld [tilespmem:s4+$0x110]  }
0x22a: {  	v46 =	vbroadcast v3, $0xC;
	[tilespmem:s4+$0xE0] =	vst v4;
	v4 =	vmul.f32 v44, v41  }
0x22b: {  	v48 =	vld [tilespmem:s4+$0x120]  }
0x22c: {  	[tilespmem:s4+$0xF0] =	vst v4;
	v4 =	vmul.f32 v45, v46  }
0x22d: {  	v49 =	vld [tilespmem:s4+$0x130]  }
0x22e: {  	[tilespmem:s4+$0x100] =	vst v4;
	v4 =	vmul.f32 v47, v46  }
0x22f: {  	v50 =	vld [tilespmem:s4+$0x140]  }
0x230: {  	[tilespmem:s4+$0x110] =	vst v4;
	v4 =	vmul.f32 v48, v46  }
0x231: {  	v52 =	vld [tilespmem:s4+$0x150]  }
0x232: {  	v51 =	vbroadcast v3, $0xD;
	[tilespmem:s4+$0x120] =	vst v4;
	v4 =	vmul.f32 v49, v46  }
0x233: {  	v53 =	vld [tilespmem:s4+$0x160]  }
0x234: {  	[tilespmem:s4+$0x130] =	vst v4;
	v4 =	vmul.f32 v50, v51  }
0x235: {  	v54 =	vld [tilespmem:s4+$0x170]  }
0x236: {  	[tilespmem:s4+$0x140] =	vst v4;
	v4 =	vmul.f32 v52, v51  }
0x237: {  	v55 =	vld [tilespmem:s4+$0x180]  }
0x238: {  	[tilespmem:s4+$0x150] =	vst v4;
	v4 =	vmul.f32 v53, v51  }
0x239: {  	v57 =	vld [tilespmem:s4+$0x190]  }
0x23a: {  	v56 =	vbroadcast v3, $0xE;
	[tilespmem:s4+$0x160] =	vst v4;
	v4 =	vmul.f32 v54, v51  }
0x23b: {  	v58 =	vld [tilespmem:s4+$0x1A0]  }
0x23c: {  	[tilespmem:s4+$0x170] =	vst v4;
	v4 =	vmul.f32 v55, v56  }
0x23d: {  	v59 =	vld [tilespmem:s4+$0x1B0]  }
0x23e: {  	[tilespmem:s4+$0x180] =	vst v4;
	v4 =	vmul.f32 v57, v56  }
0x23f: {  	v60 =	vld [tilespmem:s4+$0x1C0]  }
0x240: {  	[tilespmem:s4+$0x190] =	vst v4;
	v4 =	vmul.f32 v58, v56  }
0x241: {  	v61 =	vld [tilespmem:s4+$0x1D0]  }
0x242: {  	v3 =	vbroadcast v3, $0xF;
	[tilespmem:s4+$0x1A0] =	vst v4;
	v4 =	vmul.f32 v59, v56  }
0x243: {  	v62 =	vld [tilespmem:s4+$0x1E0]  }
0x244: {  	v63 =	vld [tilespmem:s4+$0x1F0];
	[tilespmem:s4+$0x1B0] =	vst v4;
	v4 =	vmul.f32 v60, v3;
	_ =	sdelay $0x1  }
0x245: {  	p0 =	sne.s32 s5, $0x1C0;
	[tilespmem:s4+$0x1C0] =	vst v4;
	v4 =	vmul.f32 v61, v3  }
.Ltmp7:
0x246: {  	_ = 	snop;
	(pc) =	sbr.rel @p0 .LBB2_17-.Ltmp7, $4  }
0x247: {  	[tilespmem:s4+$0x1D0] =	vst v4;
	v4 =	vmul.f32 v62, v3  }
0x248: {  	v3 =	vmul.f32 v63, v3  }
0x249: {  	[tilespmem:s4+$0x1E0] =	vst v4  }
0x24a: {  	s5 =	sadd.s32 $0x40, s5;
	[tilespmem:s4+$0x1F0] =	vst v3;
	s4 =	sadd.s32 $0x400, s4  }
0x24b: {  	s3 =	sshll.u32 s3, $0x4;
	s30 =	sadd.s32 $0x1, s30  }
0x24c: {  	s3 =	sadd.s32 s3, s9;
	p0 =	sne.s32 s30, $0x5  }
.Ltmp8:
0x24d: {  	s3 =	sadd.s32 $0x8, s3;
	(pc) =	sbr.rel @p0 .LBB2_16-.Ltmp8, $4  }
0x24e: {  	[hbm4b:s3+s1] =	stream.strided.scatter [tilespmem:s0], [sflag:$0x5], $0x2000, s12, s1, $0x200038;
	[tilespmem:$0x1D710] =	vst v63  }
0x24f: {  	_ =	swait.ge [sflag:s11], $0x2000  }
0x250: {  	[sflag:s11] =	ssyncset.done $0x0  }
0x251: {  	s31 =	sadd.s32 $0x80, s31;
	[sflag:s11] =	ssyncadd.s32 $0xFFFFE000  }
0x252: {  	s29 =	sadd.s32 $0x1, s29  }
0x253: {  	p0 =	sne.s32 s29, s10  }
.Ltmp9:
0x254: {  	_ = 	snop;
	(pc) =	sbr.rel @p0 .LBB2_1-.Ltmp9, $2  }
0x255: {  	_ =	sdelay $0x2  }
0x256: {  	_ =	strace $0x9000004C  }
0x257: {  	_ =	sfence.sel $0x180000  }
0x258: {  	[bflag:$0x0] =	sbarrier.arrive $0xFFFF  }
0x259: {  	_ =	strace $0x90000047  }
0x25a: {  	s0 =	stileid.u32;
	[bflag:$0x2] =	sbarrier.arrive $0xFFFF  }
0x25b: {  	p0 =	sne.s32 s0, $0x0;
	s0 =	rddreg [dreg:$0x3]  }
0x25c: {  	s0 =	sadd.s32 @!p0 $0x100000, s0  }
0x25d: {  	[sflag:s0] =	ssyncadd.tile.s32 @!p0 $0x1;
	_ =	shalt  }
.Lfunc_end2:
_tile_overlayer_lowered:
.L_overlay_start_2:
0x25e: {  	(tag) =	ssettag $0x2  }
0x25f: {  	s0 =	rddreg [dreg:$0x0];
	s2 =	stileid.u32  }
0x260: {  	s1 =	rddreg [dreg:$0x1];
	p0 =	sne.s32 s2, $0x0  }
0x261: {  	s3 =	rddreg [dreg:$0x2];
	[bflag:$0x3] =	sbarrier.arrive $0xFFFF;
	s2 =	simm.s32 @!p0 $0x1C05  }
0x262: {  	[timem:s3], [sflag:s2] =	dma.local @!p0 [hbm:s0], s1  }
0x263: {  	s0 =	simm.s32 @!p0 $0x5  }
0x264: {  	_ =	swait.ge @!p0 [sflag:s0], s1  }
0x265: {  	s1 =	ssub.s32 @!p0 $0x0, s1;
	[sflag:s0] =	ssyncset.done @!p0 $0x0  }
0x266: {  	[sflag:s0] =	ssyncadd.s32 @!p0 s1  }
0x267: {  	[bflag:$0x3] =	sbarrier.arrive $0xFFFF  }
0x268: {  	_ =	shalt  }

</sc_bundles>
